<compile_context>
chip_gen: v7x
topology: tpu7x:2x2x1
jax: 0.10.2.dev20260603
libtpu: 0.0.44.dev20260713+nightly
codegen_flags: <defaults>
</compile_context>

<pallas_src>
import functools

import jax
import jax.numpy as jnp
from jax import lax
from jax.experimental import pallas as pl
from jax.experimental.pallas import tpu as pltpu
from jax.experimental.pallas import tpu_sc as plsc

NUM_CORES = 2
NUM_SUBCORES = 16
NUM_WORKERS = NUM_CORES * NUM_SUBCORES
BATCH = 16384
EMBED_DIM = 64
BPW = BATCH // NUM_WORKERS
CHUNK = 128
NCHUNK = BPW // CHUNK
IDX_ROWS_PER_W = BPW // CHUNK


def _sc_body(head_h, rel_h, tail_h, ent_h, relemb_h, out_h,
             hidx, ridx, tidx, hrows, rrows, trows, outv, sem):
    wid = lax.axis_index("s") * NUM_CORES + lax.axis_index("c")
    rbase = wid * IDX_ROWS_PER_W

    pltpu.sync_copy(head_h.at[pl.ds(rbase, IDX_ROWS_PER_W)], hidx)
    pltpu.sync_copy(rel_h.at[pl.ds(rbase, IDX_ROWS_PER_W)], ridx)
    pltpu.sync_copy(tail_h.at[pl.ds(rbase, IDX_ROWS_PER_W)], tidx)

    cps = []
    for j in range(NCHUNK):
        cps.append(pltpu.async_copy(
            ent_h.at[hidx.at[j]], hrows.at[pl.ds(j * CHUNK, CHUNK)], sem))
        cps.append(pltpu.async_copy(
            relemb_h.at[ridx.at[j]], rrows.at[pl.ds(j * CHUNK, CHUNK)], sem))
        cps.append(pltpu.async_copy(
            ent_h.at[tidx.at[j]], trows.at[pl.ds(j * CHUNK, CHUNK)], sem))
    for cp in cps:
        cp.wait()

    lanes = lax.iota(jnp.int32, 16)
    dnums = lax.GatherDimensionNumbers(
        offset_dims=(), collapsed_slice_dims=(0,), start_index_map=(0,))

    def lane_sum(v):
        for s in (8, 4, 2, 1):
            perm = lax.gather(
                v, (lanes ^ s)[:, None], dimension_numbers=dnums,
                slice_sizes=(1,),
                mode=lax.GatherScatterMode.PROMISE_IN_BOUNDS)
            v = v + perm
        return v

    def group(g, carry):
        base = g * 16
        scores = jnp.zeros((16,), jnp.float32)
        for j in range(16):
            b = base + j
            acc = (hrows[b, pl.ds(0, 16)] * rrows[b, pl.ds(0, 16)]
                   * trows[b, pl.ds(0, 16)])
            for c in range(1, EMBED_DIM // 16):
                acc = acc + (hrows[b, pl.ds(c * 16, 16)]
                             * rrows[b, pl.ds(c * 16, 16)]
                             * trows[b, pl.ds(c * 16, 16)])
            scores = jnp.where(lanes == j, lane_sum(acc), scores)
        outv[pl.ds(base, 16)] = scores
        return carry

    lax.fori_loop(0, BPW // 16, group, 0)

    pltpu.sync_copy(outv, out_h.at[pl.ds(wid * BPW, BPW)])


@jax.jit
def kernel(head, relation, tail, entity_embeddings, relation_embeddings):
    h = head.astype(jnp.int32).reshape(BATCH // CHUNK, CHUNK)
    r = relation.astype(jnp.int32).reshape(BATCH // CHUNK, CHUNK)
    t = tail.astype(jnp.int32).reshape(BATCH // CHUNK, CHUNK)

    mesh = plsc.VectorSubcoreMesh(core_axis_name="c", subcore_axis_name="s")
    run = functools.partial(
        pl.kernel,
        mesh=mesh,
        compiler_params=pltpu.CompilerParams(use_tc_tiling_on_sc=False),
        out_type=jax.ShapeDtypeStruct((BATCH,), jnp.float32),
        scratch_types=[
            pltpu.VMEM((IDX_ROWS_PER_W, CHUNK), jnp.int32),
            pltpu.VMEM((IDX_ROWS_PER_W, CHUNK), jnp.int32),
            pltpu.VMEM((IDX_ROWS_PER_W, CHUNK), jnp.int32),
            pltpu.VMEM((BPW, EMBED_DIM), jnp.float32),
            pltpu.VMEM((BPW, EMBED_DIM), jnp.float32),
            pltpu.VMEM((BPW, EMBED_DIM), jnp.float32),
            pltpu.VMEM((BPW,), jnp.float32),
            pltpu.SemaphoreType.DMA,
        ],
    )(_sc_body)
    return run(h, r, t, entity_embeddings, relation_embeddings)

# --- scband reference (transcript-rebuilt; emitter-appended) ---
"""Pipeline reference for scband-dist-mult-90271622627870 (READ-ONLY COPY).

The authoritative reference and input builder live on the scoring server;
editing this copy changes nothing except your own understanding.
"""

import jax, jax.numpy as jnp
import numpy as np

NUM_ENTITIES = 1000000
NUM_RELATIONS = 1000
EMBED_DIM = 64
BATCH = 16384

def _xavier_uniform(key, shape):
    fan_in, fan_out = shape[0], shape[1]
    limit = float(np.sqrt(6.0 / (fan_in + fan_out)))
    return jax.random.uniform(key, shape, dtype=jnp.float32, minval=-limit, maxval=limit)

def setup_inputs(seed: int = 0) -> dict:
    key = jax.random.key(seed)
    k_h, k_r, k_t, k_e, k_rel = jax.random.split(key, 5)
    head = jax.random.randint(k_h, (BATCH,), 0, NUM_ENTITIES, dtype=jnp.int64)
    relation = jax.random.randint(k_r, (BATCH,), 0, NUM_RELATIONS, dtype=jnp.int64)
    tail = jax.random.randint(k_t, (BATCH,), 0, NUM_ENTITIES, dtype=jnp.int64)
    entity_embeddings = _xavier_uniform(k_e, (NUM_ENTITIES, EMBED_DIM))
    relation_embeddings = _xavier_uniform(k_rel, (NUM_RELATIONS, EMBED_DIM))
    return {
        "head": head,
        "relation": relation,
        "tail": tail,
        "entity_embeddings": entity_embeddings,
        "relation_embeddings": relation_embeddings,
    }

def reference(head, relation, tail, entity_embeddings, relation_embeddings):
    h = jnp.take(entity_embeddings, head, axis=0)
    r = jnp.take(relation_embeddings, relation, axis=0)
    t = jnp.take(entity_embeddings, tail, axis=0)
    score = (h * r * t).sum(axis=1)
    return score

if __name__ == "__main__":
    import jax
    _d = setup_inputs()
    print(jax.jit(kernel)(*tuple(_d.values())))

</pallas_src>

<mosaic_0001>
#map = affine_map<(d0, d1) -> (0, 0)>
#map1 = affine_map<(d0, d1) -> (0)>
module attributes {stable_mosaic.version = 14 : i64} {
  func.func @_sc_body(%arg0: i32, %arg1: i32, %arg2: memref<128x128xi32, #tpu.memory_space<hbm>>, %arg3: memref<128x128xi32, #tpu.memory_space<hbm>>, %arg4: memref<128x128xi32, #tpu.memory_space<hbm>>, %arg5: memref<1000000x64xf32, #tpu.memory_space<hbm>>, %arg6: memref<1000x64xf32, #tpu.memory_space<hbm>>, %arg7: memref<16384xf32, #tpu.memory_space<hbm>>, %arg8: memref<4x128xi32, #tpu.memory_space<vmem>>, %arg9: memref<4x128xi32, #tpu.memory_space<vmem>>, %arg10: memref<4x128xi32, #tpu.memory_space<vmem>>, %arg11: memref<512x64xf32, #tpu.memory_space<vmem>>, %arg12: memref<512x64xf32, #tpu.memory_space<vmem>>, %arg13: memref<512x64xf32, #tpu.memory_space<vmem>>, %arg14: memref<512xf32, #tpu.memory_space<vmem>>, %arg15: memref<!tpu.dma_semaphore, #tpu.memory_space<semaphore_mem>>) attributes {dimension_semantics = [#tpu.dimension_semantics<core_parallel>, #tpu.dimension_semantics<subcore_parallel>], iteration_bounds = array<i64: 2, 16>, scalar_prefetch = 0 : i64, scratch_operands = 8 : i64, tpu.core_type = #tpu.core_type<sc_vector_subcore>, window_params = [{transform_indices = #map}, {transform_indices = #map}, {transform_indices = #map}, {transform_indices = #map}, {transform_indices = #map}, {transform_indices = #map1}]} {
    %mul3A = arith.constant 2 : i32
    %mul3A_0 = arith.muli %arg1, %mul3A : i32
    %add3A = arith.addi %mul3A_0, %arg0 : i32
    %mul3A_1 = arith.constant 4 : i32
    %mul3A_2 = arith.muli %add3A, %mul3A_1 : i32
    "tpu.region"() ({
      %run_scoped3A = tpu.sem_alloc : memref<!tpu.dma_semaphore, #tpu.memory_space<semaphore_mem>>
      %dma_start3A_248 = arith.constant 0 : i32
      %dma_start3A_249 = tpu.memref_slice %arg2[%mul3A_2, %dma_start3A_248] : memref<128x128xi32, #tpu.memory_space<hbm>> -> memref<4x128xi32, #tpu.memory_space<hbm>>
      %dma_start3A_250 = arith.constant 0 : i32
      %dma_start3A_251 = tpu.memref_slice %arg2[%mul3A_2, %dma_start3A_250] : memref<128x128xi32, #tpu.memory_space<hbm>> -> memref<4x128xi32, #tpu.memory_space<hbm>>
      tpu.enqueue_dma source(%dma_start3A_251 : memref<4x128xi32, #tpu.memory_space<hbm>>) target(%arg8 : memref<4x128xi32, #tpu.memory_space<vmem>>) target_semaphore(%run_scoped3A : memref<!tpu.dma_semaphore, #tpu.memory_space<semaphore_mem>>)
      %dma_wait3A_252 = arith.constant 0 : i32
      %dma_wait3A_253 = tpu.memref_slice %arg2[%mul3A_2, %dma_wait3A_252] : memref<128x128xi32, #tpu.memory_space<hbm>> -> memref<4x128xi32, #tpu.memory_space<hbm>>
      %dma_wait3A_254 = arith.constant 0 : i32
      %dma_wait3A_255 = tpu.memref_slice %arg2[%mul3A_2, %dma_wait3A_254] : memref<128x128xi32, #tpu.memory_space<hbm>> -> memref<4x128xi32, #tpu.memory_space<hbm>>
      tpu.wait_dma2 semaphore(%run_scoped3A : memref<!tpu.dma_semaphore, #tpu.memory_space<semaphore_mem>>) src(%dma_wait3A_255 : memref<4x128xi32, #tpu.memory_space<hbm>>) dst(%arg8 : memref<4x128xi32, #tpu.memory_space<vmem>>)
      tpu.yield
    }) : () -> ()
    "tpu.region"() ({
      %run_scoped3A = tpu.sem_alloc : memref<!tpu.dma_semaphore, #tpu.memory_space<semaphore_mem>>
      %dma_start3A_248 = arith.constant 0 : i32
      %dma_start3A_249 = tpu.memref_slice %arg3[%mul3A_2, %dma_start3A_248] : memref<128x128xi32, #tpu.memory_space<hbm>> -> memref<4x128xi32, #tpu.memory_space<hbm>>
      %dma_start3A_250 = arith.constant 0 : i32
      %dma_start3A_251 = tpu.memref_slice %arg3[%mul3A_2, %dma_start3A_250] : memref<128x128xi32, #tpu.memory_space<hbm>> -> memref<4x128xi32, #tpu.memory_space<hbm>>
      tpu.enqueue_dma source(%dma_start3A_251 : memref<4x128xi32, #tpu.memory_space<hbm>>) target(%arg9 : memref<4x128xi32, #tpu.memory_space<vmem>>) target_semaphore(%run_scoped3A : memref<!tpu.dma_semaphore, #tpu.memory_space<semaphore_mem>>)
      %dma_wait3A_252 = arith.constant 0 : i32
      %dma_wait3A_253 = tpu.memref_slice %arg3[%mul3A_2, %dma_wait3A_252] : memref<128x128xi32, #tpu.memory_space<hbm>> -> memref<4x128xi32, #tpu.memory_space<hbm>>
      %dma_wait3A_254 = arith.constant 0 : i32
      %dma_wait3A_255 = tpu.memref_slice %arg3[%mul3A_2, %dma_wait3A_254] : memref<128x128xi32, #tpu.memory_space<hbm>> -> memref<4x128xi32, #tpu.memory_space<hbm>>
      tpu.wait_dma2 semaphore(%run_scoped3A : memref<!tpu.dma_semaphore, #tpu.memory_space<semaphore_mem>>) src(%dma_wait3A_255 : memref<4x128xi32, #tpu.memory_space<hbm>>) dst(%arg9 : memref<4x128xi32, #tpu.memory_space<vmem>>)
      tpu.yield
    }) : () -> ()
    "tpu.region"() ({
      %run_scoped3A = tpu.sem_alloc : memref<!tpu.dma_semaphore, #tpu.memory_space<semaphore_mem>>
      %dma_start3A_248 = arith.constant 0 : i32
      %dma_start3A_249 = tpu.memref_slice %arg4[%mul3A_2, %dma_start3A_248] : memref<128x128xi32, #tpu.memory_space<hbm>> -> memref<4x128xi32, #tpu.memory_space<hbm>>
      %dma_start3A_250 = arith.constant 0 : i32
      %dma_start3A_251 = tpu.memref_slice %arg4[%mul3A_2, %dma_start3A_250] : memref<128x128xi32, #tpu.memory_space<hbm>> -> memref<4x128xi32, #tpu.memory_space<hbm>>
      tpu.enqueue_dma source(%dma_start3A_251 : memref<4x128xi32, #tpu.memory_space<hbm>>) target(%arg10 : memref<4x128xi32, #tpu.memory_space<vmem>>) target_semaphore(%run_scoped3A : memref<!tpu.dma_semaphore, #tpu.memory_space<semaphore_mem>>)
      %dma_wait3A_252 = arith.constant 0 : i32
      %dma_wait3A_253 = tpu.memref_slice %arg4[%mul3A_2, %dma_wait3A_252] : memref<128x128xi32, #tpu.memory_space<hbm>> -> memref<4x128xi32, #tpu.memory_space<hbm>>
      %dma_wait3A_254 = arith.constant 0 : i32
      %dma_wait3A_255 = tpu.memref_slice %arg4[%mul3A_2, %dma_wait3A_254] : memref<128x128xi32, #tpu.memory_space<hbm>> -> memref<4x128xi32, #tpu.memory_space<hbm>>
      tpu.wait_dma2 semaphore(%run_scoped3A : memref<!tpu.dma_semaphore, #tpu.memory_space<semaphore_mem>>) src(%dma_wait3A_255 : memref<4x128xi32, #tpu.memory_space<hbm>>) dst(%arg10 : memref<4x128xi32, #tpu.memory_space<vmem>>)
      tpu.yield
    }) : () -> ()
    %dma_start3A = arith.constant 0 : i32
    %dma_start3A_3 = arith.constant 0 : i32
    %dma_start3A_4 = arith.constant 0 : i32
    %dma_start3A_5 = tpu.memref_slice %arg11[%dma_start3A_3, %dma_start3A_4] : memref<512x64xf32, #tpu.memory_space<vmem>> -> memref<128x64xf32, #tpu.memory_space<vmem>>
    %dma_start3A_6 = arith.constant 0 : i32
    %dma_start3A_7 = tpu.memref_slice %arg8[%dma_start3A, %dma_start3A_6] : memref<4x128xi32, #tpu.memory_space<vmem>> -> memref<1x128xi32, #tpu.memory_space<vmem>>
    %dma_start3A_8 = tpu.memref_squeeze %dma_start3A_7 : memref<1x128xi32, #tpu.memory_space<vmem>> -> memref<128xi32, #tpu.memory_space<vmem>>
    %dma_start3A_9 = arith.constant 0 : i32
    %dma_start3A_10 = arith.constant 0 : i32
    %dma_start3A_11 = tpu.memref_slice %arg5[%dma_start3A_9, %dma_start3A_10] : memref<1000000x64xf32, #tpu.memory_space<hbm>> -> memref<1000000x64xf32, #tpu.memory_space<hbm>>
    tpu.enqueue_indirect_dma source(%dma_start3A_11 : memref<1000000x64xf32, #tpu.memory_space<hbm>>) target(%dma_start3A_5 : memref<128x64xf32, #tpu.memory_space<vmem>>) offsets(%dma_start3A_8 : memref<128xi32, #tpu.memory_space<vmem>>) semaphore(%arg15 : memref<!tpu.dma_semaphore, #tpu.memory_space<semaphore_mem>>)
    %dma_start3A_12 = arith.constant 0 : i32
    %dma_start3A_13 = arith.constant 0 : i32
    %dma_start3A_14 = arith.constant 0 : i32
    %dma_start3A_15 = tpu.memref_slice %arg12[%dma_start3A_13, %dma_start3A_14] : memref<512x64xf32, #tpu.memory_space<vmem>> -> memref<128x64xf32, #tpu.memory_space<vmem>>
    %dma_start3A_16 = arith.constant 0 : i32
    %dma_start3A_17 = tpu.memref_slice %arg9[%dma_start3A_12, %dma_start3A_16] : memref<4x128xi32, #tpu.memory_space<vmem>> -> memref<1x128xi32, #tpu.memory_space<vmem>>
    %dma_start3A_18 = tpu.memref_squeeze %dma_start3A_17 : memref<1x128xi32, #tpu.memory_space<vmem>> -> memref<128xi32, #tpu.memory_space<vmem>>
    %dma_start3A_19 = arith.constant 0 : i32
    %dma_start3A_20 = arith.constant 0 : i32
    %dma_start3A_21 = tpu.memref_slice %arg6[%dma_start3A_19, %dma_start3A_20] : memref<1000x64xf32, #tpu.memory_space<hbm>> -> memref<1000x64xf32, #tpu.memory_space<hbm>>
    tpu.enqueue_indirect_dma source(%dma_start3A_21 : memref<1000x64xf32, #tpu.memory_space<hbm>>) target(%dma_start3A_15 : memref<128x64xf32, #tpu.memory_space<vmem>>) offsets(%dma_start3A_18 : memref<128xi32, #tpu.memory_space<vmem>>) semaphore(%arg15 : memref<!tpu.dma_semaphore, #tpu.memory_space<semaphore_mem>>)
    %dma_start3A_22 = arith.constant 0 : i32
    %dma_start3A_23 = arith.constant 0 : i32
    %dma_start3A_24 = arith.constant 0 : i32
    %dma_start3A_25 = tpu.memref_slice %arg13[%dma_start3A_23, %dma_start3A_24] : memref<512x64xf32, #tpu.memory_space<vmem>> -> memref<128x64xf32, #tpu.memory_space<vmem>>
    %dma_start3A_26 = arith.constant 0 : i32
    %dma_start3A_27 = tpu.memref_slice %arg10[%dma_start3A_22, %dma_start3A_26] : memref<4x128xi32, #tpu.memory_space<vmem>> -> memref<1x128xi32, #tpu.memory_space<vmem>>
    %dma_start3A_28 = tpu.memref_squeeze %dma_start3A_27 : memref<1x128xi32, #tpu.memory_space<vmem>> -> memref<128xi32, #tpu.memory_space<vmem>>
    %dma_start3A_29 = arith.constant 0 : i32
    %dma_start3A_30 = arith.constant 0 : i32
    %dma_start3A_31 = tpu.memref_slice %arg5[%dma_start3A_29, %dma_start3A_30] : memref<1000000x64xf32, #tpu.memory_space<hbm>> -> memref<1000000x64xf32, #tpu.memory_space<hbm>>
    tpu.enqueue_indirect_dma source(%dma_start3A_31 : memref<1000000x64xf32, #tpu.memory_space<hbm>>) target(%dma_start3A_25 : memref<128x64xf32, #tpu.memory_space<vmem>>) offsets(%dma_start3A_28 : memref<128xi32, #tpu.memory_space<vmem>>) semaphore(%arg15 : memref<!tpu.dma_semaphore, #tpu.memory_space<semaphore_mem>>)
    %dma_start3A_32 = arith.constant 1 : i32
    %dma_start3A_33 = arith.constant 128 : i32
    %dma_start3A_34 = arith.constant 0 : i32
    %dma_start3A_35 = tpu.memref_slice %arg11[%dma_start3A_33, %dma_start3A_34] : memref<512x64xf32, #tpu.memory_space<vmem>> -> memref<128x64xf32, #tpu.memory_space<vmem>>
    %dma_start3A_36 = arith.constant 0 : i32
    %dma_start3A_37 = tpu.memref_slice %arg8[%dma_start3A_32, %dma_start3A_36] : memref<4x128xi32, #tpu.memory_space<vmem>> -> memref<1x128xi32, #tpu.memory_space<vmem>>
    %dma_start3A_38 = tpu.memref_squeeze %dma_start3A_37 : memref<1x128xi32, #tpu.memory_space<vmem>> -> memref<128xi32, #tpu.memory_space<vmem>>
    %dma_start3A_39 = arith.constant 0 : i32
    %dma_start3A_40 = arith.constant 0 : i32
    %dma_start3A_41 = tpu.memref_slice %arg5[%dma_start3A_39, %dma_start3A_40] : memref<1000000x64xf32, #tpu.memory_space<hbm>> -> memref<1000000x64xf32, #tpu.memory_space<hbm>>
    tpu.enqueue_indirect_dma source(%dma_start3A_41 : memref<1000000x64xf32, #tpu.memory_space<hbm>>) target(%dma_start3A_35 : memref<128x64xf32, #tpu.memory_space<vmem>>) offsets(%dma_start3A_38 : memref<128xi32, #tpu.memory_space<vmem>>) semaphore(%arg15 : memref<!tpu.dma_semaphore, #tpu.memory_space<semaphore_mem>>)
    %dma_start3A_42 = arith.constant 1 : i32
    %dma_start3A_43 = arith.constant 128 : i32
    %dma_start3A_44 = arith.constant 0 : i32
    %dma_start3A_45 = tpu.memref_slice %arg12[%dma_start3A_43, %dma_start3A_44] : memref<512x64xf32, #tpu.memory_space<vmem>> -> memref<128x64xf32, #tpu.memory_space<vmem>>
    %dma_start3A_46 = arith.constant 0 : i32
    %dma_start3A_47 = tpu.memref_slice %arg9[%dma_start3A_42, %dma_start3A_46] : memref<4x128xi32, #tpu.memory_space<vmem>> -> memref<1x128xi32, #tpu.memory_space<vmem>>
    %dma_start3A_48 = tpu.memref_squeeze %dma_start3A_47 : memref<1x128xi32, #tpu.memory_space<vmem>> -> memref<128xi32, #tpu.memory_space<vmem>>
    %dma_start3A_49 = arith.constant 0 : i32
    %dma_start3A_50 = arith.constant 0 : i32
    %dma_start3A_51 = tpu.memref_slice %arg6[%dma_start3A_49, %dma_start3A_50] : memref<1000x64xf32, #tpu.memory_space<hbm>> -> memref<1000x64xf32, #tpu.memory_space<hbm>>
    tpu.enqueue_indirect_dma source(%dma_start3A_51 : memref<1000x64xf32, #tpu.memory_space<hbm>>) target(%dma_start3A_45 : memref<128x64xf32, #tpu.memory_space<vmem>>) offsets(%dma_start3A_48 : memref<128xi32, #tpu.memory_space<vmem>>) semaphore(%arg15 : memref<!tpu.dma_semaphore, #tpu.memory_space<semaphore_mem>>)
    %dma_start3A_52 = arith.constant 1 : i32
    %dma_start3A_53 = arith.constant 128 : i32
    %dma_start3A_54 = arith.constant 0 : i32
    %dma_start3A_55 = tpu.memref_slice %arg13[%dma_start3A_53, %dma_start3A_54] : memref<512x64xf32, #tpu.memory_space<vmem>> -> memref<128x64xf32, #tpu.memory_space<vmem>>
    %dma_start3A_56 = arith.constant 0 : i32
    %dma_start3A_57 = tpu.memref_slice %arg10[%dma_start3A_52, %dma_start3A_56] : memref<4x128xi32, #tpu.memory_space<vmem>> -> memref<1x128xi32, #tpu.memory_space<vmem>>
    %dma_start3A_58 = tpu.memref_squeeze %dma_start3A_57 : memref<1x128xi32, #tpu.memory_space<vmem>> -> memref<128xi32, #tpu.memory_space<vmem>>
    %dma_start3A_59 = arith.constant 0 : i32
    %dma_start3A_60 = arith.constant 0 : i32
    %dma_start3A_61 = tpu.memref_slice %arg5[%dma_start3A_59, %dma_start3A_60] : memref<1000000x64xf32, #tpu.memory_space<hbm>> -> memref<1000000x64xf32, #tpu.memory_space<hbm>>
    tpu.enqueue_indirect_dma source(%dma_start3A_61 : memref<1000000x64xf32, #tpu.memory_space<hbm>>) target(%dma_start3A_55 : memref<128x64xf32, #tpu.memory_space<vmem>>) offsets(%dma_start3A_58 : memref<128xi32, #tpu.memory_space<vmem>>) semaphore(%arg15 : memref<!tpu.dma_semaphore, #tpu.memory_space<semaphore_mem>>)
    %dma_start3A_62 = arith.constant 2 : i32
    %dma_start3A_63 = arith.constant 256 : i32
    %dma_start3A_64 = arith.constant 0 : i32
    %dma_start3A_65 = tpu.memref_slice %arg11[%dma_start3A_63, %dma_start3A_64] : memref<512x64xf32, #tpu.memory_space<vmem>> -> memref<128x64xf32, #tpu.memory_space<vmem>>
    %dma_start3A_66 = arith.constant 0 : i32
    %dma_start3A_67 = tpu.memref_slice %arg8[%dma_start3A_62, %dma_start3A_66] : memref<4x128xi32, #tpu.memory_space<vmem>> -> memref<1x128xi32, #tpu.memory_space<vmem>>
    %dma_start3A_68 = tpu.memref_squeeze %dma_start3A_67 : memref<1x128xi32, #tpu.memory_space<vmem>> -> memref<128xi32, #tpu.memory_space<vmem>>
    %dma_start3A_69 = arith.constant 0 : i32
    %dma_start3A_70 = arith.constant 0 : i32
    %dma_start3A_71 = tpu.memref_slice %arg5[%dma_start3A_69, %dma_start3A_70] : memref<1000000x64xf32, #tpu.memory_space<hbm>> -> memref<1000000x64xf32, #tpu.memory_space<hbm>>
    tpu.enqueue_indirect_dma source(%dma_start3A_71 : memref<1000000x64xf32, #tpu.memory_space<hbm>>) target(%dma_start3A_65 : memref<128x64xf32, #tpu.memory_space<vmem>>) offsets(%dma_start3A_68 : memref<128xi32, #tpu.memory_space<vmem>>) semaphore(%arg15 : memref<!tpu.dma_semaphore, #tpu.memory_space<semaphore_mem>>)
    %dma_start3A_72 = arith.constant 2 : i32
    %dma_start3A_73 = arith.constant 256 : i32
    %dma_start3A_74 = arith.constant 0 : i32
    %dma_start3A_75 = tpu.memref_slice %arg12[%dma_start3A_73, %dma_start3A_74] : memref<512x64xf32, #tpu.memory_space<vmem>> -> memref<128x64xf32, #tpu.memory_space<vmem>>
    %dma_start3A_76 = arith.constant 0 : i32
    %dma_start3A_77 = tpu.memref_slice %arg9[%dma_start3A_72, %dma_start3A_76] : memref<4x128xi32, #tpu.memory_space<vmem>> -> memref<1x128xi32, #tpu.memory_space<vmem>>
    %dma_start3A_78 = tpu.memref_squeeze %dma_start3A_77 : memref<1x128xi32, #tpu.memory_space<vmem>> -> memref<128xi32, #tpu.memory_space<vmem>>
    %dma_start3A_79 = arith.constant 0 : i32
    %dma_start3A_80 = arith.constant 0 : i32
    %dma_start3A_81 = tpu.memref_slice %arg6[%dma_start3A_79, %dma_start3A_80] : memref<1000x64xf32, #tpu.memory_space<hbm>> -> memref<1000x64xf32, #tpu.memory_space<hbm>>
    tpu.enqueue_indirect_dma source(%dma_start3A_81 : memref<1000x64xf32, #tpu.memory_space<hbm>>) target(%dma_start3A_75 : memref<128x64xf32, #tpu.memory_space<vmem>>) offsets(%dma_start3A_78 : memref<128xi32, #tpu.memory_space<vmem>>) semaphore(%arg15 : memref<!tpu.dma_semaphore, #tpu.memory_space<semaphore_mem>>)
    %dma_start3A_82 = arith.constant 2 : i32
    %dma_start3A_83 = arith.constant 256 : i32
    %dma_start3A_84 = arith.constant 0 : i32
    %dma_start3A_85 = tpu.memref_slice %arg13[%dma_start3A_83, %dma_start3A_84] : memref<512x64xf32, #tpu.memory_space<vmem>> -> memref<128x64xf32, #tpu.memory_space<vmem>>
    %dma_start3A_86 = arith.constant 0 : i32
    %dma_start3A_87 = tpu.memref_slice %arg10[%dma_start3A_82, %dma_start3A_86] : memref<4x128xi32, #tpu.memory_space<vmem>> -> memref<1x128xi32, #tpu.memory_space<vmem>>
    %dma_start3A_88 = tpu.memref_squeeze %dma_start3A_87 : memref<1x128xi32, #tpu.memory_space<vmem>> -> memref<128xi32, #tpu.memory_space<vmem>>
    %dma_start3A_89 = arith.constant 0 : i32
    %dma_start3A_90 = arith.constant 0 : i32
    %dma_start3A_91 = tpu.memref_slice %arg5[%dma_start3A_89, %dma_start3A_90] : memref<1000000x64xf32, #tpu.memory_space<hbm>> -> memref<1000000x64xf32, #tpu.memory_space<hbm>>
    tpu.enqueue_indirect_dma source(%dma_start3A_91 : memref<1000000x64xf32, #tpu.memory_space<hbm>>) target(%dma_start3A_85 : memref<128x64xf32, #tpu.memory_space<vmem>>) offsets(%dma_start3A_88 : memref<128xi32, #tpu.memory_space<vmem>>) semaphore(%arg15 : memref<!tpu.dma_semaphore, #tpu.memory_space<semaphore_mem>>)
    %dma_start3A_92 = arith.constant 3 : i32
    %dma_start3A_93 = arith.constant 384 : i32
    %dma_start3A_94 = arith.constant 0 : i32
    %dma_start3A_95 = tpu.memref_slice %arg11[%dma_start3A_93, %dma_start3A_94] : memref<512x64xf32, #tpu.memory_space<vmem>> -> memref<128x64xf32, #tpu.memory_space<vmem>>
    %dma_start3A_96 = arith.constant 0 : i32
    %dma_start3A_97 = tpu.memref_slice %arg8[%dma_start3A_92, %dma_start3A_96] : memref<4x128xi32, #tpu.memory_space<vmem>> -> memref<1x128xi32, #tpu.memory_space<vmem>>
    %dma_start3A_98 = tpu.memref_squeeze %dma_start3A_97 : memref<1x128xi32, #tpu.memory_space<vmem>> -> memref<128xi32, #tpu.memory_space<vmem>>
    %dma_start3A_99 = arith.constant 0 : i32
    %dma_start3A_100 = arith.constant 0 : i32
    %dma_start3A_101 = tpu.memref_slice %arg5[%dma_start3A_99, %dma_start3A_100] : memref<1000000x64xf32, #tpu.memory_space<hbm>> -> memref<1000000x64xf32, #tpu.memory_space<hbm>>
    tpu.enqueue_indirect_dma source(%dma_start3A_101 : memref<1000000x64xf32, #tpu.memory_space<hbm>>) target(%dma_start3A_95 : memref<128x64xf32, #tpu.memory_space<vmem>>) offsets(%dma_start3A_98 : memref<128xi32, #tpu.memory_space<vmem>>) semaphore(%arg15 : memref<!tpu.dma_semaphore, #tpu.memory_space<semaphore_mem>>)
    %dma_start3A_102 = arith.constant 3 : i32
    %dma_start3A_103 = arith.constant 384 : i32
    %dma_start3A_104 = arith.constant 0 : i32
    %dma_start3A_105 = tpu.memref_slice %arg12[%dma_start3A_103, %dma_start3A_104] : memref<512x64xf32, #tpu.memory_space<vmem>> -> memref<128x64xf32, #tpu.memory_space<vmem>>
    %dma_start3A_106 = arith.constant 0 : i32
    %dma_start3A_107 = tpu.memref_slice %arg9[%dma_start3A_102, %dma_start3A_106] : memref<4x128xi32, #tpu.memory_space<vmem>> -> memref<1x128xi32, #tpu.memory_space<vmem>>
    %dma_start3A_108 = tpu.memref_squeeze %dma_start3A_107 : memref<1x128xi32, #tpu.memory_space<vmem>> -> memref<128xi32, #tpu.memory_space<vmem>>
    %dma_start3A_109 = arith.constant 0 : i32
    %dma_start3A_110 = arith.constant 0 : i32
    %dma_start3A_111 = tpu.memref_slice %arg6[%dma_start3A_109, %dma_start3A_110] : memref<1000x64xf32, #tpu.memory_space<hbm>> -> memref<1000x64xf32, #tpu.memory_space<hbm>>
    tpu.enqueue_indirect_dma source(%dma_start3A_111 : memref<1000x64xf32, #tpu.memory_space<hbm>>) target(%dma_start3A_105 : memref<128x64xf32, #tpu.memory_space<vmem>>) offsets(%dma_start3A_108 : memref<128xi32, #tpu.memory_space<vmem>>) semaphore(%arg15 : memref<!tpu.dma_semaphore, #tpu.memory_space<semaphore_mem>>)
    %dma_start3A_112 = arith.constant 3 : i32
    %dma_start3A_113 = arith.constant 384 : i32
    %dma_start3A_114 = arith.constant 0 : i32
    %dma_start3A_115 = tpu.memref_slice %arg13[%dma_start3A_113, %dma_start3A_114] : memref<512x64xf32, #tpu.memory_space<vmem>> -> memref<128x64xf32, #tpu.memory_space<vmem>>
    %dma_start3A_116 = arith.constant 0 : i32
    %dma_start3A_117 = tpu.memref_slice %arg10[%dma_start3A_112, %dma_start3A_116] : memref<4x128xi32, #tpu.memory_space<vmem>> -> memref<1x128xi32, #tpu.memory_space<vmem>>
    %dma_start3A_118 = tpu.memref_squeeze %dma_start3A_117 : memref<1x128xi32, #tpu.memory_space<vmem>> -> memref<128xi32, #tpu.memory_space<vmem>>
    %dma_start3A_119 = arith.constant 0 : i32
    %dma_start3A_120 = arith.constant 0 : i32
    %dma_start3A_121 = tpu.memref_slice %arg5[%dma_start3A_119, %dma_start3A_120] : memref<1000000x64xf32, #tpu.memory_space<hbm>> -> memref<1000000x64xf32, #tpu.memory_space<hbm>>
    tpu.enqueue_indirect_dma source(%dma_start3A_121 : memref<1000000x64xf32, #tpu.memory_space<hbm>>) target(%dma_start3A_115 : memref<128x64xf32, #tpu.memory_space<vmem>>) offsets(%dma_start3A_118 : memref<128xi32, #tpu.memory_space<vmem>>) semaphore(%arg15 : memref<!tpu.dma_semaphore, #tpu.memory_space<semaphore_mem>>)
    %dma_wait3A = arith.constant 0 : i32
    %dma_wait3A_122 = arith.constant 0 : i32
    %dma_wait3A_123 = arith.constant 0 : i32
    %dma_wait3A_124 = tpu.memref_slice %arg11[%dma_wait3A_122, %dma_wait3A_123] : memref<512x64xf32, #tpu.memory_space<vmem>> -> memref<128x64xf32, #tpu.memory_space<vmem>>
    %dma_wait3A_125 = arith.constant 0 : i32
    %dma_wait3A_126 = tpu.memref_slice %arg8[%dma_wait3A, %dma_wait3A_125] : memref<4x128xi32, #tpu.memory_space<vmem>> -> memref<1x128xi32, #tpu.memory_space<vmem>>
    %dma_wait3A_127 = tpu.memref_squeeze %dma_wait3A_126 : memref<1x128xi32, #tpu.memory_space<vmem>> -> memref<128xi32, #tpu.memory_space<vmem>>
    %dma_wait3A_128 = arith.constant 0 : i32
    %dma_wait3A_129 = arith.constant 0 : i32
    %dma_wait3A_130 = tpu.memref_slice %arg5[%dma_wait3A_128, %dma_wait3A_129] : memref<1000000x64xf32, #tpu.memory_space<hbm>> -> memref<1000000x64xf32, #tpu.memory_space<hbm>>
    tpu.wait_indirect_dma semaphore(%arg15 : memref<!tpu.dma_semaphore, #tpu.memory_space<semaphore_mem>>) src(%dma_wait3A_130 : memref<1000000x64xf32, #tpu.memory_space<hbm>>) dst(%dma_wait3A_124 : memref<128x64xf32, #tpu.memory_space<vmem>>)
    %dma_wait3A_131 = arith.constant 0 : i32
    %dma_wait3A_132 = arith.constant 0 : i32
    %dma_wait3A_133 = arith.constant 0 : i32
    %dma_wait3A_134 = tpu.memref_slice %arg12[%dma_wait3A_132, %dma_wait3A_133] : memref<512x64xf32, #tpu.memory_space<vmem>> -> memref<128x64xf32, #tpu.memory_space<vmem>>
    %dma_wait3A_135 = arith.constant 0 : i32
    %dma_wait3A_136 = tpu.memref_slice %arg9[%dma_wait3A_131, %dma_wait3A_135] : memref<4x128xi32, #tpu.memory_space<vmem>> -> memref<1x128xi32, #tpu.memory_space<vmem>>
    %dma_wait3A_137 = tpu.memref_squeeze %dma_wait3A_136 : memref<1x128xi32, #tpu.memory_space<vmem>> -> memref<128xi32, #tpu.memory_space<vmem>>
    %dma_wait3A_138 = arith.constant 0 : i32
    %dma_wait3A_139 = arith.constant 0 : i32
    %dma_wait3A_140 = tpu.memref_slice %arg6[%dma_wait3A_138, %dma_wait3A_139] : memref<1000x64xf32, #tpu.memory_space<hbm>> -> memref<1000x64xf32, #tpu.memory_space<hbm>>
    tpu.wait_indirect_dma semaphore(%arg15 : memref<!tpu.dma_semaphore, #tpu.memory_space<semaphore_mem>>) src(%dma_wait3A_140 : memref<1000x64xf32, #tpu.memory_space<hbm>>) dst(%dma_wait3A_134 : memref<128x64xf32, #tpu.memory_space<vmem>>)
    %dma_wait3A_141 = arith.constant 0 : i32
    %dma_wait3A_142 = arith.constant 0 : i32
    %dma_wait3A_143 = arith.constant 0 : i32
    %dma_wait3A_144 = tpu.memref_slice %arg13[%dma_wait3A_142, %dma_wait3A_143] : memref<512x64xf32, #tpu.memory_space<vmem>> -> memref<128x64xf32, #tpu.memory_space<vmem>>
    %dma_wait3A_145 = arith.constant 0 : i32
    %dma_wait3A_146 = tpu.memref_slice %arg10[%dma_wait3A_141, %dma_wait3A_145] : memref<4x128xi32, #tpu.memory_space<vmem>> -> memref<1x128xi32, #tpu.memory_space<vmem>>
    %dma_wait3A_147 = tpu.memref_squeeze %dma_wait3A_146 : memref<1x128xi32, #tpu.memory_space<vmem>> -> memref<128xi32, #tpu.memory_space<vmem>>
    %dma_wait3A_148 = arith.constant 0 : i32
    %dma_wait3A_149 = arith.constant 0 : i32
    %dma_wait3A_150 = tpu.memref_slice %arg5[%dma_wait3A_148, %dma_wait3A_149] : memref<1000000x64xf32, #tpu.memory_space<hbm>> -> memref<1000000x64xf32, #tpu.memory_space<hbm>>
    tpu.wait_indirect_dma semaphore(%arg15 : memref<!tpu.dma_semaphore, #tpu.memory_space<semaphore_mem>>) src(%dma_wait3A_150 : memref<1000000x64xf32, #tpu.memory_space<hbm>>) dst(%dma_wait3A_144 : memref<128x64xf32, #tpu.memory_space<vmem>>)
    %dma_wait3A_151 = arith.constant 1 : i32
    %dma_wait3A_152 = arith.constant 128 : i32
    %dma_wait3A_153 = arith.constant 0 : i32
    %dma_wait3A_154 = tpu.memref_slice %arg11[%dma_wait3A_152, %dma_wait3A_153] : memref<512x64xf32, #tpu.memory_space<vmem>> -> memref<128x64xf32, #tpu.memory_space<vmem>>
    %dma_wait3A_155 = arith.constant 0 : i32
    %dma_wait3A_156 = tpu.memref_slice %arg8[%dma_wait3A_151, %dma_wait3A_155] : memref<4x128xi32, #tpu.memory_space<vmem>> -> memref<1x128xi32, #tpu.memory_space<vmem>>
    %dma_wait3A_157 = tpu.memref_squeeze %dma_wait3A_156 : memref<1x128xi32, #tpu.memory_space<vmem>> -> memref<128xi32, #tpu.memory_space<vmem>>
    %dma_wait3A_158 = arith.constant 0 : i32
    %dma_wait3A_159 = arith.constant 0 : i32
    %dma_wait3A_160 = tpu.memref_slice %arg5[%dma_wait3A_158, %dma_wait3A_159] : memref<1000000x64xf32, #tpu.memory_space<hbm>> -> memref<1000000x64xf32, #tpu.memory_space<hbm>>
    tpu.wait_indirect_dma semaphore(%arg15 : memref<!tpu.dma_semaphore, #tpu.memory_space<semaphore_mem>>) src(%dma_wait3A_160 : memref<1000000x64xf32, #tpu.memory_space<hbm>>) dst(%dma_wait3A_154 : memref<128x64xf32, #tpu.memory_space<vmem>>)
    %dma_wait3A_161 = arith.constant 1 : i32
    %dma_wait3A_162 = arith.constant 128 : i32
    %dma_wait3A_163 = arith.constant 0 : i32
    %dma_wait3A_164 = tpu.memref_slice %arg12[%dma_wait3A_162, %dma_wait3A_163] : memref<512x64xf32, #tpu.memory_space<vmem>> -> memref<128x64xf32, #tpu.memory_space<vmem>>
    %dma_wait3A_165 = arith.constant 0 : i32
    %dma_wait3A_166 = tpu.memref_slice %arg9[%dma_wait3A_161, %dma_wait3A_165] : memref<4x128xi32, #tpu.memory_space<vmem>> -> memref<1x128xi32, #tpu.memory_space<vmem>>
    %dma_wait3A_167 = tpu.memref_squeeze %dma_wait3A_166 : memref<1x128xi32, #tpu.memory_space<vmem>> -> memref<128xi32, #tpu.memory_space<vmem>>
    %dma_wait3A_168 = arith.constant 0 : i32
    %dma_wait3A_169 = arith.constant 0 : i32
    %dma_wait3A_170 = tpu.memref_slice %arg6[%dma_wait3A_168, %dma_wait3A_169] : memref<1000x64xf32, #tpu.memory_space<hbm>> -> memref<1000x64xf32, #tpu.memory_space<hbm>>
    tpu.wait_indirect_dma semaphore(%arg15 : memref<!tpu.dma_semaphore, #tpu.memory_space<semaphore_mem>>) src(%dma_wait3A_170 : memref<1000x64xf32, #tpu.memory_space<hbm>>) dst(%dma_wait3A_164 : memref<128x64xf32, #tpu.memory_space<vmem>>)
    %dma_wait3A_171 = arith.constant 1 : i32
    %dma_wait3A_172 = arith.constant 128 : i32
    %dma_wait3A_173 = arith.constant 0 : i32
    %dma_wait3A_174 = tpu.memref_slice %arg13[%dma_wait3A_172, %dma_wait3A_173] : memref<512x64xf32, #tpu.memory_space<vmem>> -> memref<128x64xf32, #tpu.memory_space<vmem>>
    %dma_wait3A_175 = arith.constant 0 : i32
    %dma_wait3A_176 = tpu.memref_slice %arg10[%dma_wait3A_171, %dma_wait3A_175] : memref<4x128xi32, #tpu.memory_space<vmem>> -> memref<1x128xi32, #tpu.memory_space<vmem>>
    %dma_wait3A_177 = tpu.memref_squeeze %dma_wait3A_176 : memref<1x128xi32, #tpu.memory_space<vmem>> -> memref<128xi32, #tpu.memory_space<vmem>>
    %dma_wait3A_178 = arith.constant 0 : i32
    %dma_wait3A_179 = arith.constant 0 : i32
    %dma_wait3A_180 = tpu.memref_slice %arg5[%dma_wait3A_178, %dma_wait3A_179] : memref<1000000x64xf32, #tpu.memory_space<hbm>> -> memref<1000000x64xf32, #tpu.memory_space<hbm>>
    tpu.wait_indirect_dma semaphore(%arg15 : memref<!tpu.dma_semaphore, #tpu.memory_space<semaphore_mem>>) src(%dma_wait3A_180 : memref<1000000x64xf32, #tpu.memory_space<hbm>>) dst(%dma_wait3A_174 : memref<128x64xf32, #tpu.memory_space<vmem>>)
    %dma_wait3A_181 = arith.constant 2 : i32
    %dma_wait3A_182 = arith.constant 256 : i32
    %dma_wait3A_183 = arith.constant 0 : i32
    %dma_wait3A_184 = tpu.memref_slice %arg11[%dma_wait3A_182, %dma_wait3A_183] : memref<512x64xf32, #tpu.memory_space<vmem>> -> memref<128x64xf32, #tpu.memory_space<vmem>>
    %dma_wait3A_185 = arith.constant 0 : i32
    %dma_wait3A_186 = tpu.memref_slice %arg8[%dma_wait3A_181, %dma_wait3A_185] : memref<4x128xi32, #tpu.memory_space<vmem>> -> memref<1x128xi32, #tpu.memory_space<vmem>>
    %dma_wait3A_187 = tpu.memref_squeeze %dma_wait3A_186 : memref<1x128xi32, #tpu.memory_space<vmem>> -> memref<128xi32, #tpu.memory_space<vmem>>
    %dma_wait3A_188 = arith.constant 0 : i32
    %dma_wait3A_189 = arith.constant 0 : i32
    %dma_wait3A_190 = tpu.memref_slice %arg5[%dma_wait3A_188, %dma_wait3A_189] : memref<1000000x64xf32, #tpu.memory_space<hbm>> -> memref<1000000x64xf32, #tpu.memory_space<hbm>>
    tpu.wait_indirect_dma semaphore(%arg15 : memref<!tpu.dma_semaphore, #tpu.memory_space<semaphore_mem>>) src(%dma_wait3A_190 : memref<1000000x64xf32, #tpu.memory_space<hbm>>) dst(%dma_wait3A_184 : memref<128x64xf32, #tpu.memory_space<vmem>>)
    %dma_wait3A_191 = arith.constant 2 : i32
    %dma_wait3A_192 = arith.constant 256 : i32
    %dma_wait3A_193 = arith.constant 0 : i32
    %dma_wait3A_194 = tpu.memref_slice %arg12[%dma_wait3A_192, %dma_wait3A_193] : memref<512x64xf32, #tpu.memory_space<vmem>> -> memref<128x64xf32, #tpu.memory_space<vmem>>
    %dma_wait3A_195 = arith.constant 0 : i32
    %dma_wait3A_196 = tpu.memref_slice %arg9[%dma_wait3A_191, %dma_wait3A_195] : memref<4x128xi32, #tpu.memory_space<vmem>> -> memref<1x128xi32, #tpu.memory_space<vmem>>
    %dma_wait3A_197 = tpu.memref_squeeze %dma_wait3A_196 : memref<1x128xi32, #tpu.memory_space<vmem>> -> memref<128xi32, #tpu.memory_space<vmem>>
    %dma_wait3A_198 = arith.constant 0 : i32
    %dma_wait3A_199 = arith.constant 0 : i32
    %dma_wait3A_200 = tpu.memref_slice %arg6[%dma_wait3A_198, %dma_wait3A_199] : memref<1000x64xf32, #tpu.memory_space<hbm>> -> memref<1000x64xf32, #tpu.memory_space<hbm>>
    tpu.wait_indirect_dma semaphore(%arg15 : memref<!tpu.dma_semaphore, #tpu.memory_space<semaphore_mem>>) src(%dma_wait3A_200 : memref<1000x64xf32, #tpu.memory_space<hbm>>) dst(%dma_wait3A_194 : memref<128x64xf32, #tpu.memory_space<vmem>>)
    %dma_wait3A_201 = arith.constant 2 : i32
    %dma_wait3A_202 = arith.constant 256 : i32
    %dma_wait3A_203 = arith.constant 0 : i32
    %dma_wait3A_204 = tpu.memref_slice %arg13[%dma_wait3A_202, %dma_wait3A_203] : memref<512x64xf32, #tpu.memory_space<vmem>> -> memref<128x64xf32, #tpu.memory_space<vmem>>
    %dma_wait3A_205 = arith.constant 0 : i32
    %dma_wait3A_206 = tpu.memref_slice %arg10[%dma_wait3A_201, %dma_wait3A_205] : memref<4x128xi32, #tpu.memory_space<vmem>> -> memref<1x128xi32, #tpu.memory_space<vmem>>
    %dma_wait3A_207 = tpu.memref_squeeze %dma_wait3A_206 : memref<1x128xi32, #tpu.memory_space<vmem>> -> memref<128xi32, #tpu.memory_space<vmem>>
    %dma_wait3A_208 = arith.constant 0 : i32
    %dma_wait3A_209 = arith.constant 0 : i32
    %dma_wait3A_210 = tpu.memref_slice %arg5[%dma_wait3A_208, %dma_wait3A_209] : memref<1000000x64xf32, #tpu.memory_space<hbm>> -> memref<1000000x64xf32, #tpu.memory_space<hbm>>
    tpu.wait_indirect_dma semaphore(%arg15 : memref<!tpu.dma_semaphore, #tpu.memory_space<semaphore_mem>>) src(%dma_wait3A_210 : memref<1000000x64xf32, #tpu.memory_space<hbm>>) dst(%dma_wait3A_204 : memref<128x64xf32, #tpu.memory_space<vmem>>)
    %dma_wait3A_211 = arith.constant 3 : i32
    %dma_wait3A_212 = arith.constant 384 : i32
    %dma_wait3A_213 = arith.constant 0 : i32
    %dma_wait3A_214 = tpu.memref_slice %arg11[%dma_wait3A_212, %dma_wait3A_213] : memref<512x64xf32, #tpu.memory_space<vmem>> -> memref<128x64xf32, #tpu.memory_space<vmem>>
    %dma_wait3A_215 = arith.constant 0 : i32
    %dma_wait3A_216 = tpu.memref_slice %arg8[%dma_wait3A_211, %dma_wait3A_215] : memref<4x128xi32, #tpu.memory_space<vmem>> -> memref<1x128xi32, #tpu.memory_space<vmem>>
    %dma_wait3A_217 = tpu.memref_squeeze %dma_wait3A_216 : memref<1x128xi32, #tpu.memory_space<vmem>> -> memref<128xi32, #tpu.memory_space<vmem>>
    %dma_wait3A_218 = arith.constant 0 : i32
    %dma_wait3A_219 = arith.constant 0 : i32
    %dma_wait3A_220 = tpu.memref_slice %arg5[%dma_wait3A_218, %dma_wait3A_219] : memref<1000000x64xf32, #tpu.memory_space<hbm>> -> memref<1000000x64xf32, #tpu.memory_space<hbm>>
    tpu.wait_indirect_dma semaphore(%arg15 : memref<!tpu.dma_semaphore, #tpu.memory_space<semaphore_mem>>) src(%dma_wait3A_220 : memref<1000000x64xf32, #tpu.memory_space<hbm>>) dst(%dma_wait3A_214 : memref<128x64xf32, #tpu.memory_space<vmem>>)
    %dma_wait3A_221 = arith.constant 3 : i32
    %dma_wait3A_222 = arith.constant 384 : i32
    %dma_wait3A_223 = arith.constant 0 : i32
    %dma_wait3A_224 = tpu.memref_slice %arg12[%dma_wait3A_222, %dma_wait3A_223] : memref<512x64xf32, #tpu.memory_space<vmem>> -> memref<128x64xf32, #tpu.memory_space<vmem>>
    %dma_wait3A_225 = arith.constant 0 : i32
    %dma_wait3A_226 = tpu.memref_slice %arg9[%dma_wait3A_221, %dma_wait3A_225] : memref<4x128xi32, #tpu.memory_space<vmem>> -> memref<1x128xi32, #tpu.memory_space<vmem>>
    %dma_wait3A_227 = tpu.memref_squeeze %dma_wait3A_226 : memref<1x128xi32, #tpu.memory_space<vmem>> -> memref<128xi32, #tpu.memory_space<vmem>>
    %dma_wait3A_228 = arith.constant 0 : i32
    %dma_wait3A_229 = arith.constant 0 : i32
    %dma_wait3A_230 = tpu.memref_slice %arg6[%dma_wait3A_228, %dma_wait3A_229] : memref<1000x64xf32, #tpu.memory_space<hbm>> -> memref<1000x64xf32, #tpu.memory_space<hbm>>
    tpu.wait_indirect_dma semaphore(%arg15 : memref<!tpu.dma_semaphore, #tpu.memory_space<semaphore_mem>>) src(%dma_wait3A_230 : memref<1000x64xf32, #tpu.memory_space<hbm>>) dst(%dma_wait3A_224 : memref<128x64xf32, #tpu.memory_space<vmem>>)
    %dma_wait3A_231 = arith.constant 3 : i32
    %dma_wait3A_232 = arith.constant 384 : i32
    %dma_wait3A_233 = arith.constant 0 : i32
    %dma_wait3A_234 = tpu.memref_slice %arg13[%dma_wait3A_232, %dma_wait3A_233] : memref<512x64xf32, #tpu.memory_space<vmem>> -> memref<128x64xf32, #tpu.memory_space<vmem>>
    %dma_wait3A_235 = arith.constant 0 : i32
    %dma_wait3A_236 = tpu.memref_slice %arg10[%dma_wait3A_231, %dma_wait3A_235] : memref<4x128xi32, #tpu.memory_space<vmem>> -> memref<1x128xi32, #tpu.memory_space<vmem>>
    %dma_wait3A_237 = tpu.memref_squeeze %dma_wait3A_236 : memref<1x128xi32, #tpu.memory_space<vmem>> -> memref<128xi32, #tpu.memory_space<vmem>>
    %dma_wait3A_238 = arith.constant 0 : i32
    %dma_wait3A_239 = arith.constant 0 : i32
    %dma_wait3A_240 = tpu.memref_slice %arg5[%dma_wait3A_238, %dma_wait3A_239] : memref<1000000x64xf32, #tpu.memory_space<hbm>> -> memref<1000000x64xf32, #tpu.memory_space<hbm>>
    tpu.wait_indirect_dma semaphore(%arg15 : memref<!tpu.dma_semaphore, #tpu.memory_space<semaphore_mem>>) src(%dma_wait3A_240 : memref<1000000x64xf32, #tpu.memory_space<hbm>>) dst(%dma_wait3A_234 : memref<128x64xf32, #tpu.memory_space<vmem>>)
    %iota3A = tpu.iota {dimensions = array<i32: 0>} : vector<16xi32>
    %scan3A = arith.constant 0 : i32
    %scan3A_241 = arith.constant 0 : i32
    %scan3A_242 = arith.constant 32 : i32
    %scan3A_243 = arith.addi %scan3A_241, %scan3A_242 : i32
    %scan3A_244 = arith.constant 1 : i32
    scf.for %scan3A_248 = %scan3A_241 to %scan3A_243 step %scan3A_244  : i32 {
      %mul3A_249 = arith.constant 16 : i32
      %mul3A_250 = arith.muli %scan3A_248, %mul3A_249 : i32
      %broadcast_in_dim3A = arith.constant 0.000000e+00 : f32
      %broadcast_in_dim3A_251 = vector.broadcast %broadcast_in_dim3A : f32 to vector<16xf32>
      %add3A_252 = arith.constant 0 : i32
      %add3A_253 = arith.addi %mul3A_250, %add3A_252 : i32
      %get3A = arith.index_cast %add3A_253 : i32 to index
      %get3A_254 = arith.constant 0 : index
      %get3A_255 = tpu.vector_load %arg11[%get3A, %get3A_254] {strides = array<i32>} : memref<512x64xf32, #tpu.memory_space<vmem>>, vector<1x16xf32>,
      %get3A_256 = vector.shape_cast %get3A_255 : vector<1x16xf32> to vector<16xf32>
      %get3A_257 = arith.index_cast %add3A_253 : i32 to index
      %get3A_258 = arith.constant 0 : index
      %get3A_259 = tpu.vector_load %arg12[%get3A_257, %get3A_258] {strides = array<i32>} : memref<512x64xf32, #tpu.memory_space<vmem>>, vector<1x16xf32>,
      %get3A_260 = vector.shape_cast %get3A_259 : vector<1x16xf32> to vector<16xf32>
      %mul3A_261 = arith.mulf %get3A_256, %get3A_260 : vector<16xf32>
      %get3A_262 = arith.index_cast %add3A_253 : i32 to index
      %get3A_263 = arith.constant 0 : index
      %get3A_264 = tpu.vector_load %arg13[%get3A_262, %get3A_263] {strides = array<i32>} : memref<512x64xf32, #tpu.memory_space<vmem>>, vector<1x16xf32>,
      %get3A_265 = vector.shape_cast %get3A_264 : vector<1x16xf32> to vector<16xf32>
      %mul3A_266 = arith.mulf %mul3A_261, %get3A_265 : vector<16xf32>
      %get3A_267 = arith.index_cast %add3A_253 : i32 to index
      %get3A_268 = arith.constant 16 : index
      %get3A_269 = tpu.vector_load %arg11[%get3A_267, %get3A_268] {strides = array<i32>} : memref<512x64xf32, #tpu.memory_space<vmem>>, vector<1x16xf32>,
      %get3A_270 = vector.shape_cast %get3A_269 : vector<1x16xf32> to vector<16xf32>
      %get3A_271 = arith.index_cast %add3A_253 : i32 to index
      %get3A_272 = arith.constant 16 : index
      %get3A_273 = tpu.vector_load %arg12[%get3A_271, %get3A_272] {strides = array<i32>} : memref<512x64xf32, #tpu.memory_space<vmem>>, vector<1x16xf32>,
      %get3A_274 = vector.shape_cast %get3A_273 : vector<1x16xf32> to vector<16xf32>
      %mul3A_275 = arith.mulf %get3A_270, %get3A_274 : vector<16xf32>
      %get3A_276 = arith.index_cast %add3A_253 : i32 to index
      %get3A_277 = arith.constant 16 : index
      %get3A_278 = tpu.vector_load %arg13[%get3A_276, %get3A_277] {strides = array<i32>} : memref<512x64xf32, #tpu.memory_space<vmem>>, vector<1x16xf32>,
      %get3A_279 = vector.shape_cast %get3A_278 : vector<1x16xf32> to vector<16xf32>
      %mul3A_280 = arith.mulf %mul3A_275, %get3A_279 : vector<16xf32>
      %add3A_281 = arith.addf %mul3A_266, %mul3A_280 : vector<16xf32>
      %get3A_282 = arith.index_cast %add3A_253 : i32 to index
      %get3A_283 = arith.constant 32 : index
      %get3A_284 = tpu.vector_load %arg11[%get3A_282, %get3A_283] {strides = array<i32>} : memref<512x64xf32, #tpu.memory_space<vmem>>, vector<1x16xf32>,
      %get3A_285 = vector.shape_cast %get3A_284 : vector<1x16xf32> to vector<16xf32>
      %get3A_286 = arith.index_cast %add3A_253 : i32 to index
      %get3A_287 = arith.constant 32 : index
      %get3A_288 = tpu.vector_load %arg12[%get3A_286, %get3A_287] {strides = array<i32>} : memref<512x64xf32, #tpu.memory_space<vmem>>, vector<1x16xf32>,
      %get3A_289 = vector.shape_cast %get3A_288 : vector<1x16xf32> to vector<16xf32>
      %mul3A_290 = arith.mulf %get3A_285, %get3A_289 : vector<16xf32>
      %get3A_291 = arith.index_cast %add3A_253 : i32 to index
      %get3A_292 = arith.constant 32 : index
      %get3A_293 = tpu.vector_load %arg13[%get3A_291, %get3A_292] {strides = array<i32>} : memref<512x64xf32, #tpu.memory_space<vmem>>, vector<1x16xf32>,
      %get3A_294 = vector.shape_cast %get3A_293 : vector<1x16xf32> to vector<16xf32>
      %mul3A_295 = arith.mulf %mul3A_290, %get3A_294 : vector<16xf32>
      %add3A_296 = arith.addf %add3A_281, %mul3A_295 : vector<16xf32>
      %get3A_297 = arith.index_cast %add3A_253 : i32 to index
      %get3A_298 = arith.constant 48 : index
      %get3A_299 = tpu.vector_load %arg11[%get3A_297, %get3A_298] {strides = array<i32>} : memref<512x64xf32, #tpu.memory_space<vmem>>, vector<1x16xf32>,
      %get3A_300 = vector.shape_cast %get3A_299 : vector<1x16xf32> to vector<16xf32>
      %get3A_301 = arith.index_cast %add3A_253 : i32 to index
      %get3A_302 = arith.constant 48 : index
      %get3A_303 = tpu.vector_load %arg12[%get3A_301, %get3A_302] {strides = array<i32>} : memref<512x64xf32, #tpu.memory_space<vmem>>, vector<1x16xf32>,
      %get3A_304 = vector.shape_cast %get3A_303 : vector<1x16xf32> to vector<16xf32>
      %mul3A_305 = arith.mulf %get3A_300, %get3A_304 : vector<16xf32>
      %get3A_306 = arith.index_cast %add3A_253 : i32 to index
      %get3A_307 = arith.constant 48 : index
      %get3A_308 = tpu.vector_load %arg13[%get3A_306, %get3A_307] {strides = array<i32>} : memref<512x64xf32, #tpu.memory_space<vmem>>, vector<1x16xf32>,
      %get3A_309 = vector.shape_cast %get3A_308 : vector<1x16xf32> to vector<16xf32>
      %mul3A_310 = arith.mulf %mul3A_305, %get3A_309 : vector<16xf32>
      %add3A_311 = arith.addf %add3A_296, %mul3A_310 : vector<16xf32>
      %eq3A = arith.constant 0 : i32
      %eq3A_312 = vector.broadcast %eq3A : i32 to vector<16xi32>
      %eq3A_313 = arith.cmpi eq, %iota3A, %eq3A_312 : vector<16xi32>
      %xor3A = arith.constant 8 : i32
      %xor3A_314 = vector.broadcast %xor3A : i32 to vector<16xi32>
      %xor3A_315 = arith.xori %iota3A, %xor3A_314 : vector<16xi32>
      %broadcast_in_dim3A_316 = vector.shape_cast %xor3A_315 : vector<16xi32> to vector<16x1xi32>
      %gather3A = vector.shape_cast %broadcast_in_dim3A_316 : vector<16x1xi32> to vector<16xi32>
      %gather3A_317 = tpu.dynamic_gather %add3A_311[%gather3A] in [0] : vector<16xf32>, vector<16xi32> -> vector<16xf32>
      %add3A_318 = arith.addf %add3A_311, %gather3A_317 : vector<16xf32>
      %xor3A_319 = arith.constant 4 : i32
      %xor3A_320 = vector.broadcast %xor3A_319 : i32 to vector<16xi32>
      %xor3A_321 = arith.xori %iota3A, %xor3A_320 : vector<16xi32>
      %broadcast_in_dim3A_322 = vector.shape_cast %xor3A_321 : vector<16xi32> to vector<16x1xi32>
      %gather3A_323 = vector.shape_cast %broadcast_in_dim3A_322 : vector<16x1xi32> to vector<16xi32>
      %gather3A_324 = tpu.dynamic_gather %add3A_318[%gather3A_323] in [0] : vector<16xf32>, vector<16xi32> -> vector<16xf32>
      %add3A_325 = arith.addf %add3A_318, %gather3A_324 : vector<16xf32>
      %xor3A_326 = arith.constant 2 : i32
      %xor3A_327 = vector.broadcast %xor3A_326 : i32 to vector<16xi32>
      %xor3A_328 = arith.xori %iota3A, %xor3A_327 : vector<16xi32>
      %broadcast_in_dim3A_329 = vector.shape_cast %xor3A_328 : vector<16xi32> to vector<16x1xi32>
      %gather3A_330 = vector.shape_cast %broadcast_in_dim3A_329 : vector<16x1xi32> to vector<16xi32>
      %gather3A_331 = tpu.dynamic_gather %add3A_325[%gather3A_330] in [0] : vector<16xf32>, vector<16xi32> -> vector<16xf32>
      %add3A_332 = arith.addf %add3A_325, %gather3A_331 : vector<16xf32>
      %xor3A_333 = arith.constant 1 : i32
      %xor3A_334 = vector.broadcast %xor3A_333 : i32 to vector<16xi32>
      %xor3A_335 = arith.xori %iota3A, %xor3A_334 : vector<16xi32>
      %broadcast_in_dim3A_336 = vector.shape_cast %xor3A_335 : vector<16xi32> to vector<16x1xi32>
      %gather3A_337 = vector.shape_cast %broadcast_in_dim3A_336 : vector<16x1xi32> to vector<16xi32>
      %gather3A_338 = tpu.dynamic_gather %add3A_332[%gather3A_337] in [0] : vector<16xf32>, vector<16xi32> -> vector<16xf32>
      %add3A_339 = arith.addf %add3A_332, %gather3A_338 : vector<16xf32>
      %select_n3A = arith.select %eq3A_313, %add3A_339, %broadcast_in_dim3A_251 : vector<16xi1>, vector<16xf32>
      %add3A_340 = arith.constant 1 : i32
      %add3A_341 = arith.addi %mul3A_250, %add3A_340 : i32
      %get3A_342 = arith.index_cast %add3A_341 : i32 to index
      %get3A_343 = arith.constant 0 : index
      %get3A_344 = tpu.vector_load %arg11[%get3A_342, %get3A_343] {strides = array<i32>} : memref<512x64xf32, #tpu.memory_space<vmem>>, vector<1x16xf32>,
      %get3A_345 = vector.shape_cast %get3A_344 : vector<1x16xf32> to vector<16xf32>
      %get3A_346 = arith.index_cast %add3A_341 : i32 to index
      %get3A_347 = arith.constant 0 : index
      %get3A_348 = tpu.vector_load %arg12[%get3A_346, %get3A_347] {strides = array<i32>} : memref<512x64xf32, #tpu.memory_space<vmem>>, vector<1x16xf32>,
      %get3A_349 = vector.shape_cast %get3A_348 : vector<1x16xf32> to vector<16xf32>
      %mul3A_350 = arith.mulf %get3A_345, %get3A_349 : vector<16xf32>
      %get3A_351 = arith.index_cast %add3A_341 : i32 to index
      %get3A_352 = arith.constant 0 : index
      %get3A_353 = tpu.vector_load %arg13[%get3A_351, %get3A_352] {strides = array<i32>} : memref<512x64xf32, #tpu.memory_space<vmem>>, vector<1x16xf32>,
      %get3A_354 = vector.shape_cast %get3A_353 : vector<1x16xf32> to vector<16xf32>
      %mul3A_355 = arith.mulf %mul3A_350, %get3A_354 : vector<16xf32>
      %get3A_356 = arith.index_cast %add3A_341 : i32 to index
      %get3A_357 = arith.constant 16 : index
      %get3A_358 = tpu.vector_load %arg11[%get3A_356, %get3A_357] {strides = array<i32>} : memref<512x64xf32, #tpu.memory_space<vmem>>, vector<1x16xf32>,
      %get3A_359 = vector.shape_cast %get3A_358 : vector<1x16xf32> to vector<16xf32>
      %get3A_360 = arith.index_cast %add3A_341 : i32 to index
      %get3A_361 = arith.constant 16 : index
      %get3A_362 = tpu.vector_load %arg12[%get3A_360, %get3A_361] {strides = array<i32>} : memref<512x64xf32, #tpu.memory_space<vmem>>, vector<1x16xf32>,
      %get3A_363 = vector.shape_cast %get3A_362 : vector<1x16xf32> to vector<16xf32>
      %mul3A_364 = arith.mulf %get3A_359, %get3A_363 : vector<16xf32>
      %get3A_365 = arith.index_cast %add3A_341 : i32 to index
      %get3A_366 = arith.constant 16 : index
      %get3A_367 = tpu.vector_load %arg13[%get3A_365, %get3A_366] {strides = array<i32>} : memref<512x64xf32, #tpu.memory_space<vmem>>, vector<1x16xf32>,
      %get3A_368 = vector.shape_cast %get3A_367 : vector<1x16xf32> to vector<16xf32>
      %mul3A_369 = arith.mulf %mul3A_364, %get3A_368 : vector<16xf32>
      %add3A_370 = arith.addf %mul3A_355, %mul3A_369 : vector<16xf32>
      %get3A_371 = arith.index_cast %add3A_341 : i32 to index
      %get3A_372 = arith.constant 32 : index
      %get3A_373 = tpu.vector_load %arg11[%get3A_371, %get3A_372] {strides = array<i32>} : memref<512x64xf32, #tpu.memory_space<vmem>>, vector<1x16xf32>,
      %get3A_374 = vector.shape_cast %get3A_373 : vector<1x16xf32> to vector<16xf32>
      %get3A_375 = arith.index_cast %add3A_341 : i32 to index
      %get3A_376 = arith.constant 32 : index
      %get3A_377 = tpu.vector_load %arg12[%get3A_375, %get3A_376] {strides = array<i32>} : memref<512x64xf32, #tpu.memory_space<vmem>>, vector<1x16xf32>,
      %get3A_378 = vector.shape_cast %get3A_377 : vector<1x16xf32> to vector<16xf32>
      %mul3A_379 = arith.mulf %get3A_374, %get3A_378 : vector<16xf32>
      %get3A_380 = arith.index_cast %add3A_341 : i32 to index
      %get3A_381 = arith.constant 32 : index
      %get3A_382 = tpu.vector_load %arg13[%get3A_380, %get3A_381] {strides = array<i32>} : memref<512x64xf32, #tpu.memory_space<vmem>>, vector<1x16xf32>,
      %get3A_383 = vector.shape_cast %get3A_382 : vector<1x16xf32> to vector<16xf32>
      %mul3A_384 = arith.mulf %mul3A_379, %get3A_383 : vector<16xf32>
      %add3A_385 = arith.addf %add3A_370, %mul3A_384 : vector<16xf32>
      %get3A_386 = arith.index_cast %add3A_341 : i32 to index
      %get3A_387 = arith.constant 48 : index
      %get3A_388 = tpu.vector_load %arg11[%get3A_386, %get3A_387] {strides = array<i32>} : memref<512x64xf32, #tpu.memory_space<vmem>>, vector<1x16xf32>,
      %get3A_389 = vector.shape_cast %get3A_388 : vector<1x16xf32> to vector<16xf32>
      %get3A_390 = arith.index_cast %add3A_341 : i32 to index
      %get3A_391 = arith.constant 48 : index
      %get3A_392 = tpu.vector_load %arg12[%get3A_390, %get3A_391] {strides = array<i32>} : memref<512x64xf32, #tpu.memory_space<vmem>>, vector<1x16xf32>,
      %get3A_393 = vector.shape_cast %get3A_392 : vector<1x16xf32> to vector<16xf32>
      %mul3A_394 = arith.mulf %get3A_389, %get3A_393 : vector<16xf32>
      %get3A_395 = arith.index_cast %add3A_341 : i32 to index
      %get3A_396 = arith.constant 48 : index
      %get3A_397 = tpu.vector_load %arg13[%get3A_395, %get3A_396] {strides = array<i32>} : memref<512x64xf32, #tpu.memory_space<vmem>>, vector<1x16xf32>,
      %get3A_398 = vector.shape_cast %get3A_397 : vector<1x16xf32> to vector<16xf32>
      %mul3A_399 = arith.mulf %mul3A_394, %get3A_398 : vector<16xf32>
      %add3A_400 = arith.addf %add3A_385, %mul3A_399 : vector<16xf32>
      %eq3A_401 = arith.constant 1 : i32
      %eq3A_402 = vector.broadcast %eq3A_401 : i32 to vector<16xi32>
      %eq3A_403 = arith.cmpi eq, %iota3A, %eq3A_402 : vector<16xi32>
      %xor3A_404 = arith.constant 8 : i32
      %xor3A_405 = vector.broadcast %xor3A_404 : i32 to vector<16xi32>
      %xor3A_406 = arith.xori %iota3A, %xor3A_405 : vector<16xi32>
      %broadcast_in_dim3A_407 = vector.shape_cast %xor3A_406 : vector<16xi32> to vector<16x1xi32>
      %gather3A_408 = vector.shape_cast %broadcast_in_dim3A_407 : vector<16x1xi32> to vector<16xi32>
      %gather3A_409 = tpu.dynamic_gather %add3A_400[%gather3A_408] in [0] : vector<16xf32>, vector<16xi32> -> vector<16xf32>
      %add3A_410 = arith.addf %add3A_400, %gather3A_409 : vector<16xf32>
      %xor3A_411 = arith.constant 4 : i32
      %xor3A_412 = vector.broadcast %xor3A_411 : i32 to vector<16xi32>
      %xor3A_413 = arith.xori %iota3A, %xor3A_412 : vector<16xi32>
      %broadcast_in_dim3A_414 = vector.shape_cast %xor3A_413 : vector<16xi32> to vector<16x1xi32>
      %gather3A_415 = vector.shape_cast %broadcast_in_dim3A_414 : vector<16x1xi32> to vector<16xi32>
      %gather3A_416 = tpu.dynamic_gather %add3A_410[%gather3A_415] in [0] : vector<16xf32>, vector<16xi32> -> vector<16xf32>
      %add3A_417 = arith.addf %add3A_410, %gather3A_416 : vector<16xf32>
      %xor3A_418 = arith.constant 2 : i32
      %xor3A_419 = vector.broadcast %xor3A_418 : i32 to vector<16xi32>
      %xor3A_420 = arith.xori %iota3A, %xor3A_419 : vector<16xi32>
      %broadcast_in_dim3A_421 = vector.shape_cast %xor3A_420 : vector<16xi32> to vector<16x1xi32>
      %gather3A_422 = vector.shape_cast %broadcast_in_dim3A_421 : vector<16x1xi32> to vector<16xi32>
      %gather3A_423 = tpu.dynamic_gather %add3A_417[%gather3A_422] in [0] : vector<16xf32>, vector<16xi32> -> vector<16xf32>
      %add3A_424 = arith.addf %add3A_417, %gather3A_423 : vector<16xf32>
      %xor3A_425 = arith.constant 1 : i32
      %xor3A_426 = vector.broadcast %xor3A_425 : i32 to vector<16xi32>
      %xor3A_427 = arith.xori %iota3A, %xor3A_426 : vector<16xi32>
      %broadcast_in_dim3A_428 = vector.shape_cast %xor3A_427 : vector<16xi32> to vector<16x1xi32>
      %gather3A_429 = vector.shape_cast %broadcast_in_dim3A_428 : vector<16x1xi32> to vector<16xi32>
      %gather3A_430 = tpu.dynamic_gather %add3A_424[%gather3A_429] in [0] : vector<16xf32>, vector<16xi32> -> vector<16xf32>
      %add3A_431 = arith.addf %add3A_424, %gather3A_430 : vector<16xf32>
      %select_n3A_432 = arith.select %eq3A_403, %add3A_431, %select_n3A : vector<16xi1>, vector<16xf32>
      %add3A_433 = arith.constant 2 : i32
      %add3A_434 = arith.addi %mul3A_250, %add3A_433 : i32
      %get3A_435 = arith.index_cast %add3A_434 : i32 to index
      %get3A_436 = arith.constant 0 : index
      %get3A_437 = tpu.vector_load %arg11[%get3A_435, %get3A_436] {strides = array<i32>} : memref<512x64xf32, #tpu.memory_space<vmem>>, vector<1x16xf32>,
      %get3A_438 = vector.shape_cast %get3A_437 : vector<1x16xf32> to vector<16xf32>
      %get3A_439 = arith.index_cast %add3A_434 : i32 to index
      %get3A_440 = arith.constant 0 : index
      %get3A_441 = tpu.vector_load %arg12[%get3A_439, %get3A_440] {strides = array<i32>} : memref<512x64xf32, #tpu.memory_space<vmem>>, vector<1x16xf32>,
      %get3A_442 = vector.shape_cast %get3A_441 : vector<1x16xf32> to vector<16xf32>
      %mul3A_443 = arith.mulf %get3A_438, %get3A_442 : vector<16xf32>
      %get3A_444 = arith.index_cast %add3A_434 : i32 to index
      %get3A_445 = arith.constant 0 : index
      %get3A_446 = tpu.vector_load %arg13[%get3A_444, %get3A_445] {strides = array<i32>} : memref<512x64xf32, #tpu.memory_space<vmem>>, vector<1x16xf32>,
      %get3A_447 = vector.shape_cast %get3A_446 : vector<1x16xf32> to vector<16xf32>
      %mul3A_448 = arith.mulf %mul3A_443, %get3A_447 : vector<16xf32>
      %get3A_449 = arith.index_cast %add3A_434 : i32 to index
      %get3A_450 = arith.constant 16 : index
      %get3A_451 = tpu.vector_load %arg11[%get3A_449, %get3A_450] {strides = array<i32>} : memref<512x64xf32, #tpu.memory_space<vmem>>, vector<1x16xf32>,
      %get3A_452 = vector.shape_cast %get3A_451 : vector<1x16xf32> to vector<16xf32>
      %get3A_453 = arith.index_cast %add3A_434 : i32 to index
      %get3A_454 = arith.constant 16 : index
      %get3A_455 = tpu.vector_load %arg12[%get3A_453, %get3A_454] {strides = array<i32>} : memref<512x64xf32, #tpu.memory_space<vmem>>, vector<1x16xf32>,
      %get3A_456 = vector.shape_cast %get3A_455 : vector<1x16xf32> to vector<16xf32>
      %mul3A_457 = arith.mulf %get3A_452, %get3A_456 : vector<16xf32>
      %get3A_458 = arith.index_cast %add3A_434 : i32 to index
      %get3A_459 = arith.constant 16 : index
      %get3A_460 = tpu.vector_load %arg13[%get3A_458, %get3A_459] {strides = array<i32>} : memref<512x64xf32, #tpu.memory_space<vmem>>, vector<1x16xf32>,
      %get3A_461 = vector.shape_cast %get3A_460 : vector<1x16xf32> to vector<16xf32>
      %mul3A_462 = arith.mulf %mul3A_457, %get3A_461 : vector<16xf32>
      %add3A_463 = arith.addf %mul3A_448, %mul3A_462 : vector<16xf32>
      %get3A_464 = arith.index_cast %add3A_434 : i32 to index
      %get3A_465 = arith.constant 32 : index
      %get3A_466 = tpu.vector_load %arg11[%get3A_464, %get3A_465] {strides = array<i32>} : memref<512x64xf32, #tpu.memory_space<vmem>>, vector<1x16xf32>,
      %get3A_467 = vector.shape_cast %get3A_466 : vector<1x16xf32> to vector<16xf32>
      %get3A_468 = arith.index_cast %add3A_434 : i32 to index
      %get3A_469 = arith.constant 32 : index
      %get3A_470 = tpu.vector_load %arg12[%get3A_468, %get3A_469] {strides = array<i32>} : memref<512x64xf32, #tpu.memory_space<vmem>>, vector<1x16xf32>,
      %get3A_471 = vector.shape_cast %get3A_470 : vector<1x16xf32> to vector<16xf32>
      %mul3A_472 = arith.mulf %get3A_467, %get3A_471 : vector<16xf32>
      %get3A_473 = arith.index_cast %add3A_434 : i32 to index
      %get3A_474 = arith.constant 32 : index
      %get3A_475 = tpu.vector_load %arg13[%get3A_473, %get3A_474] {strides = array<i32>} : memref<512x64xf32, #tpu.memory_space<vmem>>, vector<1x16xf32>,
      %get3A_476 = vector.shape_cast %get3A_475 : vector<1x16xf32> to vector<16xf32>
      %mul3A_477 = arith.mulf %mul3A_472, %get3A_476 : vector<16xf32>
      %add3A_478 = arith.addf %add3A_463, %mul3A_477 : vector<16xf32>
      %get3A_479 = arith.index_cast %add3A_434 : i32 to index
      %get3A_480 = arith.constant 48 : index
      %get3A_481 = tpu.vector_load %arg11[%get3A_479, %get3A_480] {strides = array<i32>} : memref<512x64xf32, #tpu.memory_space<vmem>>, vector<1x16xf32>,
      %get3A_482 = vector.shape_cast %get3A_481 : vector<1x16xf32> to vector<16xf32>
      %get3A_483 = arith.index_cast %add3A_434 : i32 to index
      %get3A_484 = arith.constant 48 : index
      %get3A_485 = tpu.vector_load %arg12[%get3A_483, %get3A_484] {strides = array<i32>} : memref<512x64xf32, #tpu.memory_space<vmem>>, vector<1x16xf32>,
      %get3A_486 = vector.shape_cast %get3A_485 : vector<1x16xf32> to vector<16xf32>
      %mul3A_487 = arith.mulf %get3A_482, %get3A_486 : vector<16xf32>
      %get3A_488 = arith.index_cast %add3A_434 : i32 to index
      %get3A_489 = arith.constant 48 : index
      %get3A_490 = tpu.vector_load %arg13[%get3A_488, %get3A_489] {strides = array<i32>} : memref<512x64xf32, #tpu.memory_space<vmem>>, vector<1x16xf32>,
      %get3A_491 = vector.shape_cast %get3A_490 : vector<1x16xf32> to vector<16xf32>
      %mul3A_492 = arith.mulf %mul3A_487, %get3A_491 : vector<16xf32>
      %add3A_493 = arith.addf %add3A_478, %mul3A_492 : vector<16xf32>
      %eq3A_494 = arith.constant 2 : i32
      %eq3A_495 = vector.broadcast %eq3A_494 : i32 to vector<16xi32>
      %eq3A_496 = arith.cmpi eq, %iota3A, %eq3A_495 : vector<16xi32>
      %xor3A_497 = arith.constant 8 : i32
      %xor3A_498 = vector.broadcast %xor3A_497 : i32 to vector<16xi32>
      %xor3A_499 = arith.xori %iota3A, %xor3A_498 : vector<16xi32>
      %broadcast_in_dim3A_500 = vector.shape_cast %xor3A_499 : vector<16xi32> to vector<16x1xi32>
      %gather3A_501 = vector.shape_cast %broadcast_in_dim3A_500 : vector<16x1xi32> to vector<16xi32>
      %gather3A_502 = tpu.dynamic_gather %add3A_493[%gather3A_501] in [0] : vector<16xf32>, vector<16xi32> -> vector<16xf32>
      %add3A_503 = arith.addf %add3A_493, %gather3A_502 : vector<16xf32>
      %xor3A_504 = arith.constant 4 : i32
      %xor3A_505 = vector.broadcast %xor3A_504 : i32 to vector<16xi32>
      %xor3A_506 = arith.xori %iota3A, %xor3A_505 : vector<16xi32>
      %broadcast_in_dim3A_507 = vector.shape_cast %xor3A_506 : vector<16xi32> to vector<16x1xi32>
      %gather3A_508 = vector.shape_cast %broadcast_in_dim3A_507 : vector<16x1xi32> to vector<16xi32>
      %gather3A_509 = tpu.dynamic_gather %add3A_503[%gather3A_508] in [0] : vector<16xf32>, vector<16xi32> -> vector<16xf32>
      %add3A_510 = arith.addf %add3A_503, %gather3A_509 : vector<16xf32>
      %xor3A_511 = arith.constant 2 : i32
      %xor3A_512 = vector.broadcast %xor3A_511 : i32 to vector<16xi32>
      %xor3A_513 = arith.xori %iota3A, %xor3A_512 : vector<16xi32>
      %broadcast_in_dim3A_514 = vector.shape_cast %xor3A_513 : vector<16xi32> to vector<16x1xi32>
      %gather3A_515 = vector.shape_cast %broadcast_in_dim3A_514 : vector<16x1xi32> to vector<16xi32>
      %gather3A_516 = tpu.dynamic_gather %add3A_510[%gather3A_515] in [0] : vector<16xf32>, vector<16xi32> -> vector<16xf32>
      %add3A_517 = arith.addf %add3A_510, %gather3A_516 : vector<16xf32>
      %xor3A_518 = arith.constant 1 : i32
      %xor3A_519 = vector.broadcast %xor3A_518 : i32 to vector<16xi32>
      %xor3A_520 = arith.xori %iota3A, %xor3A_519 : vector<16xi32>
      %broadcast_in_dim3A_521 = vector.shape_cast %xor3A_520 : vector<16xi32> to vector<16x1xi32>
      %gather3A_522 = vector.shape_cast %broadcast_in_dim3A_521 : vector<16x1xi32> to vector<16xi32>
      %gather3A_523 = tpu.dynamic_gather %add3A_517[%gather3A_522] in [0] : vector<16xf32>, vector<16xi32> -> vector<16xf32>
      %add3A_524 = arith.addf %add3A_517, %gather3A_523 : vector<16xf32>
      %select_n3A_525 = arith.select %eq3A_496, %add3A_524, %select_n3A_432 : vector<16xi1>, vector<16xf32>
      %add3A_526 = arith.constant 3 : i32
      %add3A_527 = arith.addi %mul3A_250, %add3A_526 : i32
      %get3A_528 = arith.index_cast %add3A_527 : i32 to index
      %get3A_529 = arith.constant 0 : index
      %get3A_530 = tpu.vector_load %arg11[%get3A_528, %get3A_529] {strides = array<i32>} : memref<512x64xf32, #tpu.memory_space<vmem>>, vector<1x16xf32>,
      %get3A_531 = vector.shape_cast %get3A_530 : vector<1x16xf32> to vector<16xf32>
      %get3A_532 = arith.index_cast %add3A_527 : i32 to index
      %get3A_533 = arith.constant 0 : index
      %get3A_534 = tpu.vector_load %arg12[%get3A_532, %get3A_533] {strides = array<i32>} : memref<512x64xf32, #tpu.memory_space<vmem>>, vector<1x16xf32>,
      %get3A_535 = vector.shape_cast %get3A_534 : vector<1x16xf32> to vector<16xf32>
      %mul3A_536 = arith.mulf %get3A_531, %get3A_535 : vector<16xf32>
      %get3A_537 = arith.index_cast %add3A_527 : i32 to index
      %get3A_538 = arith.constant 0 : index
      %get3A_539 = tpu.vector_load %arg13[%get3A_537, %get3A_538] {strides = array<i32>} : memref<512x64xf32, #tpu.memory_space<vmem>>, vector<1x16xf32>,
      %get3A_540 = vector.shape_cast %get3A_539 : vector<1x16xf32> to vector<16xf32>
      %mul3A_541 = arith.mulf %mul3A_536, %get3A_540 : vector<16xf32>
      %get3A_542 = arith.index_cast %add3A_527 : i32 to index
      %get3A_543 = arith.constant 16 : index
      %get3A_544 = tpu.vector_load %arg11[%get3A_542, %get3A_543] {strides = array<i32>} : memref<512x64xf32, #tpu.memory_space<vmem>>, vector<1x16xf32>,
      %get3A_545 = vector.shape_cast %get3A_544 : vector<1x16xf32> to vector<16xf32>
      %get3A_546 = arith.index_cast %add3A_527 : i32 to index
      %get3A_547 = arith.constant 16 : index
      %get3A_548 = tpu.vector_load %arg12[%get3A_546, %get3A_547] {strides = array<i32>} : memref<512x64xf32, #tpu.memory_space<vmem>>, vector<1x16xf32>,
      %get3A_549 = vector.shape_cast %get3A_548 : vector<1x16xf32> to vector<16xf32>
      %mul3A_550 = arith.mulf %get3A_545, %get3A_549 : vector<16xf32>
      %get3A_551 = arith.index_cast %add3A_527 : i32 to index
      %get3A_552 = arith.constant 16 : index
      %get3A_553 = tpu.vector_load %arg13[%get3A_551, %get3A_552] {strides = array<i32>} : memref<512x64xf32, #tpu.memory_space<vmem>>, vector<1x16xf32>,
      %get3A_554 = vector.shape_cast %get3A_553 : vector<1x16xf32> to vector<16xf32>
      %mul3A_555 = arith.mulf %mul3A_550, %get3A_554 : vector<16xf32>
      %add3A_556 = arith.addf %mul3A_541, %mul3A_555 : vector<16xf32>
      %get3A_557 = arith.index_cast %add3A_527 : i32 to index
      %get3A_558 = arith.constant 32 : index
      %get3A_559 = tpu.vector_load %arg11[%get3A_557, %get3A_558] {strides = array<i32>} : memref<512x64xf32, #tpu.memory_space<vmem>>, vector<1x16xf32>,
      %get3A_560 = vector.shape_cast %get3A_559 : vector<1x16xf32> to vector<16xf32>
      %get3A_561 = arith.index_cast %add3A_527 : i32 to index
      %get3A_562 = arith.constant 32 : index
      %get3A_563 = tpu.vector_load %arg12[%get3A_561, %get3A_562] {strides = array<i32>} : memref<512x64xf32, #tpu.memory_space<vmem>>, vector<1x16xf32>,
      %get3A_564 = vector.shape_cast %get3A_563 : vector<1x16xf32> to vector<16xf32>
      %mul3A_565 = arith.mulf %get3A_560, %get3A_564 : vector<16xf32>
      %get3A_566 = arith.index_cast %add3A_527 : i32 to index
      %get3A_567 = arith.constant 32 : index
      %get3A_568 = tpu.vector_load %arg13[%get3A_566, %get3A_567] {strides = array<i32>} : memref<512x64xf32, #tpu.memory_space<vmem>>, vector<1x16xf32>,
      %get3A_569 = vector.shape_cast %get3A_568 : vector<1x16xf32> to vector<16xf32>
      %mul3A_570 = arith.mulf %mul3A_565, %get3A_569 : vector<16xf32>
      %add3A_571 = arith.addf %add3A_556, %mul3A_570 : vector<16xf32>
      %get3A_572 = arith.index_cast %add3A_527 : i32 to index
      %get3A_573 = arith.constant 48 : index
      %get3A_574 = tpu.vector_load %arg11[%get3A_572, %get3A_573] {strides = array<i32>} : memref<512x64xf32, #tpu.memory_space<vmem>>, vector<1x16xf32>,
      %get3A_575 = vector.shape_cast %get3A_574 : vector<1x16xf32> to vector<16xf32>
      %get3A_576 = arith.index_cast %add3A_527 : i32 to index
      %get3A_577 = arith.constant 48 : index
      %get3A_578 = tpu.vector_load %arg12[%get3A_576, %get3A_577] {strides = array<i32>} : memref<512x64xf32, #tpu.memory_space<vmem>>, vector<1x16xf32>,
      %get3A_579 = vector.shape_cast %get3A_578 : vector<1x16xf32> to vector<16xf32>
      %mul3A_580 = arith.mulf %get3A_575, %get3A_579 : vector<16xf32>
      %get3A_581 = arith.index_cast %add3A_527 : i32 to index
      %get3A_582 = arith.constant 48 : index
      %get3A_583 = tpu.vector_load %arg13[%get3A_581, %get3A_582] {strides = array<i32>} : memref<512x64xf32, #tpu.memory_space<vmem>>, vector<1x16xf32>,
      %get3A_584 = vector.shape_cast %get3A_583 : vector<1x16xf32> to vector<16xf32>
      %mul3A_585 = arith.mulf %mul3A_580, %get3A_584 : vector<16xf32>
      %add3A_586 = arith.addf %add3A_571, %mul3A_585 : vector<16xf32>
      %eq3A_587 = arith.constant 3 : i32
      %eq3A_588 = vector.broadcast %eq3A_587 : i32 to vector<16xi32>
      %eq3A_589 = arith.cmpi eq, %iota3A, %eq3A_588 : vector<16xi32>
      %xor3A_590 = arith.constant 8 : i32
      %xor3A_591 = vector.broadcast %xor3A_590 : i32 to vector<16xi32>
      %xor3A_592 = arith.xori %iota3A, %xor3A_591 : vector<16xi32>
      %broadcast_in_dim3A_593 = vector.shape_cast %xor3A_592 : vector<16xi32> to vector<16x1xi32>
      %gather3A_594 = vector.shape_cast %broadcast_in_dim3A_593 : vector<16x1xi32> to vector<16xi32>
      %gather3A_595 = tpu.dynamic_gather %add3A_586[%gather3A_594] in [0] : vector<16xf32>, vector<16xi32> -> vector<16xf32>
      %add3A_596 = arith.addf %add3A_586, %gather3A_595 : vector<16xf32>
      %xor3A_597 = arith.constant 4 : i32
      %xor3A_598 = vector.broadcast %xor3A_597 : i32 to vector<16xi32>
      %xor3A_599 = arith.xori %iota3A, %xor3A_598 : vector<16xi32>
      %broadcast_in_dim3A_600 = vector.shape_cast %xor3A_599 : vector<16xi32> to vector<16x1xi32>
      %gather3A_601 = vector.shape_cast %broadcast_in_dim3A_600 : vector<16x1xi32> to vector<16xi32>
      %gather3A_602 = tpu.dynamic_gather %add3A_596[%gather3A_601] in [0] : vector<16xf32>, vector<16xi32> -> vector<16xf32>
      %add3A_603 = arith.addf %add3A_596, %gather3A_602 : vector<16xf32>
      %xor3A_604 = arith.constant 2 : i32
      %xor3A_605 = vector.broadcast %xor3A_604 : i32 to vector<16xi32>
      %xor3A_606 = arith.xori %iota3A, %xor3A_605 : vector<16xi32>
      %broadcast_in_dim3A_607 = vector.shape_cast %xor3A_606 : vector<16xi32> to vector<16x1xi32>
      %gather3A_608 = vector.shape_cast %broadcast_in_dim3A_607 : vector<16x1xi32> to vector<16xi32>
      %gather3A_609 = tpu.dynamic_gather %add3A_603[%gather3A_608] in [0] : vector<16xf32>, vector<16xi32> -> vector<16xf32>
      %add3A_610 = arith.addf %add3A_603, %gather3A_609 : vector<16xf32>
      %xor3A_611 = arith.constant 1 : i32
      %xor3A_612 = vector.broadcast %xor3A_611 : i32 to vector<16xi32>
      %xor3A_613 = arith.xori %iota3A, %xor3A_612 : vector<16xi32>
      %broadcast_in_dim3A_614 = vector.shape_cast %xor3A_613 : vector<16xi32> to vector<16x1xi32>
      %gather3A_615 = vector.shape_cast %broadcast_in_dim3A_614 : vector<16x1xi32> to vector<16xi32>
      %gather3A_616 = tpu.dynamic_gather %add3A_610[%gather3A_615] in [0] : vector<16xf32>, vector<16xi32> -> vector<16xf32>
      %add3A_617 = arith.addf %add3A_610, %gather3A_616 : vector<16xf32>
      %select_n3A_618 = arith.select %eq3A_589, %add3A_617, %select_n3A_525 : vector<16xi1>, vector<16xf32>
      %add3A_619 = arith.constant 4 : i32
      %add3A_620 = arith.addi %mul3A_250, %add3A_619 : i32
      %get3A_621 = arith.index_cast %add3A_620 : i32 to index
      %get3A_622 = arith.constant 0 : index
      %get3A_623 = tpu.vector_load %arg11[%get3A_621, %get3A_622] {strides = array<i32>} : memref<512x64xf32, #tpu.memory_space<vmem>>, vector<1x16xf32>,
      %get3A_624 = vector.shape_cast %get3A_623 : vector<1x16xf32> to vector<16xf32>
      %get3A_625 = arith.index_cast %add3A_620 : i32 to index
      %get3A_626 = arith.constant 0 : index
      %get3A_627 = tpu.vector_load %arg12[%get3A_625, %get3A_626] {strides = array<i32>} : memref<512x64xf32, #tpu.memory_space<vmem>>, vector<1x16xf32>,
      %get3A_628 = vector.shape_cast %get3A_627 : vector<1x16xf32> to vector<16xf32>
      %mul3A_629 = arith.mulf %get3A_624, %get3A_628 : vector<16xf32>
      %get3A_630 = arith.index_cast %add3A_620 : i32 to index
      %get3A_631 = arith.constant 0 : index
      %get3A_632 = tpu.vector_load %arg13[%get3A_630, %get3A_631] {strides = array<i32>} : memref<512x64xf32, #tpu.memory_space<vmem>>, vector<1x16xf32>,
      %get3A_633 = vector.shape_cast %get3A_632 : vector<1x16xf32> to vector<16xf32>
      %mul3A_634 = arith.mulf %mul3A_629, %get3A_633 : vector<16xf32>
      %get3A_635 = arith.index_cast %add3A_620 : i32 to index
      %get3A_636 = arith.constant 16 : index
      %get3A_637 = tpu.vector_load %arg11[%get3A_635, %get3A_636] {strides = array<i32>} : memref<512x64xf32, #tpu.memory_space<vmem>>, vector<1x16xf32>,
      %get3A_638 = vector.shape_cast %get3A_637 : vector<1x16xf32> to vector<16xf32>
      %get3A_639 = arith.index_cast %add3A_620 : i32 to index
      %get3A_640 = arith.constant 16 : index
      %get3A_641 = tpu.vector_load %arg12[%get3A_639, %get3A_640] {strides = array<i32>} : memref<512x64xf32, #tpu.memory_space<vmem>>, vector<1x16xf32>,
      %get3A_642 = vector.shape_cast %get3A_641 : vector<1x16xf32> to vector<16xf32>
      %mul3A_643 = arith.mulf %get3A_638, %get3A_642 : vector<16xf32>
      %get3A_644 = arith.index_cast %add3A_620 : i32 to index
      %get3A_645 = arith.constant 16 : index
      %get3A_646 = tpu.vector_load %arg13[%get3A_644, %get3A_645] {strides = array<i32>} : memref<512x64xf32, #tpu.memory_space<vmem>>, vector<1x16xf32>,
      %get3A_647 = vector.shape_cast %get3A_646 : vector<1x16xf32> to vector<16xf32>
      %mul3A_648 = arith.mulf %mul3A_643, %get3A_647 : vector<16xf32>
      %add3A_649 = arith.addf %mul3A_634, %mul3A_648 : vector<16xf32>
      %get3A_650 = arith.index_cast %add3A_620 : i32 to index
      %get3A_651 = arith.constant 32 : index
      %get3A_652 = tpu.vector_load %arg11[%get3A_650, %get3A_651] {strides = array<i32>} : memref<512x64xf32, #tpu.memory_space<vmem>>, vector<1x16xf32>,
      %get3A_653 = vector.shape_cast %get3A_652 : vector<1x16xf32> to vector<16xf32>
      %get3A_654 = arith.index_cast %add3A_620 : i32 to index
      %get3A_655 = arith.constant 32 : index
      %get3A_656 = tpu.vector_load %arg12[%get3A_654, %get3A_655] {strides = array<i32>} : memref<512x64xf32, #tpu.memory_space<vmem>>, vector<1x16xf32>,
      %get3A_657 = vector.shape_cast %get3A_656 : vector<1x16xf32> to vector<16xf32>
      %mul3A_658 = arith.mulf %get3A_653, %get3A_657 : vector<16xf32>
      %get3A_659 = arith.index_cast %add3A_620 : i32 to index
      %get3A_660 = arith.constant 32 : index
      %get3A_661 = tpu.vector_load %arg13[%get3A_659, %get3A_660] {strides = array<i32>} : memref<512x64xf32, #tpu.memory_space<vmem>>, vector<1x16xf32>,
      %get3A_662 = vector.shape_cast %get3A_661 : vector<1x16xf32> to vector<16xf32>
      %mul3A_663 = arith.mulf %mul3A_658, %get3A_662 : vector<16xf32>
      %add3A_664 = arith.addf %add3A_649, %mul3A_663 : vector<16xf32>
      %get3A_665 = arith.index_cast %add3A_620 : i32 to index
      %get3A_666 = arith.constant 48 : index
      %get3A_667 = tpu.vector_load %arg11[%get3A_665, %get3A_666] {strides = array<i32>} : memref<512x64xf32, #tpu.memory_space<vmem>>, vector<1x16xf32>,
      %get3A_668 = vector.shape_cast %get3A_667 : vector<1x16xf32> to vector<16xf32>
      %get3A_669 = arith.index_cast %add3A_620 : i32 to index
      %get3A_670 = arith.constant 48 : index
      %get3A_671 = tpu.vector_load %arg12[%get3A_669, %get3A_670] {strides = array<i32>} : memref<512x64xf32, #tpu.memory_space<vmem>>, vector<1x16xf32>,
      %get3A_672 = vector.shape_cast %get3A_671 : vector<1x16xf32> to vector<16xf32>
      %mul3A_673 = arith.mulf %get3A_668, %get3A_672 : vector<16xf32>
      %get3A_674 = arith.index_cast %add3A_620 : i32 to index
      %get3A_675 = arith.constant 48 : index
      %get3A_676 = tpu.vector_load %arg13[%get3A_674, %get3A_675] {strides = array<i32>} : memref<512x64xf32, #tpu.memory_space<vmem>>, vector<1x16xf32>,
      %get3A_677 = vector.shape_cast %get3A_676 : vector<1x16xf32> to vector<16xf32>
      %mul3A_678 = arith.mulf %mul3A_673, %get3A_677 : vector<16xf32>
      %add3A_679 = arith.addf %add3A_664, %mul3A_678 : vector<16xf32>
      %eq3A_680 = arith.constant 4 : i32
      %eq3A_681 = vector.broadcast %eq3A_680 : i32 to vector<16xi32>
      %eq3A_682 = arith.cmpi eq, %iota3A, %eq3A_681 : vector<16xi32>
      %xor3A_683 = arith.constant 8 : i32
      %xor3A_684 = vector.broadcast %xor3A_683 : i32 to vector<16xi32>
      %xor3A_685 = arith.xori %iota3A, %xor3A_684 : vector<16xi32>
      %broadcast_in_dim3A_686 = vector.shape_cast %xor3A_685 : vector<16xi32> to vector<16x1xi32>
      %gather3A_687 = vector.shape_cast %broadcast_in_dim3A_686 : vector<16x1xi32> to vector<16xi32>
      %gather3A_688 = tpu.dynamic_gather %add3A_679[%gather3A_687] in [0] : vector<16xf32>, vector<16xi32> -> vector<16xf32>
      %add3A_689 = arith.addf %add3A_679, %gather3A_688 : vector<16xf32>
      %xor3A_690 = arith.constant 4 : i32
      %xor3A_691 = vector.broadcast %xor3A_690 : i32 to vector<16xi32>
      %xor3A_692 = arith.xori %iota3A, %xor3A_691 : vector<16xi32>
      %broadcast_in_dim3A_693 = vector.shape_cast %xor3A_692 : vector<16xi32> to vector<16x1xi32>
      %gather3A_694 = vector.shape_cast %broadcast_in_dim3A_693 : vector<16x1xi32> to vector<16xi32>
      %gather3A_695 = tpu.dynamic_gather %add3A_689[%gather3A_694] in [0] : vector<16xf32>, vector<16xi32> -> vector<16xf32>
      %add3A_696 = arith.addf %add3A_689, %gather3A_695 : vector<16xf32>
      %xor3A_697 = arith.constant 2 : i32
      %xor3A_698 = vector.broadcast %xor3A_697 : i32 to vector<16xi32>
      %xor3A_699 = arith.xori %iota3A, %xor3A_698 : vector<16xi32>
      %broadcast_in_dim3A_700 = vector.shape_cast %xor3A_699 : vector<16xi32> to vector<16x1xi32>
      %gather3A_701 = vector.shape_cast %broadcast_in_dim3A_700 : vector<16x1xi32> to vector<16xi32>
      %gather3A_702 = tpu.dynamic_gather %add3A_696[%gather3A_701] in [0] : vector<16xf32>, vector<16xi32> -> vector<16xf32>
      %add3A_703 = arith.addf %add3A_696, %gather3A_702 : vector<16xf32>
      %xor3A_704 = arith.constant 1 : i32
      %xor3A_705 = vector.broadcast %xor3A_704 : i32 to vector<16xi32>
      %xor3A_706 = arith.xori %iota3A, %xor3A_705 : vector<16xi32>
      %broadcast_in_dim3A_707 = vector.shape_cast %xor3A_706 : vector<16xi32> to vector<16x1xi32>
      %gather3A_708 = vector.shape_cast %broadcast_in_dim3A_707 : vector<16x1xi32> to vector<16xi32>
      %gather3A_709 = tpu.dynamic_gather %add3A_703[%gather3A_708] in [0] : vector<16xf32>, vector<16xi32> -> vector<16xf32>
      %add3A_710 = arith.addf %add3A_703, %gather3A_709 : vector<16xf32>
      %select_n3A_711 = arith.select %eq3A_682, %add3A_710, %select_n3A_618 : vector<16xi1>, vector<16xf32>
      %add3A_712 = arith.constant 5 : i32
      %add3A_713 = arith.addi %mul3A_250, %add3A_712 : i32
      %get3A_714 = arith.index_cast %add3A_713 : i32 to index
      %get3A_715 = arith.constant 0 : index
      %get3A_716 = tpu.vector_load %arg11[%get3A_714, %get3A_715] {strides = array<i32>} : memref<512x64xf32, #tpu.memory_space<vmem>>, vector<1x16xf32>,
      %get3A_717 = vector.shape_cast %get3A_716 : vector<1x16xf32> to vector<16xf32>
      %get3A_718 = arith.index_cast %add3A_713 : i32 to index
      %get3A_719 = arith.constant 0 : index
      %get3A_720 = tpu.vector_load %arg12[%get3A_718, %get3A_719] {strides = array<i32>} : memref<512x64xf32, #tpu.memory_space<vmem>>, vector<1x16xf32>,
      %get3A_721 = vector.shape_cast %get3A_720 : vector<1x16xf32> to vector<16xf32>
      %mul3A_722 = arith.mulf %get3A_717, %get3A_721 : vector<16xf32>
      %get3A_723 = arith.index_cast %add3A_713 : i32 to index
      %get3A_724 = arith.constant 0 : index
      %get3A_725 = tpu.vector_load %arg13[%get3A_723, %get3A_724] {strides = array<i32>} : memref<512x64xf32, #tpu.memory_space<vmem>>, vector<1x16xf32>,
      %get3A_726 = vector.shape_cast %get3A_725 : vector<1x16xf32> to vector<16xf32>
      %mul3A_727 = arith.mulf %mul3A_722, %get3A_726 : vector<16xf32>
      %get3A_728 = arith.index_cast %add3A_713 : i32 to index
      %get3A_729 = arith.constant 16 : index
      %get3A_730 = tpu.vector_load %arg11[%get3A_728, %get3A_729] {strides = array<i32>} : memref<512x64xf32, #tpu.memory_space<vmem>>, vector<1x16xf32>,
      %get3A_731 = vector.shape_cast %get3A_730 : vector<1x16xf32> to vector<16xf32>
      %get3A_732 = arith.index_cast %add3A_713 : i32 to index
      %get3A_733 = arith.constant 16 : index
      %get3A_734 = tpu.vector_load %arg12[%get3A_732, %get3A_733] {strides = array<i32>} : memref<512x64xf32, #tpu.memory_space<vmem>>, vector<1x16xf32>,
      %get3A_735 = vector.shape_cast %get3A_734 : vector<1x16xf32> to vector<16xf32>
      %mul3A_736 = arith.mulf %get3A_731, %get3A_735 : vector<16xf32>
      %get3A_737 = arith.index_cast %add3A_713 : i32 to index
      %get3A_738 = arith.constant 16 : index
      %get3A_739 = tpu.vector_load %arg13[%get3A_737, %get3A_738] {strides = array<i32>} : memref<512x64xf32, #tpu.memory_space<vmem>>, vector<1x16xf32>,
      %get3A_740 = vector.shape_cast %get3A_739 : vector<1x16xf32> to vector<16xf32>
      %mul3A_741 = arith.mulf %mul3A_736, %get3A_740 : vector<16xf32>
      %add3A_742 = arith.addf %mul3A_727, %mul3A_741 : vector<16xf32>
      %get3A_743 = arith.index_cast %add3A_713 : i32 to index
      %get3A_744 = arith.constant 32 : index
      %get3A_745 = tpu.vector_load %arg11[%get3A_743, %get3A_744] {strides = array<i32>} : memref<512x64xf32, #tpu.memory_space<vmem>>, vector<1x16xf32>,
      %get3A_746 = vector.shape_cast %get3A_745 : vector<1x16xf32> to vector<16xf32>
      %get3A_747 = arith.index_cast %add3A_713 : i32 to index
      %get3A_748 = arith.constant 32 : index
      %get3A_749 = tpu.vector_load %arg12[%get3A_747, %get3A_748] {strides = array<i32>} : memref<512x64xf32, #tpu.memory_space<vmem>>, vector<1x16xf32>,
      %get3A_750 = vector.shape_cast %get3A_749 : vector<1x16xf32> to vector<16xf32>
      %mul3A_751 = arith.mulf %get3A_746, %get3A_750 : vector<16xf32>
      %get3A_752 = arith.index_cast %add3A_713 : i32 to index
      %get3A_753 = arith.constant 32 : index
      %get3A_754 = tpu.vector_load %arg13[%get3A_752, %get3A_753] {strides = array<i32>} : memref<512x64xf32, #tpu.memory_space<vmem>>, vector<1x16xf32>,
      %get3A_755 = vector.shape_cast %get3A_754 : vector<1x16xf32> to vector<16xf32>
      %mul3A_756 = arith.mulf %mul3A_751, %get3A_755 : vector<16xf32>
      %add3A_757 = arith.addf %add3A_742, %mul3A_756 : vector<16xf32>
      %get3A_758 = arith.index_cast %add3A_713 : i32 to index
      %get3A_759 = arith.constant 48 : index
      %get3A_760 = tpu.vector_load %arg11[%get3A_758, %get3A_759] {strides = array<i32>} : memref<512x64xf32, #tpu.memory_space<vmem>>, vector<1x16xf32>,
      %get3A_761 = vector.shape_cast %get3A_760 : vector<1x16xf32> to vector<16xf32>
      %get3A_762 = arith.index_cast %add3A_713 : i32 to index
      %get3A_763 = arith.constant 48 : index
      %get3A_764 = tpu.vector_load %arg12[%get3A_762, %get3A_763] {strides = array<i32>} : memref<512x64xf32, #tpu.memory_space<vmem>>, vector<1x16xf32>,
      %get3A_765 = vector.shape_cast %get3A_764 : vector<1x16xf32> to vector<16xf32>
      %mul3A_766 = arith.mulf %get3A_761, %get3A_765 : vector<16xf32>
      %get3A_767 = arith.index_cast %add3A_713 : i32 to index
      %get3A_768 = arith.constant 48 : index
      %get3A_769 = tpu.vector_load %arg13[%get3A_767, %get3A_768] {strides = array<i32>} : memref<512x64xf32, #tpu.memory_space<vmem>>, vector<1x16xf32>,
      %get3A_770 = vector.shape_cast %get3A_769 : vector<1x16xf32> to vector<16xf32>
      %mul3A_771 = arith.mulf %mul3A_766, %get3A_770 : vector<16xf32>
      %add3A_772 = arith.addf %add3A_757, %mul3A_771 : vector<16xf32>
      %eq3A_773 = arith.constant 5 : i32
      %eq3A_774 = vector.broadcast %eq3A_773 : i32 to vector<16xi32>
      %eq3A_775 = arith.cmpi eq, %iota3A, %eq3A_774 : vector<16xi32>
      %xor3A_776 = arith.constant 8 : i32
      %xor3A_777 = vector.broadcast %xor3A_776 : i32 to vector<16xi32>
      %xor3A_778 = arith.xori %iota3A, %xor3A_777 : vector<16xi32>
      %broadcast_in_dim3A_779 = vector.shape_cast %xor3A_778 : vector<16xi32> to vector<16x1xi32>
      %gather3A_780 = vector.shape_cast %broadcast_in_dim3A_779 : vector<16x1xi32> to vector<16xi32>
      %gather3A_781 = tpu.dynamic_gather %add3A_772[%gather3A_780] in [0] : vector<16xf32>, vector<16xi32> -> vector<16xf32>
      %add3A_782 = arith.addf %add3A_772, %gather3A_781 : vector<16xf32>
      %xor3A_783 = arith.constant 4 : i32
      %xor3A_784 = vector.broadcast %xor3A_783 : i32 to vector<16xi32>
      %xor3A_785 = arith.xori %iota3A, %xor3A_784 : vector<16xi32>
      %broadcast_in_dim3A_786 = vector.shape_cast %xor3A_785 : vector<16xi32> to vector<16x1xi32>
      %gather3A_787 = vector.shape_cast %broadcast_in_dim3A_786 : vector<16x1xi32> to vector<16xi32>
      %gather3A_788 = tpu.dynamic_gather %add3A_782[%gather3A_787] in [0] : vector<16xf32>, vector<16xi32> -> vector<16xf32>
      %add3A_789 = arith.addf %add3A_782, %gather3A_788 : vector<16xf32>
      %xor3A_790 = arith.constant 2 : i32
      %xor3A_791 = vector.broadcast %xor3A_790 : i32 to vector<16xi32>
      %xor3A_792 = arith.xori %iota3A, %xor3A_791 : vector<16xi32>
      %broadcast_in_dim3A_793 = vector.shape_cast %xor3A_792 : vector<16xi32> to vector<16x1xi32>
      %gather3A_794 = vector.shape_cast %broadcast_in_dim3A_793 : vector<16x1xi32> to vector<16xi32>
      %gather3A_795 = tpu.dynamic_gather %add3A_789[%gather3A_794] in [0] : vector<16xf32>, vector<16xi32> -> vector<16xf32>
      %add3A_796 = arith.addf %add3A_789, %gather3A_795 : vector<16xf32>
      %xor3A_797 = arith.constant 1 : i32
      %xor3A_798 = vector.broadcast %xor3A_797 : i32 to vector<16xi32>
      %xor3A_799 = arith.xori %iota3A, %xor3A_798 : vector<16xi32>
      %broadcast_in_dim3A_800 = vector.shape_cast %xor3A_799 : vector<16xi32> to vector<16x1xi32>
      %gather3A_801 = vector.shape_cast %broadcast_in_dim3A_800 : vector<16x1xi32> to vector<16xi32>
      %gather3A_802 = tpu.dynamic_gather %add3A_796[%gather3A_801] in [0] : vector<16xf32>, vector<16xi32> -> vector<16xf32>
      %add3A_803 = arith.addf %add3A_796, %gather3A_802 : vector<16xf32>
      %select_n3A_804 = arith.select %eq3A_775, %add3A_803, %select_n3A_711 : vector<16xi1>, vector<16xf32>
      %add3A_805 = arith.constant 6 : i32
      %add3A_806 = arith.addi %mul3A_250, %add3A_805 : i32
      %get3A_807 = arith.index_cast %add3A_806 : i32 to index
      %get3A_808 = arith.constant 0 : index
      %get3A_809 = tpu.vector_load %arg11[%get3A_807, %get3A_808] {strides = array<i32>} : memref<512x64xf32, #tpu.memory_space<vmem>>, vector<1x16xf32>,
      %get3A_810 = vector.shape_cast %get3A_809 : vector<1x16xf32> to vector<16xf32>
      %get3A_811 = arith.index_cast %add3A_806 : i32 to index
      %get3A_812 = arith.constant 0 : index
      %get3A_813 = tpu.vector_load %arg12[%get3A_811, %get3A_812] {strides = array<i32>} : memref<512x64xf32, #tpu.memory_space<vmem>>, vector<1x16xf32>,
      %get3A_814 = vector.shape_cast %get3A_813 : vector<1x16xf32> to vector<16xf32>
      %mul3A_815 = arith.mulf %get3A_810, %get3A_814 : vector<16xf32>
      %get3A_816 = arith.index_cast %add3A_806 : i32 to index
      %get3A_817 = arith.constant 0 : index
      %get3A_818 = tpu.vector_load %arg13[%get3A_816, %get3A_817] {strides = array<i32>} : memref<512x64xf32, #tpu.memory_space<vmem>>, vector<1x16xf32>,
      %get3A_819 = vector.shape_cast %get3A_818 : vector<1x16xf32> to vector<16xf32>
      %mul3A_820 = arith.mulf %mul3A_815, %get3A_819 : vector<16xf32>
      %get3A_821 = arith.index_cast %add3A_806 : i32 to index
      %get3A_822 = arith.constant 16 : index
      %get3A_823 = tpu.vector_load %arg11[%get3A_821, %get3A_822] {strides = array<i32>} : memref<512x64xf32, #tpu.memory_space<vmem>>, vector<1x16xf32>,
      %get3A_824 = vector.shape_cast %get3A_823 : vector<1x16xf32> to vector<16xf32>
      %get3A_825 = arith.index_cast %add3A_806 : i32 to index
      %get3A_826 = arith.constant 16 : index
      %get3A_827 = tpu.vector_load %arg12[%get3A_825, %get3A_826] {strides = array<i32>} : memref<512x64xf32, #tpu.memory_space<vmem>>, vector<1x16xf32>,
      %get3A_828 = vector.shape_cast %get3A_827 : vector<1x16xf32> to vector<16xf32>
      %mul3A_829 = arith.mulf %get3A_824, %get3A_828 : vector<16xf32>
      %get3A_830 = arith.index_cast %add3A_806 : i32 to index
      %get3A_831 = arith.constant 16 : index
      %get3A_832 = tpu.vector_load %arg13[%get3A_830, %get3A_831] {strides = array<i32>} : memref<512x64xf32, #tpu.memory_space<vmem>>, vector<1x16xf32>,
      %get3A_833 = vector.shape_cast %get3A_832 : vector<1x16xf32> to vector<16xf32>
      %mul3A_834 = arith.mulf %mul3A_829, %get3A_833 : vector<16xf32>
      %add3A_835 = arith.addf %mul3A_820, %mul3A_834 : vector<16xf32>
      %get3A_836 = arith.index_cast %add3A_806 : i32 to index
      %get3A_837 = arith.constant 32 : index
      %get3A_838 = tpu.vector_load %arg11[%get3A_836, %get3A_837] {strides = array<i32>} : memref<512x64xf32, #tpu.memory_space<vmem>>, vector<1x16xf32>,
      %get3A_839 = vector.shape_cast %get3A_838 : vector<1x16xf32> to vector<16xf32>
      %get3A_840 = arith.index_cast %add3A_806 : i32 to index
      %get3A_841 = arith.constant 32 : index
      %get3A_842 = tpu.vector_load %arg12[%get3A_840, %get3A_841] {strides = array<i32>} : memref<512x64xf32, #tpu.memory_space<vmem>>, vector<1x16xf32>,
      %get3A_843 = vector.shape_cast %get3A_842 : vector<1x16xf32> to vector<16xf32>
      %mul3A_844 = arith.mulf %get3A_839, %get3A_843 : vector<16xf32>
      %get3A_845 = arith.index_cast %add3A_806 : i32 to index
      %get3A_846 = arith.constant 32 : index
      %get3A_847 = tpu.vector_load %arg13[%get3A_845, %get3A_846] {strides = array<i32>} : memref<512x64xf32, #tpu.memory_space<vmem>>, vector<1x16xf32>,
      %get3A_848 = vector.shape_cast %get3A_847 : vector<1x16xf32> to vector<16xf32>
      %mul3A_849 = arith.mulf %mul3A_844, %get3A_848 : vector<16xf32>
      %add3A_850 = arith.addf %add3A_835, %mul3A_849 : vector<16xf32>
      %get3A_851 = arith.index_cast %add3A_806 : i32 to index
      %get3A_852 = arith.constant 48 : index
      %get3A_853 = tpu.vector_load %arg11[%get3A_851, %get3A_852] {strides = array<i32>} : memref<512x64xf32, #tpu.memory_space<vmem>>, vector<1x16xf32>,
      %get3A_854 = vector.shape_cast %get3A_853 : vector<1x16xf32> to vector<16xf32>
      %get3A_855 = arith.index_cast %add3A_806 : i32 to index
      %get3A_856 = arith.constant 48 : index
      %get3A_857 = tpu.vector_load %arg12[%get3A_855, %get3A_856] {strides = array<i32>} : memref<512x64xf32, #tpu.memory_space<vmem>>, vector<1x16xf32>,
      %get3A_858 = vector.shape_cast %get3A_857 : vector<1x16xf32> to vector<16xf32>
      %mul3A_859 = arith.mulf %get3A_854, %get3A_858 : vector<16xf32>
      %get3A_860 = arith.index_cast %add3A_806 : i32 to index
      %get3A_861 = arith.constant 48 : index
      %get3A_862 = tpu.vector_load %arg13[%get3A_860, %get3A_861] {strides = array<i32>} : memref<512x64xf32, #tpu.memory_space<vmem>>, vector<1x16xf32>,
      %get3A_863 = vector.shape_cast %get3A_862 : vector<1x16xf32> to vector<16xf32>
      %mul3A_864 = arith.mulf %mul3A_859, %get3A_863 : vector<16xf32>
      %add3A_865 = arith.addf %add3A_850, %mul3A_864 : vector<16xf32>
      %eq3A_866 = arith.constant 6 : i32
      %eq3A_867 = vector.broadcast %eq3A_866 : i32 to vector<16xi32>
      %eq3A_868 = arith.cmpi eq, %iota3A, %eq3A_867 : vector<16xi32>
      %xor3A_869 = arith.constant 8 : i32
      %xor3A_870 = vector.broadcast %xor3A_869 : i32 to vector<16xi32>
      %xor3A_871 = arith.xori %iota3A, %xor3A_870 : vector<16xi32>
      %broadcast_in_dim3A_872 = vector.shape_cast %xor3A_871 : vector<16xi32> to vector<16x1xi32>
      %gather3A_873 = vector.shape_cast %broadcast_in_dim3A_872 : vector<16x1xi32> to vector<16xi32>
      %gather3A_874 = tpu.dynamic_gather %add3A_865[%gather3A_873] in [0] : vector<16xf32>, vector<16xi32> -> vector<16xf32>
      %add3A_875 = arith.addf %add3A_865, %gather3A_874 : vector<16xf32>
      %xor3A_876 = arith.constant 4 : i32
      %xor3A_877 = vector.broadcast %xor3A_876 : i32 to vector<16xi32>
      %xor3A_878 = arith.xori %iota3A, %xor3A_877 : vector<16xi32>
      %broadcast_in_dim3A_879 = vector.shape_cast %xor3A_878 : vector<16xi32> to vector<16x1xi32>
      %gather3A_880 = vector.shape_cast %broadcast_in_dim3A_879 : vector<16x1xi32> to vector<16xi32>
      %gather3A_881 = tpu.dynamic_gather %add3A_875[%gather3A_880] in [0] : vector<16xf32>, vector<16xi32> -> vector<16xf32>
      %add3A_882 = arith.addf %add3A_875, %gather3A_881 : vector<16xf32>
      %xor3A_883 = arith.constant 2 : i32
      %xor3A_884 = vector.broadcast %xor3A_883 : i32 to vector<16xi32>
      %xor3A_885 = arith.xori %iota3A, %xor3A_884 : vector<16xi32>
      %broadcast_in_dim3A_886 = vector.shape_cast %xor3A_885 : vector<16xi32> to vector<16x1xi32>
      %gather3A_887 = vector.shape_cast %broadcast_in_dim3A_886 : vector<16x1xi32> to vector<16xi32>
      %gather3A_888 = tpu.dynamic_gather %add3A_882[%gather3A_887] in [0] : vector<16xf32>, vector<16xi32> -> vector<16xf32>
      %add3A_889 = arith.addf %add3A_882, %gather3A_888 : vector<16xf32>
      %xor3A_890 = arith.constant 1 : i32
      %xor3A_891 = vector.broadcast %xor3A_890 : i32 to vector<16xi32>
      %xor3A_892 = arith.xori %iota3A, %xor3A_891 : vector<16xi32>
      %broadcast_in_dim3A_893 = vector.shape_cast %xor3A_892 : vector<16xi32> to vector<16x1xi32>
      %gather3A_894 = vector.shape_cast %broadcast_in_dim3A_893 : vector<16x1xi32> to vector<16xi32>
      %gather3A_895 = tpu.dynamic_gather %add3A_889[%gather3A_894] in [0] : vector<16xf32>, vector<16xi32> -> vector<16xf32>
      %add3A_896 = arith.addf %add3A_889, %gather3A_895 : vector<16xf32>
      %select_n3A_897 = arith.select %eq3A_868, %add3A_896, %select_n3A_804 : vector<16xi1>, vector<16xf32>
      %add3A_898 = arith.constant 7 : i32
      %add3A_899 = arith.addi %mul3A_250, %add3A_898 : i32
      %get3A_900 = arith.index_cast %add3A_899 : i32 to index
      %get3A_901 = arith.constant 0 : index
      %get3A_902 = tpu.vector_load %arg11[%get3A_900, %get3A_901] {strides = array<i32>} : memref<512x64xf32, #tpu.memory_space<vmem>>, vector<1x16xf32>,
      %get3A_903 = vector.shape_cast %get3A_902 : vector<1x16xf32> to vector<16xf32>
      %get3A_904 = arith.index_cast %add3A_899 : i32 to index
      %get3A_905 = arith.constant 0 : index
      %get3A_906 = tpu.vector_load %arg12[%get3A_904, %get3A_905] {strides = array<i32>} : memref<512x64xf32, #tpu.memory_space<vmem>>, vector<1x16xf32>,
      %get3A_907 = vector.shape_cast %get3A_906 : vector<1x16xf32> to vector<16xf32>
      %mul3A_908 = arith.mulf %get3A_903, %get3A_907 : vector<16xf32>
      %get3A_909 = arith.index_cast %add3A_899 : i32 to index
      %get3A_910 = arith.constant 0 : index
      %get3A_911 = tpu.vector_load %arg13[%get3A_909, %get3A_910] {strides = array<i32>} : memref<512x64xf32, #tpu.memory_space<vmem>>, vector<1x16xf32>,
      %get3A_912 = vector.shape_cast %get3A_911 : vector<1x16xf32> to vector<16xf32>
      %mul3A_913 = arith.mulf %mul3A_908, %get3A_912 : vector<16xf32>
      %get3A_914 = arith.index_cast %add3A_899 : i32 to index
      %get3A_915 = arith.constant 16 : index
      %get3A_916 = tpu.vector_load %arg11[%get3A_914, %get3A_915] {strides = array<i32>} : memref<512x64xf32, #tpu.memory_space<vmem>>, vector<1x16xf32>,
      %get3A_917 = vector.shape_cast %get3A_916 : vector<1x16xf32> to vector<16xf32>
      %get3A_918 = arith.index_cast %add3A_899 : i32 to index
      %get3A_919 = arith.constant 16 : index
      %get3A_920 = tpu.vector_load %arg12[%get3A_918, %get3A_919] {strides = array<i32>} : memref<512x64xf32, #tpu.memory_space<vmem>>, vector<1x16xf32>,
      %get3A_921 = vector.shape_cast %get3A_920 : vector<1x16xf32> to vector<16xf32>
      %mul3A_922 = arith.mulf %get3A_917, %get3A_921 : vector<16xf32>
      %get3A_923 = arith.index_cast %add3A_899 : i32 to index
      %get3A_924 = arith.constant 16 : index
      %get3A_925 = tpu.vector_load %arg13[%get3A_923, %get3A_924] {strides = array<i32>} : memref<512x64xf32, #tpu.memory_space<vmem>>, vector<1x16xf32>,
      %get3A_926 = vector.shape_cast %get3A_925 : vector<1x16xf32> to vector<16xf32>
      %mul3A_927 = arith.mulf %mul3A_922, %get3A_926 : vector<16xf32>
      %add3A_928 = arith.addf %mul3A_913, %mul3A_927 : vector<16xf32>
      %get3A_929 = arith.index_cast %add3A_899 : i32 to index
      %get3A_930 = arith.constant 32 : index
      %get3A_931 = tpu.vector_load %arg11[%get3A_929, %get3A_930] {strides = array<i32>} : memref<512x64xf32, #tpu.memory_space<vmem>>, vector<1x16xf32>,
      %get3A_932 = vector.shape_cast %get3A_931 : vector<1x16xf32> to vector<16xf32>
      %get3A_933 = arith.index_cast %add3A_899 : i32 to index
      %get3A_934 = arith.constant 32 : index
      %get3A_935 = tpu.vector_load %arg12[%get3A_933, %get3A_934] {strides = array<i32>} : memref<512x64xf32, #tpu.memory_space<vmem>>, vector<1x16xf32>,
      %get3A_936 = vector.shape_cast %get3A_935 : vector<1x16xf32> to vector<16xf32>
      %mul3A_937 = arith.mulf %get3A_932, %get3A_936 : vector<16xf32>
      %get3A_938 = arith.index_cast %add3A_899 : i32 to index
      %get3A_939 = arith.constant 32 : index
      %get3A_940 = tpu.vector_load %arg13[%get3A_938, %get3A_939] {strides = array<i32>} : memref<512x64xf32, #tpu.memory_space<vmem>>, vector<1x16xf32>,
      %get3A_941 = vector.shape_cast %get3A_940 : vector<1x16xf32> to vector<16xf32>
      %mul3A_942 = arith.mulf %mul3A_937, %get3A_941 : vector<16xf32>
      %add3A_943 = arith.addf %add3A_928, %mul3A_942 : vector<16xf32>
      %get3A_944 = arith.index_cast %add3A_899 : i32 to index
      %get3A_945 = arith.constant 48 : index
      %get3A_946 = tpu.vector_load %arg11[%get3A_944, %get3A_945] {strides = array<i32>} : memref<512x64xf32, #tpu.memory_space<vmem>>, vector<1x16xf32>,
      %get3A_947 = vector.shape_cast %get3A_946 : vector<1x16xf32> to vector<16xf32>
      %get3A_948 = arith.index_cast %add3A_899 : i32 to index
      %get3A_949 = arith.constant 48 : index
      %get3A_950 = tpu.vector_load %arg12[%get3A_948, %get3A_949] {strides = array<i32>} : memref<512x64xf32, #tpu.memory_space<vmem>>, vector<1x16xf32>,
      %get3A_951 = vector.shape_cast %get3A_950 : vector<1x16xf32> to vector<16xf32>
      %mul3A_952 = arith.mulf %get3A_947, %get3A_951 : vector<16xf32>
      %get3A_953 = arith.index_cast %add3A_899 : i32 to index
      %get3A_954 = arith.constant 48 : index
      %get3A_955 = tpu.vector_load %arg13[%get3A_953, %get3A_954] {strides = array<i32>} : memref<512x64xf32, #tpu.memory_space<vmem>>, vector<1x16xf32>,
      %get3A_956 = vector.shape_cast %get3A_955 : vector<1x16xf32> to vector<16xf32>
      %mul3A_957 = arith.mulf %mul3A_952, %get3A_956 : vector<16xf32>
      %add3A_958 = arith.addf %add3A_943, %mul3A_957 : vector<16xf32>
      %eq3A_959 = arith.constant 7 : i32
      %eq3A_960 = vector.broadcast %eq3A_959 : i32 to vector<16xi32>
      %eq3A_961 = arith.cmpi eq, %iota3A, %eq3A_960 : vector<16xi32>
      %xor3A_962 = arith.constant 8 : i32
      %xor3A_963 = vector.broadcast %xor3A_962 : i32 to vector<16xi32>
      %xor3A_964 = arith.xori %iota3A, %xor3A_963 : vector<16xi32>
      %broadcast_in_dim3A_965 = vector.shape_cast %xor3A_964 : vector<16xi32> to vector<16x1xi32>
      %gather3A_966 = vector.shape_cast %broadcast_in_dim3A_965 : vector<16x1xi32> to vector<16xi32>
      %gather3A_967 = tpu.dynamic_gather %add3A_958[%gather3A_966] in [0] : vector<16xf32>, vector<16xi32> -> vector<16xf32>
      %add3A_968 = arith.addf %add3A_958, %gather3A_967 : vector<16xf32>
      %xor3A_969 = arith.constant 4 : i32
      %xor3A_970 = vector.broadcast %xor3A_969 : i32 to vector<16xi32>
      %xor3A_971 = arith.xori %iota3A, %xor3A_970 : vector<16xi32>
      %broadcast_in_dim3A_972 = vector.shape_cast %xor3A_971 : vector<16xi32> to vector<16x1xi32>
      %gather3A_973 = vector.shape_cast %broadcast_in_dim3A_972 : vector<16x1xi32> to vector<16xi32>
      %gather3A_974 = tpu.dynamic_gather %add3A_968[%gather3A_973] in [0] : vector<16xf32>, vector<16xi32> -> vector<16xf32>
      %add3A_975 = arith.addf %add3A_968, %gather3A_974 : vector<16xf32>
      %xor3A_976 = arith.constant 2 : i32
      %xor3A_977 = vector.broadcast %xor3A_976 : i32 to vector<16xi32>
      %xor3A_978 = arith.xori %iota3A, %xor3A_977 : vector<16xi32>
      %broadcast_in_dim3A_979 = vector.shape_cast %xor3A_978 : vector<16xi32> to vector<16x1xi32>
      %gather3A_980 = vector.shape_cast %broadcast_in_dim3A_979 : vector<16x1xi32> to vector<16xi32>
      %gather3A_981 = tpu.dynamic_gather %add3A_975[%gather3A_980] in [0] : vector<16xf32>, vector<16xi32> -> vector<16xf32>
      %add3A_982 = arith.addf %add3A_975, %gather3A_981 : vector<16xf32>
      %xor3A_983 = arith.constant 1 : i32
      %xor3A_984 = vector.broadcast %xor3A_983 : i32 to vector<16xi32>
      %xor3A_985 = arith.xori %iota3A, %xor3A_984 : vector<16xi32>
      %broadcast_in_dim3A_986 = vector.shape_cast %xor3A_985 : vector<16xi32> to vector<16x1xi32>
      %gather3A_987 = vector.shape_cast %broadcast_in_dim3A_986 : vector<16x1xi32> to vector<16xi32>
      %gather3A_988 = tpu.dynamic_gather %add3A_982[%gather3A_987] in [0] : vector<16xf32>, vector<16xi32> -> vector<16xf32>
      %add3A_989 = arith.addf %add3A_982, %gather3A_988 : vector<16xf32>
      %select_n3A_990 = arith.select %eq3A_961, %add3A_989, %select_n3A_897 : vector<16xi1>, vector<16xf32>
      %add3A_991 = arith.constant 8 : i32
      %add3A_992 = arith.addi %mul3A_250, %add3A_991 : i32
      %get3A_993 = arith.index_cast %add3A_992 : i32 to index
      %get3A_994 = arith.constant 0 : index
      %get3A_995 = tpu.vector_load %arg11[%get3A_993, %get3A_994] {strides = array<i32>} : memref<512x64xf32, #tpu.memory_space<vmem>>, vector<1x16xf32>,
      %get3A_996 = vector.shape_cast %get3A_995 : vector<1x16xf32> to vector<16xf32>
      %get3A_997 = arith.index_cast %add3A_992 : i32 to index
      %get3A_998 = arith.constant 0 : index
      %get3A_999 = tpu.vector_load %arg12[%get3A_997, %get3A_998] {strides = array<i32>} : memref<512x64xf32, #tpu.memory_space<vmem>>, vector<1x16xf32>,
      %get3A_1000 = vector.shape_cast %get3A_999 : vector<1x16xf32> to vector<16xf32>
      %mul3A_1001 = arith.mulf %get3A_996, %get3A_1000 : vector<16xf32>
      %get3A_1002 = arith.index_cast %add3A_992 : i32 to index
      %get3A_1003 = arith.constant 0 : index
      %get3A_1004 = tpu.vector_load %arg13[%get3A_1002, %get3A_1003] {strides = array<i32>} : memref<512x64xf32, #tpu.memory_space<vmem>>, vector<1x16xf32>,
      %get3A_1005 = vector.shape_cast %get3A_1004 : vector<1x16xf32> to vector<16xf32>
      %mul3A_1006 = arith.mulf %mul3A_1001, %get3A_1005 : vector<16xf32>
      %get3A_1007 = arith.index_cast %add3A_992 : i32 to index
      %get3A_1008 = arith.constant 16 : index
      %get3A_1009 = tpu.vector_load %arg11[%get3A_1007, %get3A_1008] {strides = array<i32>} : memref<512x64xf32, #tpu.memory_space<vmem>>, vector<1x16xf32>,
      %get3A_1010 = vector.shape_cast %get3A_1009 : vector<1x16xf32> to vector<16xf32>
      %get3A_1011 = arith.index_cast %add3A_992 : i32 to index
      %get3A_1012 = arith.constant 16 : index
      %get3A_1013 = tpu.vector_load %arg12[%get3A_1011, %get3A_1012] {strides = array<i32>} : memref<512x64xf32, #tpu.memory_space<vmem>>, vector<1x16xf32>,
      %get3A_1014 = vector.shape_cast %get3A_1013 : vector<1x16xf32> to vector<16xf32>
      %mul3A_1015 = arith.mulf %get3A_1010, %get3A_1014 : vector<16xf32>
      %get3A_1016 = arith.index_cast %add3A_992 : i32 to index
      %get3A_1017 = arith.constant 16 : index
      %get3A_1018 = tpu.vector_load %arg13[%get3A_1016, %get3A_1017] {strides = array<i32>} : memref<512x64xf32, #tpu.memory_space<vmem>>, vector<1x16xf32>,
      %get3A_1019 = vector.shape_cast %get3A_1018 : vector<1x16xf32> to vector<16xf32>
      %mul3A_1020 = arith.mulf %mul3A_1015, %get3A_1019 : vector<16xf32>
      %add3A_1021 = arith.addf %mul3A_1006, %mul3A_1020 : vector<16xf32>
      %get3A_1022 = arith.index_cast %add3A_992 : i32 to index
      %get3A_1023 = arith.constant 32 : index
      %get3A_1024 = tpu.vector_load %arg11[%get3A_1022, %get3A_1023] {strides = array<i32>} : memref<512x64xf32, #tpu.memory_space<vmem>>, vector<1x16xf32>,
      %get3A_1025 = vector.shape_cast %get3A_1024 : vector<1x16xf32> to vector<16xf32>
      %get3A_1026 = arith.index_cast %add3A_992 : i32 to index
      %get3A_1027 = arith.constant 32 : index
      %get3A_1028 = tpu.vector_load %arg12[%get3A_1026, %get3A_1027] {strides = array<i32>} : memref<512x64xf32, #tpu.memory_space<vmem>>, vector<1x16xf32>,
      %get3A_1029 = vector.shape_cast %get3A_1028 : vector<1x16xf32> to vector<16xf32>
      %mul3A_1030 = arith.mulf %get3A_1025, %get3A_1029 : vector<16xf32>
      %get3A_1031 = arith.index_cast %add3A_992 : i32 to index
      %get3A_1032 = arith.constant 32 : index
      %get3A_1033 = tpu.vector_load %arg13[%get3A_1031, %get3A_1032] {strides = array<i32>} : memref<512x64xf32, #tpu.memory_space<vmem>>, vector<1x16xf32>,
      %get3A_1034 = vector.shape_cast %get3A_1033 : vector<1x16xf32> to vector<16xf32>
      %mul3A_1035 = arith.mulf %mul3A_1030, %get3A_1034 : vector<16xf32>
      %add3A_1036 = arith.addf %add3A_1021, %mul3A_1035 : vector<16xf32>
      %get3A_1037 = arith.index_cast %add3A_992 : i32 to index
      %get3A_1038 = arith.constant 48 : index
      %get3A_1039 = tpu.vector_load %arg11[%get3A_1037, %get3A_1038] {strides = array<i32>} : memref<512x64xf32, #tpu.memory_space<vmem>>, vector<1x16xf32>,
      %get3A_1040 = vector.shape_cast %get3A_1039 : vector<1x16xf32> to vector<16xf32>
      %get3A_1041 = arith.index_cast %add3A_992 : i32 to index
      %get3A_1042 = arith.constant 48 : index
      %get3A_1043 = tpu.vector_load %arg12[%get3A_1041, %get3A_1042] {strides = array<i32>} : memref<512x64xf32, #tpu.memory_space<vmem>>, vector<1x16xf32>,
      %get3A_1044 = vector.shape_cast %get3A_1043 : vector<1x16xf32> to vector<16xf32>
      %mul3A_1045 = arith.mulf %get3A_1040, %get3A_1044 : vector<16xf32>
      %get3A_1046 = arith.index_cast %add3A_992 : i32 to index
      %get3A_1047 = arith.constant 48 : index
      %get3A_1048 = tpu.vector_load %arg13[%get3A_1046, %get3A_1047] {strides = array<i32>} : memref<512x64xf32, #tpu.memory_space<vmem>>, vector<1x16xf32>,
      %get3A_1049 = vector.shape_cast %get3A_1048 : vector<1x16xf32> to vector<16xf32>
      %mul3A_1050 = arith.mulf %mul3A_1045, %get3A_1049 : vector<16xf32>
      %add3A_1051 = arith.addf %add3A_1036, %mul3A_1050 : vector<16xf32>
      %eq3A_1052 = arith.constant 8 : i32
      %eq3A_1053 = vector.broadcast %eq3A_1052 : i32 to vector<16xi32>
      %eq3A_1054 = arith.cmpi eq, %iota3A, %eq3A_1053 : vector<16xi32>
      %xor3A_1055 = arith.constant 8 : i32
      %xor3A_1056 = vector.broadcast %xor3A_1055 : i32 to vector<16xi32>
      %xor3A_1057 = arith.xori %iota3A, %xor3A_1056 : vector<16xi32>
      %broadcast_in_dim3A_1058 = vector.shape_cast %xor3A_1057 : vector<16xi32> to vector<16x1xi32>
      %gather3A_1059 = vector.shape_cast %broadcast_in_dim3A_1058 : vector<16x1xi32> to vector<16xi32>
      %gather3A_1060 = tpu.dynamic_gather %add3A_1051[%gather3A_1059] in [0] : vector<16xf32>, vector<16xi32> -> vector<16xf32>
      %add3A_1061 = arith.addf %add3A_1051, %gather3A_1060 : vector<16xf32>
      %xor3A_1062 = arith.constant 4 : i32
      %xor3A_1063 = vector.broadcast %xor3A_1062 : i32 to vector<16xi32>
      %xor3A_1064 = arith.xori %iota3A, %xor3A_1063 : vector<16xi32>
      %broadcast_in_dim3A_1065 = vector.shape_cast %xor3A_1064 : vector<16xi32> to vector<16x1xi32>
      %gather3A_1066 = vector.shape_cast %broadcast_in_dim3A_1065 : vector<16x1xi32> to vector<16xi32>
      %gather3A_1067 = tpu.dynamic_gather %add3A_1061[%gather3A_1066] in [0] : vector<16xf32>, vector<16xi32> -> vector<16xf32>
      %add3A_1068 = arith.addf %add3A_1061, %gather3A_1067 : vector<16xf32>
      %xor3A_1069 = arith.constant 2 : i32
      %xor3A_1070 = vector.broadcast %xor3A_1069 : i32 to vector<16xi32>
      %xor3A_1071 = arith.xori %iota3A, %xor3A_1070 : vector<16xi32>
      %broadcast_in_dim3A_1072 = vector.shape_cast %xor3A_1071 : vector<16xi32> to vector<16x1xi32>
      %gather3A_1073 = vector.shape_cast %broadcast_in_dim3A_1072 : vector<16x1xi32> to vector<16xi32>
      %gather3A_1074 = tpu.dynamic_gather %add3A_1068[%gather3A_1073] in [0] : vector<16xf32>, vector<16xi32> -> vector<16xf32>
      %add3A_1075 = arith.addf %add3A_1068, %gather3A_1074 : vector<16xf32>
      %xor3A_1076 = arith.constant 1 : i32
      %xor3A_1077 = vector.broadcast %xor3A_1076 : i32 to vector<16xi32>
      %xor3A_1078 = arith.xori %iota3A, %xor3A_1077 : vector<16xi32>
      %broadcast_in_dim3A_1079 = vector.shape_cast %xor3A_1078 : vector<16xi32> to vector<16x1xi32>
      %gather3A_1080 = vector.shape_cast %broadcast_in_dim3A_1079 : vector<16x1xi32> to vector<16xi32>
      %gather3A_1081 = tpu.dynamic_gather %add3A_1075[%gather3A_1080] in [0] : vector<16xf32>, vector<16xi32> -> vector<16xf32>
      %add3A_1082 = arith.addf %add3A_1075, %gather3A_1081 : vector<16xf32>
      %select_n3A_1083 = arith.select %eq3A_1054, %add3A_1082, %select_n3A_990 : vector<16xi1>, vector<16xf32>
      %add3A_1084 = arith.constant 9 : i32
      %add3A_1085 = arith.addi %mul3A_250, %add3A_1084 : i32
      %get3A_1086 = arith.index_cast %add3A_1085 : i32 to index
      %get3A_1087 = arith.constant 0 : index
      %get3A_1088 = tpu.vector_load %arg11[%get3A_1086, %get3A_1087] {strides = array<i32>} : memref<512x64xf32, #tpu.memory_space<vmem>>, vector<1x16xf32>,
      %get3A_1089 = vector.shape_cast %get3A_1088 : vector<1x16xf32> to vector<16xf32>
      %get3A_1090 = arith.index_cast %add3A_1085 : i32 to index
      %get3A_1091 = arith.constant 0 : index
      %get3A_1092 = tpu.vector_load %arg12[%get3A_1090, %get3A_1091] {strides = array<i32>} : memref<512x64xf32, #tpu.memory_space<vmem>>, vector<1x16xf32>,
      %get3A_1093 = vector.shape_cast %get3A_1092 : vector<1x16xf32> to vector<16xf32>
      %mul3A_1094 = arith.mulf %get3A_1089, %get3A_1093 : vector<16xf32>
      %get3A_1095 = arith.index_cast %add3A_1085 : i32 to index
      %get3A_1096 = arith.constant 0 : index
      %get3A_1097 = tpu.vector_load %arg13[%get3A_1095, %get3A_1096] {strides = array<i32>} : memref<512x64xf32, #tpu.memory_space<vmem>>, vector<1x16xf32>,
      %get3A_1098 = vector.shape_cast %get3A_1097 : vector<1x16xf32> to vector<16xf32>
      %mul3A_1099 = arith.mulf %mul3A_1094, %get3A_1098 : vector<16xf32>
      %get3A_1100 = arith.index_cast %add3A_1085 : i32 to index
      %get3A_1101 = arith.constant 16 : index
      %get3A_1102 = tpu.vector_load %arg11[%get3A_1100, %get3A_1101] {strides = array<i32>} : memref<512x64xf32, #tpu.memory_space<vmem>>, vector<1x16xf32>,
      %get3A_1103 = vector.shape_cast %get3A_1102 : vector<1x16xf32> to vector<16xf32>
      %get3A_1104 = arith.index_cast %add3A_1085 : i32 to index
      %get3A_1105 = arith.constant 16 : index
      %get3A_1106 = tpu.vector_load %arg12[%get3A_1104, %get3A_1105] {strides = array<i32>} : memref<512x64xf32, #tpu.memory_space<vmem>>, vector<1x16xf32>,
      %get3A_1107 = vector.shape_cast %get3A_1106 : vector<1x16xf32> to vector<16xf32>
      %mul3A_1108 = arith.mulf %get3A_1103, %get3A_1107 : vector<16xf32>
      %get3A_1109 = arith.index_cast %add3A_1085 : i32 to index
      %get3A_1110 = arith.constant 16 : index
      %get3A_1111 = tpu.vector_load %arg13[%get3A_1109, %get3A_1110] {strides = array<i32>} : memref<512x64xf32, #tpu.memory_space<vmem>>, vector<1x16xf32>,
      %get3A_1112 = vector.shape_cast %get3A_1111 : vector<1x16xf32> to vector<16xf32>
      %mul3A_1113 = arith.mulf %mul3A_1108, %get3A_1112 : vector<16xf32>
      %add3A_1114 = arith.addf %mul3A_1099, %mul3A_1113 : vector<16xf32>
      %get3A_1115 = arith.index_cast %add3A_1085 : i32 to index
      %get3A_1116 = arith.constant 32 : index
      %get3A_1117 = tpu.vector_load %arg11[%get3A_1115, %get3A_1116] {strides = array<i32>} : memref<512x64xf32, #tpu.memory_space<vmem>>, vector<1x16xf32>,
      %get3A_1118 = vector.shape_cast %get3A_1117 : vector<1x16xf32> to vector<16xf32>
      %get3A_1119 = arith.index_cast %add3A_1085 : i32 to index
      %get3A_1120 = arith.constant 32 : index
      %get3A_1121 = tpu.vector_load %arg12[%get3A_1119, %get3A_1120] {strides = array<i32>} : memref<512x64xf32, #tpu.memory_space<vmem>>, vector<1x16xf32>,
      %get3A_1122 = vector.shape_cast %get3A_1121 : vector<1x16xf32> to vector<16xf32>
      %mul3A_1123 = arith.mulf %get3A_1118, %get3A_1122 : vector<16xf32>
      %get3A_1124 = arith.index_cast %add3A_1085 : i32 to index
      %get3A_1125 = arith.constant 32 : index
      %get3A_1126 = tpu.vector_load %arg13[%get3A_1124, %get3A_1125] {strides = array<i32>} : memref<512x64xf32, #tpu.memory_space<vmem>>, vector<1x16xf32>,
      %get3A_1127 = vector.shape_cast %get3A_1126 : vector<1x16xf32> to vector<16xf32>
      %mul3A_1128 = arith.mulf %mul3A_1123, %get3A_1127 : vector<16xf32>
      %add3A_1129 = arith.addf %add3A_1114, %mul3A_1128 : vector<16xf32>
      %get3A_1130 = arith.index_cast %add3A_1085 : i32 to index
      %get3A_1131 = arith.constant 48 : index
      %get3A_1132 = tpu.vector_load %arg11[%get3A_1130, %get3A_1131] {strides = array<i32>} : memref<512x64xf32, #tpu.memory_space<vmem>>, vector<1x16xf32>,
      %get3A_1133 = vector.shape_cast %get3A_1132 : vector<1x16xf32> to vector<16xf32>
      %get3A_1134 = arith.index_cast %add3A_1085 : i32 to index
      %get3A_1135 = arith.constant 48 : index
      %get3A_1136 = tpu.vector_load %arg12[%get3A_1134, %get3A_1135] {strides = array<i32>} : memref<512x64xf32, #tpu.memory_space<vmem>>, vector<1x16xf32>,
      %get3A_1137 = vector.shape_cast %get3A_1136 : vector<1x16xf32> to vector<16xf32>
      %mul3A_1138 = arith.mulf %get3A_1133, %get3A_1137 : vector<16xf32>
      %get3A_1139 = arith.index_cast %add3A_1085 : i32 to index
      %get3A_1140 = arith.constant 48 : index
      %get3A_1141 = tpu.vector_load %arg13[%get3A_1139, %get3A_1140] {strides = array<i32>} : memref<512x64xf32, #tpu.memory_space<vmem>>, vector<1x16xf32>,
      %get3A_1142 = vector.shape_cast %get3A_1141 : vector<1x16xf32> to vector<16xf32>
      %mul3A_1143 = arith.mulf %mul3A_1138, %get3A_1142 : vector<16xf32>
      %add3A_1144 = arith.addf %add3A_1129, %mul3A_1143 : vector<16xf32>
      %eq3A_1145 = arith.constant 9 : i32
      %eq3A_1146 = vector.broadcast %eq3A_1145 : i32 to vector<16xi32>
      %eq3A_1147 = arith.cmpi eq, %iota3A, %eq3A_1146 : vector<16xi32>
      %xor3A_1148 = arith.constant 8 : i32
      %xor3A_1149 = vector.broadcast %xor3A_1148 : i32 to vector<16xi32>
      %xor3A_1150 = arith.xori %iota3A, %xor3A_1149 : vector<16xi32>
      %broadcast_in_dim3A_1151 = vector.shape_cast %xor3A_1150 : vector<16xi32> to vector<16x1xi32>
      %gather3A_1152 = vector.shape_cast %broadcast_in_dim3A_1151 : vector<16x1xi32> to vector<16xi32>
      %gather3A_1153 = tpu.dynamic_gather %add3A_1144[%gather3A_1152] in [0] : vector<16xf32>, vector<16xi32> -> vector<16xf32>
      %add3A_1154 = arith.addf %add3A_1144, %gather3A_1153 : vector<16xf32>
      %xor3A_1155 = arith.constant 4 : i32
      %xor3A_1156 = vector.broadcast %xor3A_1155 : i32 to vector<16xi32>
      %xor3A_1157 = arith.xori %iota3A, %xor3A_1156 : vector<16xi32>
      %broadcast_in_dim3A_1158 = vector.shape_cast %xor3A_1157 : vector<16xi32> to vector<16x1xi32>
      %gather3A_1159 = vector.shape_cast %broadcast_in_dim3A_1158 : vector<16x1xi32> to vector<16xi32>
      %gather3A_1160 = tpu.dynamic_gather %add3A_1154[%gather3A_1159] in [0] : vector<16xf32>, vector<16xi32> -> vector<16xf32>
      %add3A_1161 = arith.addf %add3A_1154, %gather3A_1160 : vector<16xf32>
      %xor3A_1162 = arith.constant 2 : i32
      %xor3A_1163 = vector.broadcast %xor3A_1162 : i32 to vector<16xi32>
      %xor3A_1164 = arith.xori %iota3A, %xor3A_1163 : vector<16xi32>
      %broadcast_in_dim3A_1165 = vector.shape_cast %xor3A_1164 : vector<16xi32> to vector<16x1xi32>
      %gather3A_1166 = vector.shape_cast %broadcast_in_dim3A_1165 : vector<16x1xi32> to vector<16xi32>
      %gather3A_1167 = tpu.dynamic_gather %add3A_1161[%gather3A_1166] in [0] : vector<16xf32>, vector<16xi32> -> vector<16xf32>
      %add3A_1168 = arith.addf %add3A_1161, %gather3A_1167 : vector<16xf32>
      %xor3A_1169 = arith.constant 1 : i32
      %xor3A_1170 = vector.broadcast %xor3A_1169 : i32 to vector<16xi32>
      %xor3A_1171 = arith.xori %iota3A, %xor3A_1170 : vector<16xi32>
      %broadcast_in_dim3A_1172 = vector.shape_cast %xor3A_1171 : vector<16xi32> to vector<16x1xi32>
      %gather3A_1173 = vector.shape_cast %broadcast_in_dim3A_1172 : vector<16x1xi32> to vector<16xi32>
      %gather3A_1174 = tpu.dynamic_gather %add3A_1168[%gather3A_1173] in [0] : vector<16xf32>, vector<16xi32> -> vector<16xf32>
      %add3A_1175 = arith.addf %add3A_1168, %gather3A_1174 : vector<16xf32>
      %select_n3A_1176 = arith.select %eq3A_1147, %add3A_1175, %select_n3A_1083 : vector<16xi1>, vector<16xf32>
      %add3A_1177 = arith.constant 10 : i32
      %add3A_1178 = arith.addi %mul3A_250, %add3A_1177 : i32
      %get3A_1179 = arith.index_cast %add3A_1178 : i32 to index
      %get3A_1180 = arith.constant 0 : index
      %get3A_1181 = tpu.vector_load %arg11[%get3A_1179, %get3A_1180] {strides = array<i32>} : memref<512x64xf32, #tpu.memory_space<vmem>>, vector<1x16xf32>,
      %get3A_1182 = vector.shape_cast %get3A_1181 : vector<1x16xf32> to vector<16xf32>
      %get3A_1183 = arith.index_cast %add3A_1178 : i32 to index
      %get3A_1184 = arith.constant 0 : index
      %get3A_1185 = tpu.vector_load %arg12[%get3A_1183, %get3A_1184] {strides = array<i32>} : memref<512x64xf32, #tpu.memory_space<vmem>>, vector<1x16xf32>,
      %get3A_1186 = vector.shape_cast %get3A_1185 : vector<1x16xf32> to vector<16xf32>
      %mul3A_1187 = arith.mulf %get3A_1182, %get3A_1186 : vector<16xf32>
      %get3A_1188 = arith.index_cast %add3A_1178 : i32 to index
      %get3A_1189 = arith.constant 0 : index
      %get3A_1190 = tpu.vector_load %arg13[%get3A_1188, %get3A_1189] {strides = array<i32>} : memref<512x64xf32, #tpu.memory_space<vmem>>, vector<1x16xf32>,
      %get3A_1191 = vector.shape_cast %get3A_1190 : vector<1x16xf32> to vector<16xf32>
      %mul3A_1192 = arith.mulf %mul3A_1187, %get3A_1191 : vector<16xf32>
      %get3A_1193 = arith.index_cast %add3A_1178 : i32 to index
      %get3A_1194 = arith.constant 16 : index
      %get3A_1195 = tpu.vector_load %arg11[%get3A_1193, %get3A_1194] {strides = array<i32>} : memref<512x64xf32, #tpu.memory_space<vmem>>, vector<1x16xf32>,
      %get3A_1196 = vector.shape_cast %get3A_1195 : vector<1x16xf32> to vector<16xf32>
      %get3A_1197 = arith.index_cast %add3A_1178 : i32 to index
      %get3A_1198 = arith.constant 16 : index
      %get3A_1199 = tpu.vector_load %arg12[%get3A_1197, %get3A_1198] {strides = array<i32>} : memref<512x64xf32, #tpu.memory_space<vmem>>, vector<1x16xf32>,
      %get3A_1200 = vector.shape_cast %get3A_1199 : vector<1x16xf32> to vector<16xf32>
      %mul3A_1201 = arith.mulf %get3A_1196, %get3A_1200 : vector<16xf32>
      %get3A_1202 = arith.index_cast %add3A_1178 : i32 to index
      %get3A_1203 = arith.constant 16 : index
      %get3A_1204 = tpu.vector_load %arg13[%get3A_1202, %get3A_1203] {strides = array<i32>} : memref<512x64xf32, #tpu.memory_space<vmem>>, vector<1x16xf32>,
      %get3A_1205 = vector.shape_cast %get3A_1204 : vector<1x16xf32> to vector<16xf32>
      %mul3A_1206 = arith.mulf %mul3A_1201, %get3A_1205 : vector<16xf32>
      %add3A_1207 = arith.addf %mul3A_1192, %mul3A_1206 : vector<16xf32>
      %get3A_1208 = arith.index_cast %add3A_1178 : i32 to index
      %get3A_1209 = arith.constant 32 : index
      %get3A_1210 = tpu.vector_load %arg11[%get3A_1208, %get3A_1209] {strides = array<i32>} : memref<512x64xf32, #tpu.memory_space<vmem>>, vector<1x16xf32>,
      %get3A_1211 = vector.shape_cast %get3A_1210 : vector<1x16xf32> to vector<16xf32>
      %get3A_1212 = arith.index_cast %add3A_1178 : i32 to index
      %get3A_1213 = arith.constant 32 : index
      %get3A_1214 = tpu.vector_load %arg12[%get3A_1212, %get3A_1213] {strides = array<i32>} : memref<512x64xf32, #tpu.memory_space<vmem>>, vector<1x16xf32>,
      %get3A_1215 = vector.shape_cast %get3A_1214 : vector<1x16xf32> to vector<16xf32>
      %mul3A_1216 = arith.mulf %get3A_1211, %get3A_1215 : vector<16xf32>
      %get3A_1217 = arith.index_cast %add3A_1178 : i32 to index
      %get3A_1218 = arith.constant 32 : index
      %get3A_1219 = tpu.vector_load %arg13[%get3A_1217, %get3A_1218] {strides = array<i32>} : memref<512x64xf32, #tpu.memory_space<vmem>>, vector<1x16xf32>,
      %get3A_1220 = vector.shape_cast %get3A_1219 : vector<1x16xf32> to vector<16xf32>
      %mul3A_1221 = arith.mulf %mul3A_1216, %get3A_1220 : vector<16xf32>
      %add3A_1222 = arith.addf %add3A_1207, %mul3A_1221 : vector<16xf32>
      %get3A_1223 = arith.index_cast %add3A_1178 : i32 to index
      %get3A_1224 = arith.constant 48 : index
      %get3A_1225 = tpu.vector_load %arg11[%get3A_1223, %get3A_1224] {strides = array<i32>} : memref<512x64xf32, #tpu.memory_space<vmem>>, vector<1x16xf32>,
      %get3A_1226 = vector.shape_cast %get3A_1225 : vector<1x16xf32> to vector<16xf32>
      %get3A_1227 = arith.index_cast %add3A_1178 : i32 to index
      %get3A_1228 = arith.constant 48 : index
      %get3A_1229 = tpu.vector_load %arg12[%get3A_1227, %get3A_1228] {strides = array<i32>} : memref<512x64xf32, #tpu.memory_space<vmem>>, vector<1x16xf32>,
      %get3A_1230 = vector.shape_cast %get3A_1229 : vector<1x16xf32> to vector<16xf32>
      %mul3A_1231 = arith.mulf %get3A_1226, %get3A_1230 : vector<16xf32>
      %get3A_1232 = arith.index_cast %add3A_1178 : i32 to index
      %get3A_1233 = arith.constant 48 : index
      %get3A_1234 = tpu.vector_load %arg13[%get3A_1232, %get3A_1233] {strides = array<i32>} : memref<512x64xf32, #tpu.memory_space<vmem>>, vector<1x16xf32>,
      %get3A_1235 = vector.shape_cast %get3A_1234 : vector<1x16xf32> to vector<16xf32>
      %mul3A_1236 = arith.mulf %mul3A_1231, %get3A_1235 : vector<16xf32>
      %add3A_1237 = arith.addf %add3A_1222, %mul3A_1236 : vector<16xf32>
      %eq3A_1238 = arith.constant 10 : i32
      %eq3A_1239 = vector.broadcast %eq3A_1238 : i32 to vector<16xi32>
      %eq3A_1240 = arith.cmpi eq, %iota3A, %eq3A_1239 : vector<16xi32>
      %xor3A_1241 = arith.constant 8 : i32
      %xor3A_1242 = vector.broadcast %xor3A_1241 : i32 to vector<16xi32>
      %xor3A_1243 = arith.xori %iota3A, %xor3A_1242 : vector<16xi32>
      %broadcast_in_dim3A_1244 = vector.shape_cast %xor3A_1243 : vector<16xi32> to vector<16x1xi32>
      %gather3A_1245 = vector.shape_cast %broadcast_in_dim3A_1244 : vector<16x1xi32> to vector<16xi32>
      %gather3A_1246 = tpu.dynamic_gather %add3A_1237[%gather3A_1245] in [0] : vector<16xf32>, vector<16xi32> -> vector<16xf32>
      %add3A_1247 = arith.addf %add3A_1237, %gather3A_1246 : vector<16xf32>
      %xor3A_1248 = arith.constant 4 : i32
      %xor3A_1249 = vector.broadcast %xor3A_1248 : i32 to vector<16xi32>
      %xor3A_1250 = arith.xori %iota3A, %xor3A_1249 : vector<16xi32>
      %broadcast_in_dim3A_1251 = vector.shape_cast %xor3A_1250 : vector<16xi32> to vector<16x1xi32>
      %gather3A_1252 = vector.shape_cast %broadcast_in_dim3A_1251 : vector<16x1xi32> to vector<16xi32>
      %gather3A_1253 = tpu.dynamic_gather %add3A_1247[%gather3A_1252] in [0] : vector<16xf32>, vector<16xi32> -> vector<16xf32>
      %add3A_1254 = arith.addf %add3A_1247, %gather3A_1253 : vector<16xf32>
      %xor3A_1255 = arith.constant 2 : i32
      %xor3A_1256 = vector.broadcast %xor3A_1255 : i32 to vector<16xi32>
      %xor3A_1257 = arith.xori %iota3A, %xor3A_1256 : vector<16xi32>
      %broadcast_in_dim3A_1258 = vector.shape_cast %xor3A_1257 : vector<16xi32> to vector<16x1xi32>
      %gather3A_1259 = vector.shape_cast %broadcast_in_dim3A_1258 : vector<16x1xi32> to vector<16xi32>
      %gather3A_1260 = tpu.dynamic_gather %add3A_1254[%gather3A_1259] in [0] : vector<16xf32>, vector<16xi32> -> vector<16xf32>
      %add3A_1261 = arith.addf %add3A_1254, %gather3A_1260 : vector<16xf32>
      %xor3A_1262 = arith.constant 1 : i32
      %xor3A_1263 = vector.broadcast %xor3A_1262 : i32 to vector<16xi32>
      %xor3A_1264 = arith.xori %iota3A, %xor3A_1263 : vector<16xi32>
      %broadcast_in_dim3A_1265 = vector.shape_cast %xor3A_1264 : vector<16xi32> to vector<16x1xi32>
      %gather3A_1266 = vector.shape_cast %broadcast_in_dim3A_1265 : vector<16x1xi32> to vector<16xi32>
      %gather3A_1267 = tpu.dynamic_gather %add3A_1261[%gather3A_1266] in [0] : vector<16xf32>, vector<16xi32> -> vector<16xf32>
      %add3A_1268 = arith.addf %add3A_1261, %gather3A_1267 : vector<16xf32>
      %select_n3A_1269 = arith.select %eq3A_1240, %add3A_1268, %select_n3A_1176 : vector<16xi1>, vector<16xf32>
      %add3A_1270 = arith.constant 11 : i32
      %add3A_1271 = arith.addi %mul3A_250, %add3A_1270 : i32
      %get3A_1272 = arith.index_cast %add3A_1271 : i32 to index
      %get3A_1273 = arith.constant 0 : index
      %get3A_1274 = tpu.vector_load %arg11[%get3A_1272, %get3A_1273] {strides = array<i32>} : memref<512x64xf32, #tpu.memory_space<vmem>>, vector<1x16xf32>,
      %get3A_1275 = vector.shape_cast %get3A_1274 : vector<1x16xf32> to vector<16xf32>
      %get3A_1276 = arith.index_cast %add3A_1271 : i32 to index
      %get3A_1277 = arith.constant 0 : index
      %get3A_1278 = tpu.vector_load %arg12[%get3A_1276, %get3A_1277] {strides = array<i32>} : memref<512x64xf32, #tpu.memory_space<vmem>>, vector<1x16xf32>,
      %get3A_1279 = vector.shape_cast %get3A_1278 : vector<1x16xf32> to vector<16xf32>
      %mul3A_1280 = arith.mulf %get3A_1275, %get3A_1279 : vector<16xf32>
      %get3A_1281 = arith.index_cast %add3A_1271 : i32 to index
      %get3A_1282 = arith.constant 0 : index
      %get3A_1283 = tpu.vector_load %arg13[%get3A_1281, %get3A_1282] {strides = array<i32>} : memref<512x64xf32, #tpu.memory_space<vmem>>, vector<1x16xf32>,
      %get3A_1284 = vector.shape_cast %get3A_1283 : vector<1x16xf32> to vector<16xf32>
      %mul3A_1285 = arith.mulf %mul3A_1280, %get3A_1284 : vector<16xf32>
      %get3A_1286 = arith.index_cast %add3A_1271 : i32 to index
      %get3A_1287 = arith.constant 16 : index
      %get3A_1288 = tpu.vector_load %arg11[%get3A_1286, %get3A_1287] {strides = array<i32>} : memref<512x64xf32, #tpu.memory_space<vmem>>, vector<1x16xf32>,
      %get3A_1289 = vector.shape_cast %get3A_1288 : vector<1x16xf32> to vector<16xf32>
      %get3A_1290 = arith.index_cast %add3A_1271 : i32 to index
      %get3A_1291 = arith.constant 16 : index
      %get3A_1292 = tpu.vector_load %arg12[%get3A_1290, %get3A_1291] {strides = array<i32>} : memref<512x64xf32, #tpu.memory_space<vmem>>, vector<1x16xf32>,
      %get3A_1293 = vector.shape_cast %get3A_1292 : vector<1x16xf32> to vector<16xf32>
      %mul3A_1294 = arith.mulf %get3A_1289, %get3A_1293 : vector<16xf32>
      %get3A_1295 = arith.index_cast %add3A_1271 : i32 to index
      %get3A_1296 = arith.constant 16 : index
      %get3A_1297 = tpu.vector_load %arg13[%get3A_1295, %get3A_1296] {strides = array<i32>} : memref<512x64xf32, #tpu.memory_space<vmem>>, vector<1x16xf32>,
      %get3A_1298 = vector.shape_cast %get3A_1297 : vector<1x16xf32> to vector<16xf32>
      %mul3A_1299 = arith.mulf %mul3A_1294, %get3A_1298 : vector<16xf32>
      %add3A_1300 = arith.addf %mul3A_1285, %mul3A_1299 : vector<16xf32>
      %get3A_1301 = arith.index_cast %add3A_1271 : i32 to index
      %get3A_1302 = arith.constant 32 : index
      %get3A_1303 = tpu.vector_load %arg11[%get3A_1301, %get3A_1302] {strides = array<i32>} : memref<512x64xf32, #tpu.memory_space<vmem>>, vector<1x16xf32>,
      %get3A_1304 = vector.shape_cast %get3A_1303 : vector<1x16xf32> to vector<16xf32>
      %get3A_1305 = arith.index_cast %add3A_1271 : i32 to index
      %get3A_1306 = arith.constant 32 : index
      %get3A_1307 = tpu.vector_load %arg12[%get3A_1305, %get3A_1306] {strides = array<i32>} : memref<512x64xf32, #tpu.memory_space<vmem>>, vector<1x16xf32>,
      %get3A_1308 = vector.shape_cast %get3A_1307 : vector<1x16xf32> to vector<16xf32>
      %mul3A_1309 = arith.mulf %get3A_1304, %get3A_1308 : vector<16xf32>
      %get3A_1310 = arith.index_cast %add3A_1271 : i32 to index
      %get3A_1311 = arith.constant 32 : index
      %get3A_1312 = tpu.vector_load %arg13[%get3A_1310, %get3A_1311] {strides = array<i32>} : memref<512x64xf32, #tpu.memory_space<vmem>>, vector<1x16xf32>,
      %get3A_1313 = vector.shape_cast %get3A_1312 : vector<1x16xf32> to vector<16xf32>
      %mul3A_1314 = arith.mulf %mul3A_1309, %get3A_1313 : vector<16xf32>
      %add3A_1315 = arith.addf %add3A_1300, %mul3A_1314 : vector<16xf32>
      %get3A_1316 = arith.index_cast %add3A_1271 : i32 to index
      %get3A_1317 = arith.constant 48 : index
      %get3A_1318 = tpu.vector_load %arg11[%get3A_1316, %get3A_1317] {strides = array<i32>} : memref<512x64xf32, #tpu.memory_space<vmem>>, vector<1x16xf32>,
      %get3A_1319 = vector.shape_cast %get3A_1318 : vector<1x16xf32> to vector<16xf32>
      %get3A_1320 = arith.index_cast %add3A_1271 : i32 to index
      %get3A_1321 = arith.constant 48 : index
      %get3A_1322 = tpu.vector_load %arg12[%get3A_1320, %get3A_1321] {strides = array<i32>} : memref<512x64xf32, #tpu.memory_space<vmem>>, vector<1x16xf32>,
      %get3A_1323 = vector.shape_cast %get3A_1322 : vector<1x16xf32> to vector<16xf32>
      %mul3A_1324 = arith.mulf %get3A_1319, %get3A_1323 : vector<16xf32>
      %get3A_1325 = arith.index_cast %add3A_1271 : i32 to index
      %get3A_1326 = arith.constant 48 : index
      %get3A_1327 = tpu.vector_load %arg13[%get3A_1325, %get3A_1326] {strides = array<i32>} : memref<512x64xf32, #tpu.memory_space<vmem>>, vector<1x16xf32>,
      %get3A_1328 = vector.shape_cast %get3A_1327 : vector<1x16xf32> to vector<16xf32>
      %mul3A_1329 = arith.mulf %mul3A_1324, %get3A_1328 : vector<16xf32>
      %add3A_1330 = arith.addf %add3A_1315, %mul3A_1329 : vector<16xf32>
      %eq3A_1331 = arith.constant 11 : i32
      %eq3A_1332 = vector.broadcast %eq3A_1331 : i32 to vector<16xi32>
      %eq3A_1333 = arith.cmpi eq, %iota3A, %eq3A_1332 : vector<16xi32>
      %xor3A_1334 = arith.constant 8 : i32
      %xor3A_1335 = vector.broadcast %xor3A_1334 : i32 to vector<16xi32>
      %xor3A_1336 = arith.xori %iota3A, %xor3A_1335 : vector<16xi32>
      %broadcast_in_dim3A_1337 = vector.shape_cast %xor3A_1336 : vector<16xi32> to vector<16x1xi32>
      %gather3A_1338 = vector.shape_cast %broadcast_in_dim3A_1337 : vector<16x1xi32> to vector<16xi32>
      %gather3A_1339 = tpu.dynamic_gather %add3A_1330[%gather3A_1338] in [0] : vector<16xf32>, vector<16xi32> -> vector<16xf32>
      %add3A_1340 = arith.addf %add3A_1330, %gather3A_1339 : vector<16xf32>
      %xor3A_1341 = arith.constant 4 : i32
      %xor3A_1342 = vector.broadcast %xor3A_1341 : i32 to vector<16xi32>
      %xor3A_1343 = arith.xori %iota3A, %xor3A_1342 : vector<16xi32>
      %broadcast_in_dim3A_1344 = vector.shape_cast %xor3A_1343 : vector<16xi32> to vector<16x1xi32>
      %gather3A_1345 = vector.shape_cast %broadcast_in_dim3A_1344 : vector<16x1xi32> to vector<16xi32>
      %gather3A_1346 = tpu.dynamic_gather %add3A_1340[%gather3A_1345] in [0] : vector<16xf32>, vector<16xi32> -> vector<16xf32>
      %add3A_1347 = arith.addf %add3A_1340, %gather3A_1346 : vector<16xf32>
      %xor3A_1348 = arith.constant 2 : i32
      %xor3A_1349 = vector.broadcast %xor3A_1348 : i32 to vector<16xi32>
      %xor3A_1350 = arith.xori %iota3A, %xor3A_1349 : vector<16xi32>
      %broadcast_in_dim3A_1351 = vector.shape_cast %xor3A_1350 : vector<16xi32> to vector<16x1xi32>
      %gather3A_1352 = vector.shape_cast %broadcast_in_dim3A_1351 : vector<16x1xi32> to vector<16xi32>
      %gather3A_1353 = tpu.dynamic_gather %add3A_1347[%gather3A_1352] in [0] : vector<16xf32>, vector<16xi32> -> vector<16xf32>
      %add3A_1354 = arith.addf %add3A_1347, %gather3A_1353 : vector<16xf32>
      %xor3A_1355 = arith.constant 1 : i32
      %xor3A_1356 = vector.broadcast %xor3A_1355 : i32 to vector<16xi32>
      %xor3A_1357 = arith.xori %iota3A, %xor3A_1356 : vector<16xi32>
      %broadcast_in_dim3A_1358 = vector.shape_cast %xor3A_1357 : vector<16xi32> to vector<16x1xi32>
      %gather3A_1359 = vector.shape_cast %broadcast_in_dim3A_1358 : vector<16x1xi32> to vector<16xi32>
      %gather3A_1360 = tpu.dynamic_gather %add3A_1354[%gather3A_1359] in [0] : vector<16xf32>, vector<16xi32> -> vector<16xf32>
      %add3A_1361 = arith.addf %add3A_1354, %gather3A_1360 : vector<16xf32>
      %select_n3A_1362 = arith.select %eq3A_1333, %add3A_1361, %select_n3A_1269 : vector<16xi1>, vector<16xf32>
      %add3A_1363 = arith.constant 12 : i32
      %add3A_1364 = arith.addi %mul3A_250, %add3A_1363 : i32
      %get3A_1365 = arith.index_cast %add3A_1364 : i32 to index
      %get3A_1366 = arith.constant 0 : index
      %get3A_1367 = tpu.vector_load %arg11[%get3A_1365, %get3A_1366] {strides = array<i32>} : memref<512x64xf32, #tpu.memory_space<vmem>>, vector<1x16xf32>,
      %get3A_1368 = vector.shape_cast %get3A_1367 : vector<1x16xf32> to vector<16xf32>
      %get3A_1369 = arith.index_cast %add3A_1364 : i32 to index
      %get3A_1370 = arith.constant 0 : index
      %get3A_1371 = tpu.vector_load %arg12[%get3A_1369, %get3A_1370] {strides = array<i32>} : memref<512x64xf32, #tpu.memory_space<vmem>>, vector<1x16xf32>,
      %get3A_1372 = vector.shape_cast %get3A_1371 : vector<1x16xf32> to vector<16xf32>
      %mul3A_1373 = arith.mulf %get3A_1368, %get3A_1372 : vector<16xf32>
      %get3A_1374 = arith.index_cast %add3A_1364 : i32 to index
      %get3A_1375 = arith.constant 0 : index
      %get3A_1376 = tpu.vector_load %arg13[%get3A_1374, %get3A_1375] {strides = array<i32>} : memref<512x64xf32, #tpu.memory_space<vmem>>, vector<1x16xf32>,
      %get3A_1377 = vector.shape_cast %get3A_1376 : vector<1x16xf32> to vector<16xf32>
      %mul3A_1378 = arith.mulf %mul3A_1373, %get3A_1377 : vector<16xf32>
      %get3A_1379 = arith.index_cast %add3A_1364 : i32 to index
      %get3A_1380 = arith.constant 16 : index
      %get3A_1381 = tpu.vector_load %arg11[%get3A_1379, %get3A_1380] {strides = array<i32>} : memref<512x64xf32, #tpu.memory_space<vmem>>, vector<1x16xf32>,
      %get3A_1382 = vector.shape_cast %get3A_1381 : vector<1x16xf32> to vector<16xf32>
      %get3A_1383 = arith.index_cast %add3A_1364 : i32 to index
      %get3A_1384 = arith.constant 16 : index
      %get3A_1385 = tpu.vector_load %arg12[%get3A_1383, %get3A_1384] {strides = array<i32>} : memref<512x64xf32, #tpu.memory_space<vmem>>, vector<1x16xf32>,
      %get3A_1386 = vector.shape_cast %get3A_1385 : vector<1x16xf32> to vector<16xf32>
      %mul3A_1387 = arith.mulf %get3A_1382, %get3A_1386 : vector<16xf32>
      %get3A_1388 = arith.index_cast %add3A_1364 : i32 to index
      %get3A_1389 = arith.constant 16 : index
      %get3A_1390 = tpu.vector_load %arg13[%get3A_1388, %get3A_1389] {strides = array<i32>} : memref<512x64xf32, #tpu.memory_space<vmem>>, vector<1x16xf32>,
      %get3A_1391 = vector.shape_cast %get3A_1390 : vector<1x16xf32> to vector<16xf32>
      %mul3A_1392 = arith.mulf %mul3A_1387, %get3A_1391 : vector<16xf32>
      %add3A_1393 = arith.addf %mul3A_1378, %mul3A_1392 : vector<16xf32>
      %get3A_1394 = arith.index_cast %add3A_1364 : i32 to index
      %get3A_1395 = arith.constant 32 : index
      %get3A_1396 = tpu.vector_load %arg11[%get3A_1394, %get3A_1395] {strides = array<i32>} : memref<512x64xf32, #tpu.memory_space<vmem>>, vector<1x16xf32>,
      %get3A_1397 = vector.shape_cast %get3A_1396 : vector<1x16xf32> to vector<16xf32>
      %get3A_1398 = arith.index_cast %add3A_1364 : i32 to index
      %get3A_1399 = arith.constant 32 : index
      %get3A_1400 = tpu.vector_load %arg12[%get3A_1398, %get3A_1399] {strides = array<i32>} : memref<512x64xf32, #tpu.memory_space<vmem>>, vector<1x16xf32>,
      %get3A_1401 = vector.shape_cast %get3A_1400 : vector<1x16xf32> to vector<16xf32>
      %mul3A_1402 = arith.mulf %get3A_1397, %get3A_1401 : vector<16xf32>
      %get3A_1403 = arith.index_cast %add3A_1364 : i32 to index
      %get3A_1404 = arith.constant 32 : index
      %get3A_1405 = tpu.vector_load %arg13[%get3A_1403, %get3A_1404] {strides = array<i32>} : memref<512x64xf32, #tpu.memory_space<vmem>>, vector<1x16xf32>,
      %get3A_1406 = vector.shape_cast %get3A_1405 : vector<1x16xf32> to vector<16xf32>
      %mul3A_1407 = arith.mulf %mul3A_1402, %get3A_1406 : vector<16xf32>
      %add3A_1408 = arith.addf %add3A_1393, %mul3A_1407 : vector<16xf32>
      %get3A_1409 = arith.index_cast %add3A_1364 : i32 to index
      %get3A_1410 = arith.constant 48 : index
      %get3A_1411 = tpu.vector_load %arg11[%get3A_1409, %get3A_1410] {strides = array<i32>} : memref<512x64xf32, #tpu.memory_space<vmem>>, vector<1x16xf32>,
      %get3A_1412 = vector.shape_cast %get3A_1411 : vector<1x16xf32> to vector<16xf32>
      %get3A_1413 = arith.index_cast %add3A_1364 : i32 to index
      %get3A_1414 = arith.constant 48 : index
      %get3A_1415 = tpu.vector_load %arg12[%get3A_1413, %get3A_1414] {strides = array<i32>} : memref<512x64xf32, #tpu.memory_space<vmem>>, vector<1x16xf32>,
      %get3A_1416 = vector.shape_cast %get3A_1415 : vector<1x16xf32> to vector<16xf32>
      %mul3A_1417 = arith.mulf %get3A_1412, %get3A_1416 : vector<16xf32>
      %get3A_1418 = arith.index_cast %add3A_1364 : i32 to index
      %get3A_1419 = arith.constant 48 : index
      %get3A_1420 = tpu.vector_load %arg13[%get3A_1418, %get3A_1419] {strides = array<i32>} : memref<512x64xf32, #tpu.memory_space<vmem>>, vector<1x16xf32>,
      %get3A_1421 = vector.shape_cast %get3A_1420 : vector<1x16xf32> to vector<16xf32>
      %mul3A_1422 = arith.mulf %mul3A_1417, %get3A_1421 : vector<16xf32>
      %add3A_1423 = arith.addf %add3A_1408, %mul3A_1422 : vector<16xf32>
      %eq3A_1424 = arith.constant 12 : i32
      %eq3A_1425 = vector.broadcast %eq3A_1424 : i32 to vector<16xi32>
      %eq3A_1426 = arith.cmpi eq, %iota3A, %eq3A_1425 : vector<16xi32>
      %xor3A_1427 = arith.constant 8 : i32
      %xor3A_1428 = vector.broadcast %xor3A_1427 : i32 to vector<16xi32>
      %xor3A_1429 = arith.xori %iota3A, %xor3A_1428 : vector<16xi32>
      %broadcast_in_dim3A_1430 = vector.shape_cast %xor3A_1429 : vector<16xi32> to vector<16x1xi32>
      %gather3A_1431 = vector.shape_cast %broadcast_in_dim3A_1430 : vector<16x1xi32> to vector<16xi32>
      %gather3A_1432 = tpu.dynamic_gather %add3A_1423[%gather3A_1431] in [0] : vector<16xf32>, vector<16xi32> -> vector<16xf32>
      %add3A_1433 = arith.addf %add3A_1423, %gather3A_1432 : vector<16xf32>
      %xor3A_1434 = arith.constant 4 : i32
      %xor3A_1435 = vector.broadcast %xor3A_1434 : i32 to vector<16xi32>
      %xor3A_1436 = arith.xori %iota3A, %xor3A_1435 : vector<16xi32>
      %broadcast_in_dim3A_1437 = vector.shape_cast %xor3A_1436 : vector<16xi32> to vector<16x1xi32>
      %gather3A_1438 = vector.shape_cast %broadcast_in_dim3A_1437 : vector<16x1xi32> to vector<16xi32>
      %gather3A_1439 = tpu.dynamic_gather %add3A_1433[%gather3A_1438] in [0] : vector<16xf32>, vector<16xi32> -> vector<16xf32>
      %add3A_1440 = arith.addf %add3A_1433, %gather3A_1439 : vector<16xf32>
      %xor3A_1441 = arith.constant 2 : i32
      %xor3A_1442 = vector.broadcast %xor3A_1441 : i32 to vector<16xi32>
      %xor3A_1443 = arith.xori %iota3A, %xor3A_1442 : vector<16xi32>
      %broadcast_in_dim3A_1444 = vector.shape_cast %xor3A_1443 : vector<16xi32> to vector<16x1xi32>
      %gather3A_1445 = vector.shape_cast %broadcast_in_dim3A_1444 : vector<16x1xi32> to vector<16xi32>
      %gather3A_1446 = tpu.dynamic_gather %add3A_1440[%gather3A_1445] in [0] : vector<16xf32>, vector<16xi32> -> vector<16xf32>
      %add3A_1447 = arith.addf %add3A_1440, %gather3A_1446 : vector<16xf32>
      %xor3A_1448 = arith.constant 1 : i32
      %xor3A_1449 = vector.broadcast %xor3A_1448 : i32 to vector<16xi32>
      %xor3A_1450 = arith.xori %iota3A, %xor3A_1449 : vector<16xi32>
      %broadcast_in_dim3A_1451 = vector.shape_cast %xor3A_1450 : vector<16xi32> to vector<16x1xi32>
      %gather3A_1452 = vector.shape_cast %broadcast_in_dim3A_1451 : vector<16x1xi32> to vector<16xi32>
      %gather3A_1453 = tpu.dynamic_gather %add3A_1447[%gather3A_1452] in [0] : vector<16xf32>, vector<16xi32> -> vector<16xf32>
      %add3A_1454 = arith.addf %add3A_1447, %gather3A_1453 : vector<16xf32>
      %select_n3A_1455 = arith.select %eq3A_1426, %add3A_1454, %select_n3A_1362 : vector<16xi1>, vector<16xf32>
      %add3A_1456 = arith.constant 13 : i32
      %add3A_1457 = arith.addi %mul3A_250, %add3A_1456 : i32
      %get3A_1458 = arith.index_cast %add3A_1457 : i32 to index
      %get3A_1459 = arith.constant 0 : index
      %get3A_1460 = tpu.vector_load %arg11[%get3A_1458, %get3A_1459] {strides = array<i32>} : memref<512x64xf32, #tpu.memory_space<vmem>>, vector<1x16xf32>,
      %get3A_1461 = vector.shape_cast %get3A_1460 : vector<1x16xf32> to vector<16xf32>
      %get3A_1462 = arith.index_cast %add3A_1457 : i32 to index
      %get3A_1463 = arith.constant 0 : index
      %get3A_1464 = tpu.vector_load %arg12[%get3A_1462, %get3A_1463] {strides = array<i32>} : memref<512x64xf32, #tpu.memory_space<vmem>>, vector<1x16xf32>,
      %get3A_1465 = vector.shape_cast %get3A_1464 : vector<1x16xf32> to vector<16xf32>
      %mul3A_1466 = arith.mulf %get3A_1461, %get3A_1465 : vector<16xf32>
      %get3A_1467 = arith.index_cast %add3A_1457 : i32 to index
      %get3A_1468 = arith.constant 0 : index
      %get3A_1469 = tpu.vector_load %arg13[%get3A_1467, %get3A_1468] {strides = array<i32>} : memref<512x64xf32, #tpu.memory_space<vmem>>, vector<1x16xf32>,
      %get3A_1470 = vector.shape_cast %get3A_1469 : vector<1x16xf32> to vector<16xf32>
      %mul3A_1471 = arith.mulf %mul3A_1466, %get3A_1470 : vector<16xf32>
      %get3A_1472 = arith.index_cast %add3A_1457 : i32 to index
      %get3A_1473 = arith.constant 16 : index
      %get3A_1474 = tpu.vector_load %arg11[%get3A_1472, %get3A_1473] {strides = array<i32>} : memref<512x64xf32, #tpu.memory_space<vmem>>, vector<1x16xf32>,
      %get3A_1475 = vector.shape_cast %get3A_1474 : vector<1x16xf32> to vector<16xf32>
      %get3A_1476 = arith.index_cast %add3A_1457 : i32 to index
      %get3A_1477 = arith.constant 16 : index
      %get3A_1478 = tpu.vector_load %arg12[%get3A_1476, %get3A_1477] {strides = array<i32>} : memref<512x64xf32, #tpu.memory_space<vmem>>, vector<1x16xf32>,
      %get3A_1479 = vector.shape_cast %get3A_1478 : vector<1x16xf32> to vector<16xf32>
      %mul3A_1480 = arith.mulf %get3A_1475, %get3A_1479 : vector<16xf32>
      %get3A_1481 = arith.index_cast %add3A_1457 : i32 to index
      %get3A_1482 = arith.constant 16 : index
      %get3A_1483 = tpu.vector_load %arg13[%get3A_1481, %get3A_1482] {strides = array<i32>} : memref<512x64xf32, #tpu.memory_space<vmem>>, vector<1x16xf32>,
      %get3A_1484 = vector.shape_cast %get3A_1483 : vector<1x16xf32> to vector<16xf32>
      %mul3A_1485 = arith.mulf %mul3A_1480, %get3A_1484 : vector<16xf32>
      %add3A_1486 = arith.addf %mul3A_1471, %mul3A_1485 : vector<16xf32>
      %get3A_1487 = arith.index_cast %add3A_1457 : i32 to index
      %get3A_1488 = arith.constant 32 : index
      %get3A_1489 = tpu.vector_load %arg11[%get3A_1487, %get3A_1488] {strides = array<i32>} : memref<512x64xf32, #tpu.memory_space<vmem>>, vector<1x16xf32>,
      %get3A_1490 = vector.shape_cast %get3A_1489 : vector<1x16xf32> to vector<16xf32>
      %get3A_1491 = arith.index_cast %add3A_1457 : i32 to index
      %get3A_1492 = arith.constant 32 : index
      %get3A_1493 = tpu.vector_load %arg12[%get3A_1491, %get3A_1492] {strides = array<i32>} : memref<512x64xf32, #tpu.memory_space<vmem>>, vector<1x16xf32>,
      %get3A_1494 = vector.shape_cast %get3A_1493 : vector<1x16xf32> to vector<16xf32>
      %mul3A_1495 = arith.mulf %get3A_1490, %get3A_1494 : vector<16xf32>
      %get3A_1496 = arith.index_cast %add3A_1457 : i32 to index
      %get3A_1497 = arith.constant 32 : index
      %get3A_1498 = tpu.vector_load %arg13[%get3A_1496, %get3A_1497] {strides = array<i32>} : memref<512x64xf32, #tpu.memory_space<vmem>>, vector<1x16xf32>,
      %get3A_1499 = vector.shape_cast %get3A_1498 : vector<1x16xf32> to vector<16xf32>
      %mul3A_1500 = arith.mulf %mul3A_1495, %get3A_1499 : vector<16xf32>
      %add3A_1501 = arith.addf %add3A_1486, %mul3A_1500 : vector<16xf32>
      %get3A_1502 = arith.index_cast %add3A_1457 : i32 to index
      %get3A_1503 = arith.constant 48 : index
      %get3A_1504 = tpu.vector_load %arg11[%get3A_1502, %get3A_1503] {strides = array<i32>} : memref<512x64xf32, #tpu.memory_space<vmem>>, vector<1x16xf32>,
      %get3A_1505 = vector.shape_cast %get3A_1504 : vector<1x16xf32> to vector<16xf32>
      %get3A_1506 = arith.index_cast %add3A_1457 : i32 to index
      %get3A_1507 = arith.constant 48 : index
      %get3A_1508 = tpu.vector_load %arg12[%get3A_1506, %get3A_1507] {strides = array<i32>} : memref<512x64xf32, #tpu.memory_space<vmem>>, vector<1x16xf32>,
      %get3A_1509 = vector.shape_cast %get3A_1508 : vector<1x16xf32> to vector<16xf32>
      %mul3A_1510 = arith.mulf %get3A_1505, %get3A_1509 : vector<16xf32>
      %get3A_1511 = arith.index_cast %add3A_1457 : i32 to index
      %get3A_1512 = arith.constant 48 : index
      %get3A_1513 = tpu.vector_load %arg13[%get3A_1511, %get3A_1512] {strides = array<i32>} : memref<512x64xf32, #tpu.memory_space<vmem>>, vector<1x16xf32>,
      %get3A_1514 = vector.shape_cast %get3A_1513 : vector<1x16xf32> to vector<16xf32>
      %mul3A_1515 = arith.mulf %mul3A_1510, %get3A_1514 : vector<16xf32>
      %add3A_1516 = arith.addf %add3A_1501, %mul3A_1515 : vector<16xf32>
      %eq3A_1517 = arith.constant 13 : i32
      %eq3A_1518 = vector.broadcast %eq3A_1517 : i32 to vector<16xi32>
      %eq3A_1519 = arith.cmpi eq, %iota3A, %eq3A_1518 : vector<16xi32>
      %xor3A_1520 = arith.constant 8 : i32
      %xor3A_1521 = vector.broadcast %xor3A_1520 : i32 to vector<16xi32>
      %xor3A_1522 = arith.xori %iota3A, %xor3A_1521 : vector<16xi32>
      %broadcast_in_dim3A_1523 = vector.shape_cast %xor3A_1522 : vector<16xi32> to vector<16x1xi32>
      %gather3A_1524 = vector.shape_cast %broadcast_in_dim3A_1523 : vector<16x1xi32> to vector<16xi32>
      %gather3A_1525 = tpu.dynamic_gather %add3A_1516[%gather3A_1524] in [0] : vector<16xf32>, vector<16xi32> -> vector<16xf32>
      %add3A_1526 = arith.addf %add3A_1516, %gather3A_1525 : vector<16xf32>
      %xor3A_1527 = arith.constant 4 : i32
      %xor3A_1528 = vector.broadcast %xor3A_1527 : i32 to vector<16xi32>
      %xor3A_1529 = arith.xori %iota3A, %xor3A_1528 : vector<16xi32>
      %broadcast_in_dim3A_1530 = vector.shape_cast %xor3A_1529 : vector<16xi32> to vector<16x1xi32>
      %gather3A_1531 = vector.shape_cast %broadcast_in_dim3A_1530 : vector<16x1xi32> to vector<16xi32>
      %gather3A_1532 = tpu.dynamic_gather %add3A_1526[%gather3A_1531] in [0] : vector<16xf32>, vector<16xi32> -> vector<16xf32>
      %add3A_1533 = arith.addf %add3A_1526, %gather3A_1532 : vector<16xf32>
      %xor3A_1534 = arith.constant 2 : i32
      %xor3A_1535 = vector.broadcast %xor3A_1534 : i32 to vector<16xi32>
      %xor3A_1536 = arith.xori %iota3A, %xor3A_1535 : vector<16xi32>
      %broadcast_in_dim3A_1537 = vector.shape_cast %xor3A_1536 : vector<16xi32> to vector<16x1xi32>
      %gather3A_1538 = vector.shape_cast %broadcast_in_dim3A_1537 : vector<16x1xi32> to vector<16xi32>
      %gather3A_1539 = tpu.dynamic_gather %add3A_1533[%gather3A_1538] in [0] : vector<16xf32>, vector<16xi32> -> vector<16xf32>
      %add3A_1540 = arith.addf %add3A_1533, %gather3A_1539 : vector<16xf32>
      %xor3A_1541 = arith.constant 1 : i32
      %xor3A_1542 = vector.broadcast %xor3A_1541 : i32 to vector<16xi32>
      %xor3A_1543 = arith.xori %iota3A, %xor3A_1542 : vector<16xi32>
      %broadcast_in_dim3A_1544 = vector.shape_cast %xor3A_1543 : vector<16xi32> to vector<16x1xi32>
      %gather3A_1545 = vector.shape_cast %broadcast_in_dim3A_1544 : vector<16x1xi32> to vector<16xi32>
      %gather3A_1546 = tpu.dynamic_gather %add3A_1540[%gather3A_1545] in [0] : vector<16xf32>, vector<16xi32> -> vector<16xf32>
      %add3A_1547 = arith.addf %add3A_1540, %gather3A_1546 : vector<16xf32>
      %select_n3A_1548 = arith.select %eq3A_1519, %add3A_1547, %select_n3A_1455 : vector<16xi1>, vector<16xf32>
      %add3A_1549 = arith.constant 14 : i32
      %add3A_1550 = arith.addi %mul3A_250, %add3A_1549 : i32
      %get3A_1551 = arith.index_cast %add3A_1550 : i32 to index
      %get3A_1552 = arith.constant 0 : index
      %get3A_1553 = tpu.vector_load %arg11[%get3A_1551, %get3A_1552] {strides = array<i32>} : memref<512x64xf32, #tpu.memory_space<vmem>>, vector<1x16xf32>,
      %get3A_1554 = vector.shape_cast %get3A_1553 : vector<1x16xf32> to vector<16xf32>
      %get3A_1555 = arith.index_cast %add3A_1550 : i32 to index
      %get3A_1556 = arith.constant 0 : index
      %get3A_1557 = tpu.vector_load %arg12[%get3A_1555, %get3A_1556] {strides = array<i32>} : memref<512x64xf32, #tpu.memory_space<vmem>>, vector<1x16xf32>,
      %get3A_1558 = vector.shape_cast %get3A_1557 : vector<1x16xf32> to vector<16xf32>
      %mul3A_1559 = arith.mulf %get3A_1554, %get3A_1558 : vector<16xf32>
      %get3A_1560 = arith.index_cast %add3A_1550 : i32 to index
      %get3A_1561 = arith.constant 0 : index
      %get3A_1562 = tpu.vector_load %arg13[%get3A_1560, %get3A_1561] {strides = array<i32>} : memref<512x64xf32, #tpu.memory_space<vmem>>, vector<1x16xf32>,
      %get3A_1563 = vector.shape_cast %get3A_1562 : vector<1x16xf32> to vector<16xf32>
      %mul3A_1564 = arith.mulf %mul3A_1559, %get3A_1563 : vector<16xf32>
      %get3A_1565 = arith.index_cast %add3A_1550 : i32 to index
      %get3A_1566 = arith.constant 16 : index
      %get3A_1567 = tpu.vector_load %arg11[%get3A_1565, %get3A_1566] {strides = array<i32>} : memref<512x64xf32, #tpu.memory_space<vmem>>, vector<1x16xf32>,
      %get3A_1568 = vector.shape_cast %get3A_1567 : vector<1x16xf32> to vector<16xf32>
      %get3A_1569 = arith.index_cast %add3A_1550 : i32 to index
      %get3A_1570 = arith.constant 16 : index
      %get3A_1571 = tpu.vector_load %arg12[%get3A_1569, %get3A_1570] {strides = array<i32>} : memref<512x64xf32, #tpu.memory_space<vmem>>, vector<1x16xf32>,
      %get3A_1572 = vector.shape_cast %get3A_1571 : vector<1x16xf32> to vector<16xf32>
      %mul3A_1573 = arith.mulf %get3A_1568, %get3A_1572 : vector<16xf32>
      %get3A_1574 = arith.index_cast %add3A_1550 : i32 to index
      %get3A_1575 = arith.constant 16 : index
      %get3A_1576 = tpu.vector_load %arg13[%get3A_1574, %get3A_1575] {strides = array<i32>} : memref<512x64xf32, #tpu.memory_space<vmem>>, vector<1x16xf32>,
      %get3A_1577 = vector.shape_cast %get3A_1576 : vector<1x16xf32> to vector<16xf32>
      %mul3A_1578 = arith.mulf %mul3A_1573, %get3A_1577 : vector<16xf32>
      %add3A_1579 = arith.addf %mul3A_1564, %mul3A_1578 : vector<16xf32>
      %get3A_1580 = arith.index_cast %add3A_1550 : i32 to index
      %get3A_1581 = arith.constant 32 : index
      %get3A_1582 = tpu.vector_load %arg11[%get3A_1580, %get3A_1581] {strides = array<i32>} : memref<512x64xf32, #tpu.memory_space<vmem>>, vector<1x16xf32>,
      %get3A_1583 = vector.shape_cast %get3A_1582 : vector<1x16xf32> to vector<16xf32>
      %get3A_1584 = arith.index_cast %add3A_1550 : i32 to index
      %get3A_1585 = arith.constant 32 : index
      %get3A_1586 = tpu.vector_load %arg12[%get3A_1584, %get3A_1585] {strides = array<i32>} : memref<512x64xf32, #tpu.memory_space<vmem>>, vector<1x16xf32>,
      %get3A_1587 = vector.shape_cast %get3A_1586 : vector<1x16xf32> to vector<16xf32>
      %mul3A_1588 = arith.mulf %get3A_1583, %get3A_1587 : vector<16xf32>
      %get3A_1589 = arith.index_cast %add3A_1550 : i32 to index
      %get3A_1590 = arith.constant 32 : index
      %get3A_1591 = tpu.vector_load %arg13[%get3A_1589, %get3A_1590] {strides = array<i32>} : memref<512x64xf32, #tpu.memory_space<vmem>>, vector<1x16xf32>,
      %get3A_1592 = vector.shape_cast %get3A_1591 : vector<1x16xf32> to vector<16xf32>
      %mul3A_1593 = arith.mulf %mul3A_1588, %get3A_1592 : vector<16xf32>
      %add3A_1594 = arith.addf %add3A_1579, %mul3A_1593 : vector<16xf32>
      %get3A_1595 = arith.index_cast %add3A_1550 : i32 to index
      %get3A_1596 = arith.constant 48 : index
      %get3A_1597 = tpu.vector_load %arg11[%get3A_1595, %get3A_1596] {strides = array<i32>} : memref<512x64xf32, #tpu.memory_space<vmem>>, vector<1x16xf32>,
      %get3A_1598 = vector.shape_cast %get3A_1597 : vector<1x16xf32> to vector<16xf32>
      %get3A_1599 = arith.index_cast %add3A_1550 : i32 to index
      %get3A_1600 = arith.constant 48 : index
      %get3A_1601 = tpu.vector_load %arg12[%get3A_1599, %get3A_1600] {strides = array<i32>} : memref<512x64xf32, #tpu.memory_space<vmem>>, vector<1x16xf32>,
      %get3A_1602 = vector.shape_cast %get3A_1601 : vector<1x16xf32> to vector<16xf32>
      %mul3A_1603 = arith.mulf %get3A_1598, %get3A_1602 : vector<16xf32>
      %get3A_1604 = arith.index_cast %add3A_1550 : i32 to index
      %get3A_1605 = arith.constant 48 : index
      %get3A_1606 = tpu.vector_load %arg13[%get3A_1604, %get3A_1605] {strides = array<i32>} : memref<512x64xf32, #tpu.memory_space<vmem>>, vector<1x16xf32>,
      %get3A_1607 = vector.shape_cast %get3A_1606 : vector<1x16xf32> to vector<16xf32>
      %mul3A_1608 = arith.mulf %mul3A_1603, %get3A_1607 : vector<16xf32>
      %add3A_1609 = arith.addf %add3A_1594, %mul3A_1608 : vector<16xf32>
      %eq3A_1610 = arith.constant 14 : i32
      %eq3A_1611 = vector.broadcast %eq3A_1610 : i32 to vector<16xi32>
      %eq3A_1612 = arith.cmpi eq, %iota3A, %eq3A_1611 : vector<16xi32>
      %xor3A_1613 = arith.constant 8 : i32
      %xor3A_1614 = vector.broadcast %xor3A_1613 : i32 to vector<16xi32>
      %xor3A_1615 = arith.xori %iota3A, %xor3A_1614 : vector<16xi32>
      %broadcast_in_dim3A_1616 = vector.shape_cast %xor3A_1615 : vector<16xi32> to vector<16x1xi32>
      %gather3A_1617 = vector.shape_cast %broadcast_in_dim3A_1616 : vector<16x1xi32> to vector<16xi32>
      %gather3A_1618 = tpu.dynamic_gather %add3A_1609[%gather3A_1617] in [0] : vector<16xf32>, vector<16xi32> -> vector<16xf32>
      %add3A_1619 = arith.addf %add3A_1609, %gather3A_1618 : vector<16xf32>
      %xor3A_1620 = arith.constant 4 : i32
      %xor3A_1621 = vector.broadcast %xor3A_1620 : i32 to vector<16xi32>
      %xor3A_1622 = arith.xori %iota3A, %xor3A_1621 : vector<16xi32>
      %broadcast_in_dim3A_1623 = vector.shape_cast %xor3A_1622 : vector<16xi32> to vector<16x1xi32>
      %gather3A_1624 = vector.shape_cast %broadcast_in_dim3A_1623 : vector<16x1xi32> to vector<16xi32>
      %gather3A_1625 = tpu.dynamic_gather %add3A_1619[%gather3A_1624] in [0] : vector<16xf32>, vector<16xi32> -> vector<16xf32>
      %add3A_1626 = arith.addf %add3A_1619, %gather3A_1625 : vector<16xf32>
      %xor3A_1627 = arith.constant 2 : i32
      %xor3A_1628 = vector.broadcast %xor3A_1627 : i32 to vector<16xi32>
      %xor3A_1629 = arith.xori %iota3A, %xor3A_1628 : vector<16xi32>
      %broadcast_in_dim3A_1630 = vector.shape_cast %xor3A_1629 : vector<16xi32> to vector<16x1xi32>
      %gather3A_1631 = vector.shape_cast %broadcast_in_dim3A_1630 : vector<16x1xi32> to vector<16xi32>
      %gather3A_1632 = tpu.dynamic_gather %add3A_1626[%gather3A_1631] in [0] : vector<16xf32>, vector<16xi32> -> vector<16xf32>
      %add3A_1633 = arith.addf %add3A_1626, %gather3A_1632 : vector<16xf32>
      %xor3A_1634 = arith.constant 1 : i32
      %xor3A_1635 = vector.broadcast %xor3A_1634 : i32 to vector<16xi32>
      %xor3A_1636 = arith.xori %iota3A, %xor3A_1635 : vector<16xi32>
      %broadcast_in_dim3A_1637 = vector.shape_cast %xor3A_1636 : vector<16xi32> to vector<16x1xi32>
      %gather3A_1638 = vector.shape_cast %broadcast_in_dim3A_1637 : vector<16x1xi32> to vector<16xi32>
      %gather3A_1639 = tpu.dynamic_gather %add3A_1633[%gather3A_1638] in [0] : vector<16xf32>, vector<16xi32> -> vector<16xf32>
      %add3A_1640 = arith.addf %add3A_1633, %gather3A_1639 : vector<16xf32>
      %select_n3A_1641 = arith.select %eq3A_1612, %add3A_1640, %select_n3A_1548 : vector<16xi1>, vector<16xf32>
      %add3A_1642 = arith.constant 15 : i32
      %add3A_1643 = arith.addi %mul3A_250, %add3A_1642 : i32
      %get3A_1644 = arith.index_cast %add3A_1643 : i32 to index
      %get3A_1645 = arith.constant 0 : index
      %get3A_1646 = tpu.vector_load %arg11[%get3A_1644, %get3A_1645] {strides = array<i32>} : memref<512x64xf32, #tpu.memory_space<vmem>>, vector<1x16xf32>,
      %get3A_1647 = vector.shape_cast %get3A_1646 : vector<1x16xf32> to vector<16xf32>
      %get3A_1648 = arith.index_cast %add3A_1643 : i32 to index
      %get3A_1649 = arith.constant 0 : index
      %get3A_1650 = tpu.vector_load %arg12[%get3A_1648, %get3A_1649] {strides = array<i32>} : memref<512x64xf32, #tpu.memory_space<vmem>>, vector<1x16xf32>,
      %get3A_1651 = vector.shape_cast %get3A_1650 : vector<1x16xf32> to vector<16xf32>
      %mul3A_1652 = arith.mulf %get3A_1647, %get3A_1651 : vector<16xf32>
      %get3A_1653 = arith.index_cast %add3A_1643 : i32 to index
      %get3A_1654 = arith.constant 0 : index
      %get3A_1655 = tpu.vector_load %arg13[%get3A_1653, %get3A_1654] {strides = array<i32>} : memref<512x64xf32, #tpu.memory_space<vmem>>, vector<1x16xf32>,
      %get3A_1656 = vector.shape_cast %get3A_1655 : vector<1x16xf32> to vector<16xf32>
      %mul3A_1657 = arith.mulf %mul3A_1652, %get3A_1656 : vector<16xf32>
      %get3A_1658 = arith.index_cast %add3A_1643 : i32 to index
      %get3A_1659 = arith.constant 16 : index
      %get3A_1660 = tpu.vector_load %arg11[%get3A_1658, %get3A_1659] {strides = array<i32>} : memref<512x64xf32, #tpu.memory_space<vmem>>, vector<1x16xf32>,
      %get3A_1661 = vector.shape_cast %get3A_1660 : vector<1x16xf32> to vector<16xf32>
      %get3A_1662 = arith.index_cast %add3A_1643 : i32 to index
      %get3A_1663 = arith.constant 16 : index
      %get3A_1664 = tpu.vector_load %arg12[%get3A_1662, %get3A_1663] {strides = array<i32>} : memref<512x64xf32, #tpu.memory_space<vmem>>, vector<1x16xf32>,
      %get3A_1665 = vector.shape_cast %get3A_1664 : vector<1x16xf32> to vector<16xf32>
      %mul3A_1666 = arith.mulf %get3A_1661, %get3A_1665 : vector<16xf32>
      %get3A_1667 = arith.index_cast %add3A_1643 : i32 to index
      %get3A_1668 = arith.constant 16 : index
      %get3A_1669 = tpu.vector_load %arg13[%get3A_1667, %get3A_1668] {strides = array<i32>} : memref<512x64xf32, #tpu.memory_space<vmem>>, vector<1x16xf32>,
      %get3A_1670 = vector.shape_cast %get3A_1669 : vector<1x16xf32> to vector<16xf32>
      %mul3A_1671 = arith.mulf %mul3A_1666, %get3A_1670 : vector<16xf32>
      %add3A_1672 = arith.addf %mul3A_1657, %mul3A_1671 : vector<16xf32>
      %get3A_1673 = arith.index_cast %add3A_1643 : i32 to index
      %get3A_1674 = arith.constant 32 : index
      %get3A_1675 = tpu.vector_load %arg11[%get3A_1673, %get3A_1674] {strides = array<i32>} : memref<512x64xf32, #tpu.memory_space<vmem>>, vector<1x16xf32>,
      %get3A_1676 = vector.shape_cast %get3A_1675 : vector<1x16xf32> to vector<16xf32>
      %get3A_1677 = arith.index_cast %add3A_1643 : i32 to index
      %get3A_1678 = arith.constant 32 : index
      %get3A_1679 = tpu.vector_load %arg12[%get3A_1677, %get3A_1678] {strides = array<i32>} : memref<512x64xf32, #tpu.memory_space<vmem>>, vector<1x16xf32>,
      %get3A_1680 = vector.shape_cast %get3A_1679 : vector<1x16xf32> to vector<16xf32>
      %mul3A_1681 = arith.mulf %get3A_1676, %get3A_1680 : vector<16xf32>
      %get3A_1682 = arith.index_cast %add3A_1643 : i32 to index
      %get3A_1683 = arith.constant 32 : index
      %get3A_1684 = tpu.vector_load %arg13[%get3A_1682, %get3A_1683] {strides = array<i32>} : memref<512x64xf32, #tpu.memory_space<vmem>>, vector<1x16xf32>,
      %get3A_1685 = vector.shape_cast %get3A_1684 : vector<1x16xf32> to vector<16xf32>
      %mul3A_1686 = arith.mulf %mul3A_1681, %get3A_1685 : vector<16xf32>
      %add3A_1687 = arith.addf %add3A_1672, %mul3A_1686 : vector<16xf32>
      %get3A_1688 = arith.index_cast %add3A_1643 : i32 to index
      %get3A_1689 = arith.constant 48 : index
      %get3A_1690 = tpu.vector_load %arg11[%get3A_1688, %get3A_1689] {strides = array<i32>} : memref<512x64xf32, #tpu.memory_space<vmem>>, vector<1x16xf32>,
      %get3A_1691 = vector.shape_cast %get3A_1690 : vector<1x16xf32> to vector<16xf32>
      %get3A_1692 = arith.index_cast %add3A_1643 : i32 to index
      %get3A_1693 = arith.constant 48 : index
      %get3A_1694 = tpu.vector_load %arg12[%get3A_1692, %get3A_1693] {strides = array<i32>} : memref<512x64xf32, #tpu.memory_space<vmem>>, vector<1x16xf32>,
      %get3A_1695 = vector.shape_cast %get3A_1694 : vector<1x16xf32> to vector<16xf32>
      %mul3A_1696 = arith.mulf %get3A_1691, %get3A_1695 : vector<16xf32>
      %get3A_1697 = arith.index_cast %add3A_1643 : i32 to index
      %get3A_1698 = arith.constant 48 : index
      %get3A_1699 = tpu.vector_load %arg13[%get3A_1697, %get3A_1698] {strides = array<i32>} : memref<512x64xf32, #tpu.memory_space<vmem>>, vector<1x16xf32>,
      %get3A_1700 = vector.shape_cast %get3A_1699 : vector<1x16xf32> to vector<16xf32>
      %mul3A_1701 = arith.mulf %mul3A_1696, %get3A_1700 : vector<16xf32>
      %add3A_1702 = arith.addf %add3A_1687, %mul3A_1701 : vector<16xf32>
      %eq3A_1703 = arith.constant 15 : i32
      %eq3A_1704 = vector.broadcast %eq3A_1703 : i32 to vector<16xi32>
      %eq3A_1705 = arith.cmpi eq, %iota3A, %eq3A_1704 : vector<16xi32>
      %xor3A_1706 = arith.constant 8 : i32
      %xor3A_1707 = vector.broadcast %xor3A_1706 : i32 to vector<16xi32>
      %xor3A_1708 = arith.xori %iota3A, %xor3A_1707 : vector<16xi32>
      %broadcast_in_dim3A_1709 = vector.shape_cast %xor3A_1708 : vector<16xi32> to vector<16x1xi32>
      %gather3A_1710 = vector.shape_cast %broadcast_in_dim3A_1709 : vector<16x1xi32> to vector<16xi32>
      %gather3A_1711 = tpu.dynamic_gather %add3A_1702[%gather3A_1710] in [0] : vector<16xf32>, vector<16xi32> -> vector<16xf32>
      %add3A_1712 = arith.addf %add3A_1702, %gather3A_1711 : vector<16xf32>
      %xor3A_1713 = arith.constant 4 : i32
      %xor3A_1714 = vector.broadcast %xor3A_1713 : i32 to vector<16xi32>
      %xor3A_1715 = arith.xori %iota3A, %xor3A_1714 : vector<16xi32>
      %broadcast_in_dim3A_1716 = vector.shape_cast %xor3A_1715 : vector<16xi32> to vector<16x1xi32>
      %gather3A_1717 = vector.shape_cast %broadcast_in_dim3A_1716 : vector<16x1xi32> to vector<16xi32>
      %gather3A_1718 = tpu.dynamic_gather %add3A_1712[%gather3A_1717] in [0] : vector<16xf32>, vector<16xi32> -> vector<16xf32>
      %add3A_1719 = arith.addf %add3A_1712, %gather3A_1718 : vector<16xf32>
      %xor3A_1720 = arith.constant 2 : i32
      %xor3A_1721 = vector.broadcast %xor3A_1720 : i32 to vector<16xi32>
      %xor3A_1722 = arith.xori %iota3A, %xor3A_1721 : vector<16xi32>
      %broadcast_in_dim3A_1723 = vector.shape_cast %xor3A_1722 : vector<16xi32> to vector<16x1xi32>
      %gather3A_1724 = vector.shape_cast %broadcast_in_dim3A_1723 : vector<16x1xi32> to vector<16xi32>
      %gather3A_1725 = tpu.dynamic_gather %add3A_1719[%gather3A_1724] in [0] : vector<16xf32>, vector<16xi32> -> vector<16xf32>
      %add3A_1726 = arith.addf %add3A_1719, %gather3A_1725 : vector<16xf32>
      %xor3A_1727 = arith.constant 1 : i32
      %xor3A_1728 = vector.broadcast %xor3A_1727 : i32 to vector<16xi32>
      %xor3A_1729 = arith.xori %iota3A, %xor3A_1728 : vector<16xi32>
      %broadcast_in_dim3A_1730 = vector.shape_cast %xor3A_1729 : vector<16xi32> to vector<16x1xi32>
      %gather3A_1731 = vector.shape_cast %broadcast_in_dim3A_1730 : vector<16x1xi32> to vector<16xi32>
      %gather3A_1732 = tpu.dynamic_gather %add3A_1726[%gather3A_1731] in [0] : vector<16xf32>, vector<16xi32> -> vector<16xf32>
      %add3A_1733 = arith.addf %add3A_1726, %gather3A_1732 : vector<16xf32>
      %select_n3A_1734 = arith.select %eq3A_1705, %add3A_1733, %select_n3A_1641 : vector<16xi1>, vector<16xf32>
      %swap3A = arith.index_cast %mul3A_250 : i32 to index
      %swap3A_1735 = tpu.vector_load %arg14[%swap3A] {strides = array<i32>} : memref<512xf32, #tpu.memory_space<vmem>>, vector<16xf32>,
      %swap3A_1736 = vector.shape_cast %swap3A_1735 : vector<16xf32> to vector<16xf32>
      %swap3A_1737 = vector.shape_cast %select_n3A_1734 : vector<16xf32> to vector<16xf32>
      tpu.vector_store %arg14[%swap3A], %swap3A_1737 {strides = array<i32>} : memref<512xf32, #tpu.memory_space<vmem>>, vector<16xf32>,
    }
    %scan3A_245 = arith.constant 32 : i32
    %mul3A_246 = arith.constant 512 : i32
    %mul3A_247 = arith.muli %add3A, %mul3A_246 : i32
    "tpu.region"() ({
      %run_scoped3A = tpu.sem_alloc : memref<!tpu.dma_semaphore, #tpu.memory_space<semaphore_mem>>
      %dma_start3A_248 = tpu.memref_slice %arg7[%mul3A_247] : memref<16384xf32, #tpu.memory_space<hbm>> -> memref<512xf32, #tpu.memory_space<hbm>>
      %dma_start3A_249 = tpu.memref_slice %arg7[%mul3A_247] : memref<16384xf32, #tpu.memory_space<hbm>> -> memref<512xf32, #tpu.memory_space<hbm>>
      tpu.enqueue_dma source(%arg14 : memref<512xf32, #tpu.memory_space<vmem>>) target(%dma_start3A_249 : memref<512xf32, #tpu.memory_space<hbm>>) target_semaphore(%run_scoped3A : memref<!tpu.dma_semaphore, #tpu.memory_space<semaphore_mem>>)
      %dma_wait3A_250 = tpu.memref_slice %arg7[%mul3A_247] : memref<16384xf32, #tpu.memory_space<hbm>> -> memref<512xf32, #tpu.memory_space<hbm>>
      %dma_wait3A_251 = tpu.memref_slice %arg7[%mul3A_247] : memref<16384xf32, #tpu.memory_space<hbm>> -> memref<512xf32, #tpu.memory_space<hbm>>
      tpu.wait_dma2 semaphore(%run_scoped3A : memref<!tpu.dma_semaphore, #tpu.memory_space<semaphore_mem>>) src(%arg14 : memref<512xf32, #tpu.memory_space<vmem>>) dst(%dma_wait3A_251 : memref<512xf32, #tpu.memory_space<hbm>>)
      tpu.yield
    }) : () -> ()
    return
  }
}

</mosaic_0001>

<sc_bundles>
// kernel: kernel.3.cloned.1.call-start
scs
__scs_entry_jumppad:
0x0: {  	(pc) =	sbr.rel $0x88, $3  }
0x1: {  	(tag) =	ssettag $0x0;
	lr =	simm.s32 $0x1  }
0x2: {  	[smem:$0x3F9C] =	sst lr;
	_ =	strace $0xD0000000  }
0x3: {  	_ = 	snop  }
0x4: {  	_ = 	snop  }
0x5: {  	_ = 	snop  }
0x6: {  	_ = 	snop  }
0x7: {  	_ = 	snop  }
__scs_overlays_trampoline_lowered:
0x8: {  	[smem:$0x3FAB] =	sst s0  }
0x9: {  	[smem:$0x3FAC] =	sst s1  }
0xa: {  	[smem:$0x3FAD] =	sst s2  }
0xb: {  	[smem:$0x3FAE] =	sst s3  }
0xc: {  	[smem:$0x3FAF] =	sst s4  }
0xd: {  	[smem:$0x3FB0] =	sst s5  }
0xe: {  	[smem:$0x3FB1] =	sst s6  }
0xf: {  	[smem:$0x3FB2] =	sst s7  }
0x10: {  	[smem:$0x3FB3] =	sst s8  }
0x11: {  	[smem:$0x3FB4] =	sst s9;
	s0 =	simm.s32 @!p0 $0x0  }
0x12: {  	s1 =	sld [smem:$0x3F9A];
	s0 =	simm.s32 @p0 $0x1  }
0x13: {  	[smem:$0x3FB5] =	sst s0;
	s0 =	simm.s32 @!p1 $0x0  }
0x14: {  	s2 =	sld [smem:$0x3F99];
	s0 =	simm.s32 @p1 $0x1  }
0x15: {  	[smem:$0x3FB6] =	sst s0;
	s0 =	simm.s32 @!p2 $0x0  }
0x16: {  	s3 =	sld [smem:$0x3FDB];
	s0 =	simm.s32 @p2 $0x1  }
0x17: {  	s4 =	simm.s32 $0x1BF5;
	[smem:$0x3FB8] =	sst s0  }
0x18: {  	s0 =	sld [smem:$0x3F9B];
	_ =	swait.ge [sflag:s4], $0x0  }
0x19: {  	s7 =	sld [smem:$0x3F9C]  }
0x1a: {  	s8 =	sadd.s32 $0xFFFFE003, lr  }
0x1b: {  	s9 =	sadd.s32 $0xFFFFFEF7, lr;
	s5 =	simm.s32 $0xFFFFFFFF;
	p2 =	slt.u32 s8, $0xFFFFF086  }
0x1c: {  	p1 =	slt.u32 s9, $0xF7A;
	s5 =	simm.s32 @!p2 $0x0  }
0x1d: {  	s5 =	simm.s32 @p1 $0x1;
	p0 =	seq.s32 s7, s2  }
0x1e: {  	s7 =	smul.u32 @!p0 $0xF7A, s2;
	p2 =	seq.s32 @!p0 s5, $0x0  }
0x1f: {  	s9 =	smul.u32 $0xF7A, s1;
	s8 =	simm.s32 @!p0 $0x1BF5;
	p2 =	por !p2, p0  }
0x20: {  	[sflag:s8] =	ssyncset.s32 @!p0 $0xFFFFF086;
	s6 =	sadd.s32 @!p0 s3, s7;
	s7 =	simm.s32 @!p0 $0x108  }
0x21: {  	s3 =	sadd.s32 s3, s9;
	s6 =	sadd.s32 @!p0 $0x88, s6;
	s7 =	simm.s32 @p2 $0x1082  }
0x22: {  	[simem:s7], [sflag:s8] =	dma.local @!p0 [hbm:s6], $0xF7A  }
0x23: {  	s9 =	sor.u32 $0xD0000000, s2;
	s6 =	simm.s32 $0x108;
	_ =	swait.ge @!p0 [sflag:s8], $0x0  }
0x24: {  	s3 =	sadd.s32 $0x88, s3;
	s6 =	simm.s32 @!p1 $0x1082;
	[sflag:s4] =	ssyncset.s32 $0xFFFFF086  }
0x25: {  	[simem:s6], [sflag:s4] =	dma.local [hbm:s3], $0xF7A  }
0x26: {  	[smem:$0x3F9C] =	sst s1;
	(tag) =	ssettag s2;
	_ =	strace s9  }
0x27: {  	s1 =	sld [smem:$0x3FAC]  }
0x28: {  	s2 =	sld [smem:$0x3FAD]  }
0x29: {  	s4 =	sld [smem:$0x3FAF]  }
0x2a: {  	p0 =	seq.s32 s5, $0x0;
	s5 =	sld [smem:$0x3FB0]  }
0x2b: {  	s6 =	sld [smem:$0x3FB1]  }
0x2c: {  	s7 =	sld [smem:$0x3FB2]  }
0x2d: {  	s3 =	simm.s32 $0x108;
	s8 =	sld [smem:$0x3FB3]  }
0x2e: {  	s3 =	simm.s32 @!p0 $0x1082;
	s9 =	sld [smem:$0x3FB4]  }
0x2f: {  	lr =	sadd.s32 s0, s3;
	s0 =	sld [smem:$0x3FAB]  }
0x30: {  	s3 =	sld [smem:$0x3FAE]  }
0x31: {  	[smem:$0x3FB7] =	sst s10  }
0x32: {  	s10 =	sld [smem:$0x3FB5];
	_ =	sdelay $0x3  }
0x33: {  	p0 =	seq.s32 s10, $0x1;
	s10 =	sld [smem:$0x3FB7];
	_ =	sdelay $0x3  }
0x34: {  	[smem:$0x3FB7] =	sst s10  }
0x35: {  	s10 =	sld [smem:$0x3FB6];
	_ =	sdelay $0x3  }
0x36: {  	p1 =	seq.s32 s10, $0x1;
	s10 =	sld [smem:$0x3FB7];
	_ =	sdelay $0x3  }
0x37: {  	[smem:$0x3FB7] =	sst s10  }
0x38: {  	s10 =	sld [smem:$0x3FB8]  }
0x39: {  	_ = 	snop;
	(pc) =	sbr.ind lr, $3  }
0x3a: {  	_ = 	snop  }
0x3b: {  	_ = 	snop  }
0x3c: {  	p2 =	seq.s32 s10, $0x1;
	s10 =	sld [smem:$0x3FB7]  }
0x3d: {  	_ =	shalt  }
0x3e: {  	_ =	shalt  }
0x3f: {  	_ =	shalt  }
0x40: {  	_ =	shalt  }
0x41: {  	_ =	shalt  }
0x42: {  	_ =	shalt  }
0x43: {  	_ =	shalt  }
0x44: {  	_ =	shalt  }
0x45: {  	_ =	shalt  }
0x46: {  	_ =	shalt  }
0x47: {  	_ =	shalt  }
0x48: {  	_ =	shalt  }
0x49: {  	_ =	shalt  }
0x4a: {  	_ =	shalt  }
0x4b: {  	_ =	shalt  }
0x4c: {  	_ =	shalt  }
0x4d: {  	_ =	shalt  }
0x4e: {  	_ =	shalt  }
0x4f: {  	_ =	shalt  }
0x50: {  	_ =	shalt  }
0x51: {  	_ =	shalt  }
0x52: {  	_ =	shalt  }
0x53: {  	_ =	shalt  }
0x54: {  	_ =	shalt  }
0x55: {  	_ =	shalt  }
0x56: {  	_ =	shalt  }
0x57: {  	_ =	shalt  }
0x58: {  	_ =	shalt  }
0x59: {  	_ =	shalt  }
0x5a: {  	_ =	shalt  }
0x5b: {  	_ =	shalt  }
0x5c: {  	_ =	shalt  }
0x5d: {  	_ =	shalt  }
0x5e: {  	_ =	shalt  }
0x5f: {  	_ =	shalt  }
0x60: {  	_ =	shalt  }
0x61: {  	_ =	shalt  }
0x62: {  	_ =	shalt  }
0x63: {  	_ =	shalt  }
0x64: {  	_ =	shalt  }
0x65: {  	_ =	shalt  }
0x66: {  	_ =	shalt  }
0x67: {  	_ =	shalt  }
0x68: {  	_ =	shalt  }
0x69: {  	_ =	shalt  }
0x6a: {  	_ =	shalt  }
0x6b: {  	_ =	shalt  }
0x6c: {  	_ =	shalt  }
0x6d: {  	_ =	shalt  }
0x6e: {  	_ =	shalt  }
0x6f: {  	_ =	shalt  }
0x70: {  	_ =	shalt  }
0x71: {  	_ =	shalt  }
0x72: {  	_ =	shalt  }
0x73: {  	_ =	shalt  }
0x74: {  	_ =	shalt  }
0x75: {  	_ =	shalt  }
0x76: {  	_ =	shalt  }
0x77: {  	_ =	shalt  }
0x78: {  	_ =	shalt  }
0x79: {  	_ =	shalt  }
0x7a: {  	_ =	shalt  }
0x7b: {  	_ =	shalt  }
0x7c: {  	_ =	shalt  }
0x7d: {  	_ =	shalt  }
0x7e: {  	_ =	shalt  }
0x7f: {  	_ =	shalt  }
0x80: {  	_ =	shalt  }
0x81: {  	_ =	shalt  }
0x82: {  	_ =	shalt  }
0x83: {  	_ =	shalt  }
0x84: {  	_ =	shalt  }
0x85: {  	_ =	shalt  }
0x86: {  	_ =	shalt  }
0x87: {  	_ =	shalt  }
.Lfunc_end0:
.L_simem_size_0:
called_computation_lowered:
.L_overlay_start_0:
0x88: {  	s2 =	sld [smem:$0x3FD9]  }
0x89: {  	s3 =	sld [smem:$0x3FFE];
	_ =	sdelay $0x1  }
0x8a: {  	s1 =	srdreg.scid  }
0x8b: {  	s0 =	sand.u32 $0x1, s1  }
0x8c: {  	s17 =	sshll.u32 s0, $0xA;
	s2 =	sadd.s32 s3, s2  }
0x8d: {  	s2 =	sadd.s32 s2, s17  }
0x8e: {  	[smem:$0x3FC3] =	sst s2  }
0x8f: {  	_ = 	snop  }
0x90: {  	s2 =	sld [smem:$0x3FC9]  }
0x91: {  	s18 =	sld [smem:$0x3FC8]  }
0x92: {  	s4 =	sld [smem:$0x3FC7]  }
0x93: {  	s5 =	sld [smem:$0x3FD0];
	(tm) =	ssettm $0x1  }
0x94: {  	s6 =	sld [smem:$0x3FFB];
	_ =	sdelay $0x3  }
0x95: {  	_ =	strace s6  }
0x96: {  	s6 =	sld [smem:$0x3FFC];
	_ =	sdelay $0x3  }
0x97: {  	_ =	strace s6  }
0x98: {  	s6 =	sld [smem:$0x3FFD];
	_ =	sdelay $0x3  }
0x99: {  	_ =	strace s6  }
0x9a: {  	_ =	strace $0x8FFFFFFF  }
0x9b: {  	s19 =	sld [smem:$0x3FDB];
	_ =	sdelay $0x1  }
0x9c: {  	s7 =	simm.s32 $_scs_section_size  }
0x9d: {  	s8 =	simm.s32 $_size__tile_overlayer_lowered;
	s9 =	simm.s32 $_tile_overlayer_lowered  }
0x9e: {  	s22 =	simm.s32 $0x1BFF;
	s21 =	sshll.u32 s9, $0x1;
	s6 =	sadd.s32 s7, s19  }
0x9f: {  	s10 =	simm.s32 $0x0;
	s20 =	sshll.u32 s8, $0x1;
	s8 =	sadd.s32 s21, s6  }
0xa0: {  	[timem:s10], [sflag:s22] =	dma.local [hbm:s8], s20  }
0xa1: {  	_ =	swait.ge [sflag:s22], s20  }
0xa2: {  	s7 =	ssub.s32 $0x0, s20;
	[sflag:s22] =	ssyncset.done $0x0  }
0xa3: {  	[sflag:s22] =	ssyncadd.s32 s7;
	_ =	sdelay $0x1  }
0xa4: {  	s23 =	simm.s32 $0x1B8B  }
0xa5: {  	_ =	swait.ge [sflag:s23], $0x1  }
0xa6: {  	[sflag:s23] =	ssyncset.done $0x0  }
0xa7: {  	s25 =	simm.s32 $0x1B8E;
	s24 =	sld [smem:$0x3FFE];
	[sflag:s23] =	ssyncadd.s32 $0xFFFFFFFF  }
0xa8: {  	s26 =	simm.s32 $execute0_lowered;
	[smem:$0x3FD2] =	sst s25  }
0xa9: {  	s8 =	sshll.u32 s26, $0x1;
	_ =	strace $0x80000046;
	[dreg:$0x1] =	wrdreg $0xFFFFFFFF  }
0xaa: {  	s28 =	simm.s32 $_size_execute0_lowered;
	s6 =	sadd.s32 s6, s8;
	[dreg:$0x0] =	wrdreg $0x0  }
0xab: {  	s8 =	sshll.u32 s28, $0x1;
	[dreg:$0x2] =	wrdreg s6  }
0xac: {  	[dreg:$0x3] =	wrdreg s8  }
0xad: {  	[dreg:$0x4] =	wrdreg $0xC0  }
0xae: {  	_ =	task [dreg:s10], $0x5FFFF  }
0xaf: {  	[dreg:$0x1] =	wrdreg $0xFFFFFFFF  }
0xb0: {  	[dreg:$0x0] =	wrdreg $0x60  }
0xb1: {  	[dreg:$0x2] =	wrdreg s2  }
0xb2: {  	[dreg:$0x3] =	wrdreg s18  }
0xb3: {  	[dreg:$0x4] =	wrdreg s4  }
0xb4: {  	[dreg:$0x5] =	wrdreg s24  }
0xb5: {  	[dreg:$0x6] =	wrdreg s5  }
0xb6: {  	[dreg:$0x7] =	wrdreg $0x9  }
0xb7: {  	_ =	task.clear_ibuf [dreg:s10], $0x8FFFF;
	_ =	strace $0x90000046  }
0xb8: {  	s29 =	simm.s32 $0x9;
	_ =	strace $0x80000048  }
0xb9: {  	_ =	swait.ge [sflag:s29], $0x1  }
0xba: {  	[sflag:s29] =	ssyncadd.s32 $0xFFFFFFFF  }
0xbb: {  	_ =	strace $0x90000048  }
0xbc: {  	_ =	sfence  }
0xbd: {  	s30 =	sld [smem:$0x0];
	_ =	sdelay $0x2  }
0xbe: {  	s31 =	sshll.u32 s1, $0xD;
	s1 =	sshrl.u32 s1, $0x2  }
0xbf: {  	s3 =	sand.u32 $0x4000, s31;
	s1 =	sadd.s32 s1, s30  }
0xc0: {  	s0 =	sor.u32 s3, s0;
	s1 =	sshll.u32 s1, $0x11  }
0xc1: {  	s0 =	sor.u32 s1, s0  }
0xc2: {  	s0 =	sadd.s32 $0x8F2B, s0  }
0xc3: {  	[sflag:s0] =	ssyncadd.remote.s32 $0x1  }
0xc4: {  	_ =	sfence.sel $0xFFFF  }
0xc5: {  	[dreg:$0x0] =	wrdreg $0xFFFFFFFF;
	(pc) =	sbr.abs _section_cstart, $3  }
0xc6: {  	[dreg:$0x1] =	wrdreg $0xFFFFFFFF  }
0xc7: {  	_ =	task.clear_ibuf [dreg:s10], $0x2FFFF;
	_ =	strace $0x9FFFFFFF  }
0xc8: {  	(tm) =	ssettm $0x7FFFFFFF  }
0xc9: {  	_ =	shalt  }
tec
execute0_lowered:
.L_overlay_start_1:
0x0: {  	(tag) =	ssettag $0x1  }
0x1: {  	s0 =	rddreg [dreg:$0x0]  }
0x2: {  	s2 =	rddreg [dreg:$0x1]  }
0x3: {  	s7 =	rddreg [dreg:$0x2];
	v0 =	vimm.s32 $0xFEDCBA98;
	v1 =	vimm.s32 $0x76543210  }
0x4: {  	s4 =	rddreg [dreg:$0x3];
	v2 =	vimm.s32 $0xBA98FEDC;
	v3 =	vimm.s32 $0x32107654;
	v4 =	vimm.s32 $0xDCFE98BA  }
0x5: {  	s8 =	rddreg [dreg:$0x4];
	v5 =	vimm.s32 $0x54761032;
	v6 =	vimm.s32 $0xEFCDAB89;
	v7 =	vimm.s32 $0x67452301  }
0x6: {  	s1 =	simm.s32 $0x0;
	s5 =	srdreg.scid;
	s9 =	stileid.u32;
	vm0 =	vmmov $0x1;
	vm1 =	vmmov $0x3;
	vm2 =	vmmov $0x7  }
0x7: {  	s11 =	simm.s32 $0x200;
	s12 =	simm.s32 $0x400;
	s13 =	simm.s32 $0x80;
	vm3 =	vmmov $0xf;
	vm4 =	vmmov $0x1f;
	v0 =	vunpack.c.l.s4.s8 v0  }
0x8: {  	s21 =	simm.s32 $0x12600;
	s22 =	simm.s32 $0x100;
	s23 =	simm.s32 $0x4600;
	v1 =	vunpack.c.l.s4.s8 v1;
	v2 =	vunpack.c.l.s4.s8 v2;
	v3 =	vunpack.c.l.s4.s8 v3  }
0x9: {  	s24 =	simm.s32 $0x300;
	s25 =	simm.s32 $0xC600;
	s26 =	simm.s32 $0x500;
	v4 =	vunpack.c.l.s4.s8 v4;
	v5 =	vunpack.c.l.s4.s8 v5;
	v6 =	vunpack.c.l.s4.s8 v6  }
0xa: {  	s28 =	simm.s32 $0x14600;
	s29 =	simm.s32 $0x180;
	s30 =	simm.s32 $0x6600;
	v7 =	vunpack.c.l.s4.s8 v7;
	v0 =	vunpack.c.0.s8.s32 v0;
	v2 =	vunpack.c.0.s8.s32 v2  }
0xb: {  	s31 =	simm.s32 $0x380;
	s14 =	simm.s32 $0x16600;
	s15 =	simm.s32 $0x1;
	v3 =	vunpack.c.0.s8.s32 v3;
	v4 =	vunpack.c.0.s8.s32 v4;
	v1 =	vunpack.c.0.s8.s32 v1  }
0xc: {  	s16 =	simm.s32 $0x18600;
	s17 =	simm.s32 $0x0;
	[smem:$0x7FF] =	sst s1;
	v5 =	vunpack.c.0.s8.s32 v5;
	v6 =	vunpack.c.0.s8.s32 v6;
	v0 =	vand.u32 $0xF, v0  }
0xd: {  	s3 =	sadd.s32 $0xF42A00, s4;
	s5 =	sand.u32 $0x1, s5;
	s9 =	sshll.u32 s9, $0x7;
	v7 =	vunpack.c.0.s8.s32 v7;
	v2 =	vcombine.low v3, v2;
	v0 =	vcombine.low v0, v1  }
0xe: {  	vm5 =	vmmov $0x3f;
	vm6 =	vmmov $0x7f;
	s4 =	sadd.s32 $0x600, s4;
	s6 =	ssub.s32 $0x2, s5;
	s5 =	sshll.u32 s5, $0x6;
	v59 =	vcombine.low v5, v4  }
0xf: {  	vm7 =	vmmov $0xff;
	_ =	strace $0x80000047;
	s10 =	sshrl.u32 s6, $0x1;
	s9 =	sor.u32 s5, s9;
	v60 =	vcombine.low v7, v6;
	v61 =	vand.u32 $0xF, v2;
	[tilespmem:$0x1FFC0] =	vst v0  }
0x10: {  	vm8 =	vmmov $0x1ff;
	vm9 =	vmmov $0x3ff;
	s10 =	ssub.s32 s6, s10;
	s5 =	sadd.s32 s0, s9;
	s6 =	sadd.s32 s2, s9;
	v62 =	vand.u32 $0xF, v59;
	[tilespmem:$0x1FFD0] =	vst v61  }
0x11: {  	vm10 =	vmmov $0x7ff;
	vm11 =	vmmov $0xfff;
	s7 =	sadd.s32 s7, s9;
	s8 =	sadd.s32 s8, s9;
	s0 =	simm.s32 $0xE600;
	v63 =	vand.u32 $0xF, v60;
	[tilespmem:$0x1FFE0] =	vst v62  }
0x12: {  	vm12 =	vmmov $0x1fff;
	vm13 =	vmmov $0x3fff;
	vm14 =	vmmov $0x7fff;
	s2 =	simm.s32 $0x580;
	s9 =	smax.u32 s10, $0x1;
	s10 =	simm.s32 $0x2;
	[tilespmem:$0x1FFF0] =	vst v63  }
.LBB2_1:
0x13: {  	[tilespmem:s1], [sflag:$0x2] =	stream.linear.gather [hbm4b:s5+s1], $0x200, $0x38;
	[tilespmem:$0x18800] =	vst v63  }
0x14: {  	_ =	swait.ge [sflag:s10], $0x200  }
0x15: {  	[sflag:s10] =	ssyncset.done $0x0  }
0x16: {  	[sflag:s10] =	ssyncadd.s32 $0xFFFFFE00  }
0x17: {  	[tilespmem:s11], [sflag:$0x2] =	stream.linear.gather [hbm4b:s6+s1], $0x200, $0x38;
	[tilespmem:$0x18800] =	vst v63  }
0x18: {  	_ =	swait.ge [sflag:s10], $0x200  }
0x19: {  	[sflag:s10] =	ssyncset.done $0x0  }
0x1a: {  	[sflag:s10] =	ssyncadd.s32 $0xFFFFFE00  }
0x1b: {  	[tilespmem:s12], [sflag:$0x2] =	stream.linear.gather [hbm4b:s7+s1], $0x200, $0x38;
	[tilespmem:$0x18800] =	vst v63  }
0x1c: {  	_ =	swait.ge [sflag:s10], $0x200  }
0x1d: {  	[sflag:s10] =	ssyncset.done $0x0  }
0x1e: {  	s18 =	simm.s32 $0x600;
	[sflag:s10] =	ssyncadd.s32 $0xFFFFFE00  }
0x1f: {  	[tilespmem:s18], [sflag:$0x1] =	stream.indirect.gather [hbm4b:s3+s13], $0x40, s1, s13, $0xb8;
	[tilespmem:$0x18800] =	vst v63  }
0x20: {  	s19 =	simm.s32 $0x8600  }
0x21: {  	[tilespmem:s19], [sflag:$0x1] =	stream.indirect.gather [hbm4b:s4+s13], $0x40, s11, s13, $0xb8;
	[tilespmem:$0x18800] =	vst v63  }
0x22: {  	s20 =	simm.s32 $0x10600  }
0x23: {  	[tilespmem:s20], [sflag:$0x1] =	stream.indirect.gather [hbm4b:s3+s13], $0x40, s12, s13, $0xb8;
	[tilespmem:$0x18800] =	vst v63  }
0x24: {  	s19 =	simm.s32 $0x2600  }
0x25: {  	[tilespmem:s19], [sflag:$0x1] =	stream.indirect.gather [hbm4b:s3+s13], $0x40, s13, s13, $0xb8;
	[tilespmem:$0x18800] =	vst v63  }
0x26: {  	s20 =	simm.s32 $0x280;
	s19 =	simm.s32 $0xA600  }
0x27: {  	[tilespmem:s19], [sflag:$0x1] =	stream.indirect.gather [hbm4b:s4+s13], $0x40, s20, s13, $0xb8;
	[tilespmem:$0x18800] =	vst v63  }
0x28: {  	s19 =	simm.s32 $0x480  }
0x29: {  	[tilespmem:s21], [sflag:$0x1] =	stream.indirect.gather [hbm4b:s3+s13], $0x40, s19, s13, $0xb8;
	[tilespmem:$0x18800] =	vst v63  }
0x2a: {  	_ = 	snop  }
0x2b: {  	[tilespmem:s23], [sflag:$0x1] =	stream.indirect.gather [hbm4b:s3+s13], $0x40, s22, s13, $0xb8;
	[tilespmem:$0x18800] =	vst v63  }
0x2c: {  	_ = 	snop  }
0x2d: {  	[tilespmem:s25], [sflag:$0x1] =	stream.indirect.gather [hbm4b:s4+s13], $0x40, s24, s13, $0xb8;
	[tilespmem:$0x18800] =	vst v63  }
0x2e: {  	_ = 	snop  }
0x2f: {  	[tilespmem:s28], [sflag:$0x1] =	stream.indirect.gather [hbm4b:s3+s13], $0x40, s26, s13, $0xb8;
	[tilespmem:$0x18800] =	vst v63  }
0x30: {  	_ = 	snop  }
0x31: {  	[tilespmem:s30], [sflag:$0x1] =	stream.indirect.gather [hbm4b:s3+s13], $0x40, s29, s13, $0xb8;
	[tilespmem:$0x18800] =	vst v63  }
0x32: {  	_ = 	snop  }
0x33: {  	[tilespmem:s0], [sflag:$0x1] =	stream.indirect.gather [hbm4b:s4+s13], $0x40, s31, s13, $0xb8;
	[tilespmem:$0x18800] =	vst v63  }
0x34: {  	_ = 	snop  }
0x35: {  	[tilespmem:s14], [sflag:$0x1] =	stream.indirect.gather [hbm4b:s3+s13], $0x40, s2, s13, $0xb8;
	[tilespmem:$0x18800] =	vst v63  }
0x36: {  	_ =	swait.ge [sflag:s15], $0x2000  }
0x37: {  	[sflag:s15] =	ssyncset.done $0x0  }
0x38: {  	[sflag:s15] =	ssyncadd.s32 $0xFFFFE000  }
0x39: {  	_ =	swait.ge [sflag:s15], $0x2000  }
0x3a: {  	[sflag:s15] =	ssyncset.done $0x0  }
0x3b: {  	[sflag:s15] =	ssyncadd.s32 $0xFFFFE000  }
0x3c: {  	_ =	swait.ge [sflag:s15], $0x2000  }
0x3d: {  	[sflag:s15] =	ssyncset.done $0x0  }
0x3e: {  	[sflag:s15] =	ssyncadd.s32 $0xFFFFE000  }
0x3f: {  	_ =	swait.ge [sflag:s15], $0x2000  }
0x40: {  	[sflag:s15] =	ssyncset.done $0x0  }
0x41: {  	[sflag:s15] =	ssyncadd.s32 $0xFFFFE000  }
0x42: {  	_ =	swait.ge [sflag:s15], $0x2000  }
0x43: {  	[sflag:s15] =	ssyncset.done $0x0  }
0x44: {  	[sflag:s15] =	ssyncadd.s32 $0xFFFFE000  }
0x45: {  	_ =	swait.ge [sflag:s15], $0x2000  }
0x46: {  	[sflag:s15] =	ssyncset.done $0x0  }
0x47: {  	[sflag:s15] =	ssyncadd.s32 $0xFFFFE000  }
0x48: {  	_ =	swait.ge [sflag:s15], $0x2000  }
0x49: {  	[sflag:s15] =	ssyncset.done $0x0  }
0x4a: {  	[sflag:s15] =	ssyncadd.s32 $0xFFFFE000  }
0x4b: {  	_ =	swait.ge [sflag:s15], $0x2000  }
0x4c: {  	[sflag:s15] =	ssyncset.done $0x0  }
0x4d: {  	[sflag:s15] =	ssyncadd.s32 $0xFFFFE000  }
0x4e: {  	_ =	swait.ge [sflag:s15], $0x2000  }
0x4f: {  	[sflag:s15] =	ssyncset.done $0x0  }
0x50: {  	[sflag:s15] =	ssyncadd.s32 $0xFFFFE000  }
0x51: {  	_ =	swait.ge [sflag:s15], $0x2000  }
0x52: {  	[sflag:s15] =	ssyncset.done $0x0  }
0x53: {  	[sflag:s15] =	ssyncadd.s32 $0xFFFFE000  }
0x54: {  	_ =	swait.ge [sflag:s15], $0x2000  }
0x55: {  	[sflag:s15] =	ssyncset.done $0x0  }
0x56: {  	[sflag:s15] =	ssyncadd.s32 $0xFFFFE000  }
0x57: {  	_ =	swait.ge [sflag:s15], $0x2000  }
0x58: {  	[sflag:s15] =	ssyncset.done $0x0  }
0x59: {  	s20 =	simm.s32 $0x0;
	[sflag:s15] =	ssyncadd.s32 $0xFFFFE000  }
0x5a: {  	v45 =	vld [tilespmem:s20+$0x109F0]  }
0x5b: {  	v42 =	vld [tilespmem:s20+$0x109B0]  }
0x5c: {  	v46 =	vld [tilespmem:s20+$0x109E0]  }
0x5d: {  	v31 =	vld [tilespmem:s20+$0x9F0]  }
0x5e: {  	v28 =	vld [tilespmem:s20+$0x89F0]  }
0x5f: {  	v50 =	vld [tilespmem:s20+$0x10970]  }
0x60: {  	v54 =	vld [tilespmem:s20+$0x109A0]  }
0x61: {  	v29 =	vld [tilespmem:s20+$0x9B0]  }
0x62: {  	v30 =	vld [tilespmem:s20+$0x89B0]  }
0x63: {  	v47 =	vld [tilespmem:s20+$0x109C0]  }
0x64: {  	v48 =	vld [tilespmem:s20+$0x109D0]  }
0x65: {  	v23 =	vld [tilespmem:s20+$0x9E0]  }
0x66: {  	v0 =	vld [tilespmem:s20+$0x10930]  }
0x67: {  	v22 =	vld [tilespmem:s20+$0x89E0]  }
0x68: {  	v25 =	vld [tilespmem:s20+$0x970]  }
0x69: {  	v24 =	vld [tilespmem:s20+$0x8970]  }
0x6a: {  	v52 =	vld [tilespmem:s20+$0x10980]  }
0x6b: {  	[tilespmem:$0x1F8E0] =	vst v0;
	v0 =	vld [tilespmem:s20+$0x10960]  }
0x6c: {  	v53 =	vld [tilespmem:s20+$0x10990]  }
0x6d: {  	v27 =	vld [tilespmem:s20+$0x9A0]  }
0x6e: {  	v26 =	vld [tilespmem:s20+$0x89A0]  }
0x6f: {  	v21 =	vld [tilespmem:s20+$0x9C0]  }
0x70: {  	[tilespmem:$0x1F8A0] =	vst v0;
	v0 =	vld [tilespmem:s20+$0x108F0]  }
0x71: {  	v17 =	vld [tilespmem:s20+$0x89C0]  }
0x72: {  	v19 =	vld [tilespmem:s20+$0x9D0]  }
0x73: {  	v12 =	vld [tilespmem:s20+$0x89D0]  }
0x74: {  	v43 =	vld [tilespmem:s20+$0x10940]  }
0x75: {  	[tilespmem:$0x1F930] =	vst v0;
	v0 =	vld [tilespmem:s20+$0x10920]  }
0x76: {  	v44 =	vld [tilespmem:s20+$0x10950]  }
0x77: {  	v18 =	vld [tilespmem:s20+$0x960]  }
0x78: {  	v13 =	vld [tilespmem:s20+$0x8960]  }
0x79: {  	v20 =	vld [tilespmem:s20+$0x980]  }
0x7a: {  	[tilespmem:$0x1F8D0] =	vst v0;
	v0 =	vld [tilespmem:s20+$0x930]  }
0x7b: {  	v15 =	vld [tilespmem:s20+$0x8980]  }
0x7c: {  	v16 =	vld [tilespmem:s20+$0x990]  }
0x7d: {  	v14 =	vld [tilespmem:s20+$0x8990]  }
0x7e: {  	v8 =	vld [tilespmem:s20+$0x10830]  }
0x7f: {  	[tilespmem:$0x1F8B0] =	vst v0;
	v0 =	vld [tilespmem:s20+$0x8930]  }
0x80: {  	v39 =	vld [tilespmem:s20+$0x10900]  }
0x81: {  	v40 =	vld [tilespmem:s20+$0x10910]  }
0x82: {  	v33 =	vld [tilespmem:s20+$0x920]  }
0x83: {  	[tilespmem:$0x1F9F0] =	vst v8;
	v8 =	vld [tilespmem:s20+$0x10860]  }
0x84: {  	[tilespmem:$0x1F8C0] =	vst v0;
	v0 =	vld [tilespmem:s20+$0x108B0]  }
0x85: {  	v32 =	vld [tilespmem:s20+$0x8920]  }
0x86: {  	v7 =	vld [tilespmem:s20+$0x940]  }
0x87: {  	v6 =	vld [tilespmem:s20+$0x8940]  }
0x88: {  	[tilespmem:$0x1FA40] =	vst v8;
	v8 =	vld [tilespmem:s20+$0x870]  }
0x89: {  	[tilespmem:$0x1F940] =	vst v0;
	v0 =	vld [tilespmem:s20+$0x108E0]  }
0x8a: {  	v5 =	vld [tilespmem:s20+$0x950]  }
0x8b: {  	v4 =	vld [tilespmem:s20+$0x8950]  }
0x8c: {  	v63 =	vld [tilespmem:s20+$0x88B0]  }
0x8d: {  	[tilespmem:$0x1F950] =	vst v8;
	v8 =	vld [tilespmem:s20+$0x8870]  }
0x8e: {  	[tilespmem:$0x1F910] =	vst v0;
	v0 =	vld [tilespmem:s20+$0x8F0]  }
0x8f: {  	v51 =	vld [tilespmem:s20+$0x108C0]  }
0x90: {  	v49 =	vld [tilespmem:s20+$0x108D0]  }
0x91: {  	v41 =	vld [tilespmem:s20+$0x8E0]  }
0x92: {  	[tilespmem:$0x1F960] =	vst v8;
	v8 =	vld [tilespmem:s20+$0x10880]  }
0x93: {  	[tilespmem:$0x1F8F0] =	vst v0;
	v0 =	vld [tilespmem:s20+$0x88F0]  }
0x94: {  	v38 =	vld [tilespmem:s20+$0x88E0]  }
0x95: {  	v3 =	vld [tilespmem:s20+$0x900]  }
0x96: {  	v2 =	vld [tilespmem:s20+$0x8900]  }
0x97: {  	[tilespmem:$0x1F990] =	vst v8;
	v8 =	vld [tilespmem:s20+$0x10890]  }
0x98: {  	[tilespmem:$0x1F900] =	vst v0;
	v0 =	vld [tilespmem:s20+$0x10870]  }
0x99: {  	v1 =	vld [tilespmem:s20+$0x910]  }
0x9a: {  	v34 =	vld [tilespmem:s20+$0x107F0]  }
0x9b: {  	v37 =	vld [tilespmem:s20+$0x10820]  }
0x9c: {  	[tilespmem:$0x1F9A0] =	vst v8;
	v8 =	vld [tilespmem:s20+$0x8A0]  }
0x9d: {  	[tilespmem:$0x1F9D0] =	vst v0;
	v0 =	vld [tilespmem:s20+$0x108A0]  }
0x9e: {  	v55 =	vld [tilespmem:s20+$0x830]  }
0x9f: {  	v56 =	vld [tilespmem:s20+$0x8830];
	[tilespmem:$0x1FB20] =	vst v34  }
0xa0: {  	v57 =	vld [tilespmem:s20+$0x10840];
	[tilespmem:$0x1FA80] =	vst v37  }
0xa1: {  	[tilespmem:$0x1F970] =	vst v8;
	v8 =	vld [tilespmem:s20+$0x88A0]  }
0xa2: {  	[tilespmem:$0x1F9E0] =	vst v0;
	v0 =	vld [tilespmem:s20+$0x8B0]  }
0xa3: {  	v58 =	vld [tilespmem:s20+$0x10850];
	[tilespmem:$0x1F9B0] =	vst v55  }
0xa4: {  	v11 =	vld [tilespmem:s20+$0x8C0];
	[tilespmem:$0x1F9C0] =	vst v56  }
0xa5: {  	v10 =	vld [tilespmem:s20+$0x88C0];
	[tilespmem:$0x1FA50] =	vst v57;
	v6 =	vmul.f32 v6, v7;
	v4 =	vmul.f32 v4, v5  }
0xa6: {  	v9 =	vld [tilespmem:s20+$0x8D0];
	v20 =	vmul.f32 v15, v20;
	v14 =	vmul.f32 v14, v16;
	[tilespmem:$0x1F980] =	vst v8  }
0xa7: {  	v6 =	vmul.f32 v43, v6;
	v4 =	vmul.f32 v44, v4;
	[tilespmem:$0x1F920] =	vst v0;
	v0 =	vld [tilespmem:s20+$0x8910]  }
0xa8: {  	v5 =	vmul.f32 v52, v20;
	v7 =	vmul.f32 v53, v14;
	v8 =	vld [tilespmem:s20+$0x88D0];
	[tilespmem:$0x1FA70] =	vst v58  }
0xa9: {  	v4 =	vadd.f32 v4, v6;
	v6 =	vld [tilespmem:$0x1F8B0]  }
0xaa: {  	v5 =	vadd.f32 v7, v5;
	v7 =	vld [tilespmem:$0x1F8C0];
	_ =	sdelay $0x1  }
0xab: {  	v2 =	vmul.f32 v2, v3;
	v1 =	vmul.f32 v0, v1;
	_ =	sdelay $0x1  }
0xac: {  	v2 =	vmul.f32 v39, v2;
	v1 =	vmul.f32 v40, v1  }
0xad: {  	v6 =	vmul.f32 v7, v6;
	v7 =	vld [tilespmem:$0x1F8D0]  }
0xae: {  	v1 =	vadd.f32 v1, v2;
	v2 =	vld [tilespmem:$0x1F8E0];
	_ =	sdelay $0x1  }
0xaf: {  	v3 =	vmul.f32 v32, v33;
	_ =	sdelay $0x1  }
0xb0: {  	v3 =	vmul.f32 v7, v3  }
0xb1: {  	v7 =	vmul.f32 v10, v11;
	v10 =	vmul.f32 v2, v6;
	v2 =	vld [tilespmem:s20+$0x106E0];
	_ =	sdelay $0x3  }
0xb2: {  	v17 =	vmul.f32 v17, v21;
	v12 =	vmul.f32 v12, v19;
	v1 =	vadd.f32 v3, v1;
	v3 =	vld [tilespmem:$0x1F900]  }
0xb3: {  	v23 =	vmul.f32 v22, v23;
	[tilespmem:$0x1FBE0] =	vst v2;
	v2 =	vld [tilespmem:$0x1F8F0]  }
0xb4: {  	v17 =	vmul.f32 v47, v17;
	v12 =	vmul.f32 v48, v12;
	_ =	sdelay $0x1  }
0xb5: {  	v23 =	vmul.f32 v46, v23;
	v12 =	vadd.f32 v12, v17;
	v8 =	vmul.f32 v8, v9;
	_ =	sdelay $0x1  }
0xb6: {  	v14 =	vadd.f32 v23, v12;
	v23 =	vmul.f32 v49, v8;
	v8 =	vmul.f32 v3, v2;
	v2 =	vld [tilespmem:$0x1F910]  }
0xb7: {  	v17 =	vld [tilespmem:$0x1F8A0];
	_ =	sdelay $0x1  }
0xb8: {  	v11 =	vmul.f32 v38, v41  }
0xb9: {  	v18 =	vmul.f32 v13, v18  }
0xba: {  	v11 =	vmul.f32 v2, v11;
	v2 =	vld [tilespmem:$0x1F920]  }
0xbb: {  	v24 =	vmul.f32 v24, v25;
	v17 =	vmul.f32 v17, v18;
	_ =	sdelay $0x1  }
0xbc: {  	v21 =	vmul.f32 v50, v24;
	v4 =	vadd.f32 v17, v4;
	_ =	sdelay $0x1  }
0xbd: {  	v4 =	vadd.f32 v21, v4;
	v21 =	vmul.f32 v63, v2;
	v2 =	vld [tilespmem:s20+$0x10700];
	_ =	sdelay $0x3  }
0xbe: {  	v24 =	vmul.f32 v26, v27  }
0xbf: {  	[tilespmem:$0x1FBF0] =	vst v2;
	v2 =	vld [tilespmem:$0x1F930]  }
0xc0: {  	v30 =	vmul.f32 v30, v29;
	v24 =	vmul.f32 v54, v24;
	_ =	sdelay $0x1  }
0xc1: {  	v30 =	vmul.f32 v42, v30;
	v5 =	vadd.f32 v24, v5  }
0xc2: {  	v3 =	vld [tilespmem:$0x1F960]  }
0xc3: {  	v5 =	vadd.f32 v30, v5;
	v30 =	vmul.f32 v2, v8;
	v2 =	vld [tilespmem:$0x1F950];
	_ =	sdelay $0x1  }
0xc4: {  	v34 =	vld [tilespmem:s20+$0x860]  }
0xc5: {  	v59 =	vld [tilespmem:s20+$0x8860]  }
0xc6: {  	v37 =	vld [tilespmem:s20+$0x880]  }
0xc7: {  	v48 =	vmul.f32 v3, v2;
	v2 =	vld [tilespmem:$0x1F970]  }
0xc8: {  	v3 =	vld [tilespmem:$0x1F980]  }
0xc9: {  	v36 =	vld [tilespmem:s20+$0x8880]  }
0xca: {  	v35 =	vld [tilespmem:s20+$0x890]  }
0xcb: {  	v55 =	vld [tilespmem:s20+$0x107B0];
	v17 =	vmul.f32 v51, v7  }
0xcc: {  	v46 =	vld [tilespmem:$0x1FFC0]  }
0xcd: {  	v17 =	vadd.f32 v23, v17;
	v23 =	vmul.f32 v3, v2;
	v2 =	vld [tilespmem:$0x1F990]  }
0xce: {  	v60 =	vld [tilespmem:s20+$0x107E0]  }
0xcf: {  	v53 =	vld [tilespmem:$0x1FFD0]  }
0xd0: {  	[tilespmem:$0x1FA00] =	vst v34;
	v34 =	vld [tilespmem:s20+$0x8890];
	v47 =	vmul.f32 v36, v37  }
0xd1: {  	v61 =	vld [tilespmem:s20+$0x7F0];
	v8 =	vperm.xlane v5, v46  }
0xd2: {  	v33 =	vmul.f32 v2, v47;
	v2 =	vld [tilespmem:$0x1F9A0]  }
0xd3: {  	v62 =	vld [tilespmem:s20+$0x87F0];
	v5 =	vadd.f32 v5, v8  }
0xd4: {  	v57 =	vld [tilespmem:s20+$0x10800]  }
0xd5: {  	v58 =	vld [tilespmem:s20+$0x10810];
	v34 =	vmul.f32 v34, v35;
	v50 =	vperm.xlane v5, v53  }
0xd6: {  	v3 =	vld [tilespmem:$0x1F9C0]  }
0xd7: {  	v40 =	vadd.f32 v5, v50;
	v5 =	vmul.f32 v2, v34;
	v2 =	vld [tilespmem:$0x1F9B0]  }
0xd8: {  	v56 =	vld [tilespmem:s20+$0x8850]  }
0xd9: {  	v29 =	vld [tilespmem:s20+$0x7A0]  }
0xda: {  	v22 =	vld [tilespmem:s20+$0x87A0]  }
0xdb: {  	v28 =	vmul.f32 v28, v31;
	v31 =	vld [tilespmem:s20+$0x7C0]  }
0xdc: {  	v51 =	vmul.f32 v3, v2;
	v2 =	vld [tilespmem:$0x1F9D0]  }
0xdd: {  	v26 =	vld [tilespmem:s20+$0x10720]  }
0xde: {  	v45 =	vmul.f32 v45, v28;
	v25 =	vld [tilespmem:s20+$0x87C0]  }
0xdf: {  	v19 =	vld [tilespmem:s20+$0x7D0]  }
0xe0: {  	v14 =	vadd.f32 v45, v14;
	v27 =	vld [tilespmem:s20+$0x87D0]  }
0xe1: {  	v10 =	vadd.f32 v10, v1;
	v32 =	vmul.f32 v2, v48;
	v2 =	vld [tilespmem:$0x1F9E0]  }
0xe2: {  	v13 =	vld [tilespmem:s20+$0x730];
	[tilespmem:$0x1FBD0] =	vst v26;
	v26 =	vperm.xlane v14, v46  }
0xe3: {  	v15 =	vld [tilespmem:s20+$0x8730];
	v45 =	vperm.xlane v4, v46;
	v49 =	vperm.xlane v10, v46  }
0xe4: {  	v16 =	vld [tilespmem:s20+$0x10740];
	v26 =	vadd.f32 v14, v26  }
0xe5: {  	v12 =	vld [tilespmem:s20+$0x10750];
	v4 =	vadd.f32 v4, v45;
	v35 =	vadd.f32 v10, v49  }
0xe6: {  	v10 =	vperm.xlane v26, v53;
	v11 =	vadd.f32 v11, v17;
	v17 =	vmul.f32 v2, v23;
	v2 =	vld [tilespmem:$0x1F9F0]  }
0xe7: {  	v28 =	vld [tilespmem:s20+$0x760]  }
0xe8: {  	v20 =	vld [tilespmem:s20+$0x8780];
	v3 =	vadd.f32 v26, v10;
	v26 =	vperm.xlane v4, v53  }
0xe9: {  	v24 =	vld [tilespmem:s20+$0x790];
	[tilespmem:$0x1FA10] =	vst v59  }
0xea: {  	v26 =	vadd.f32 v4, v26;
	v4 =	vld [tilespmem:$0x1FA10]  }
0xeb: {  	v34 =	vmul.f32 v2, v51;
	v2 =	vld [tilespmem:$0x1FA00]  }
0xec: {  	v9 =	vld [tilespmem:s20+$0x8790]  }
0xed: {  	v52 =	vld [tilespmem:s20+$0x740]  }
0xee: {  	[tilespmem:$0x1FB10] =	vst v60;
	v60 =	vld [tilespmem:s20+$0x8820]  }
0xef: {  	v59 =	vld [tilespmem:s20+$0x820]  }
0xf0: {  	[tilespmem:$0x1FAE0] =	vst v61;
	v23 =	vmul.f32 v4, v2;
	v2 =	vld [tilespmem:s20+$0x106C0]  }
0xf1: {  	[tilespmem:$0x1FAA0] =	vst v58;
	v58 =	vld [tilespmem:s20+$0x850]  }
0xf2: {  	[tilespmem:$0x1FAF0] =	vst v62;
	v61 =	vld [tilespmem:s20+$0x107A0]  }
0xf3: {  	v62 =	vld [tilespmem:s20+$0x7B0];
	[tilespmem:$0x1FA30] =	vst v60  }
0xf4: {  	[tilespmem:$0x1FA20] =	vst v59;
	v4 =	vld [tilespmem:$0x1FA30]  }
0xf5: {  	[tilespmem:$0x1FC00] =	vst v2;
	v2 =	vld [tilespmem:$0x1FA20]  }
0xf6: {  	v39 =	vld [tilespmem:s20+$0x6B0]  }
0xf7: {  	v42 =	vld [tilespmem:s20+$0x86B0]  }
0xf8: {  	[tilespmem:$0x1FB60] =	vst v61;
	v61 =	vld [tilespmem:s20+$0x107C0]  }
0xf9: {  	[tilespmem:$0x1FB40] =	vst v62;
	v62 =	vld [tilespmem:s20+$0x107D0]  }
0xfa: {  	v11 =	vadd.f32 v30, v11;
	v30 =	vmul.f32 v56, v58;
	v56 =	vmul.f32 v4, v2;
	v2 =	vld [tilespmem:$0x1FA40]  }
0xfb: {  	[tilespmem:$0x1FA90] =	vst v57;
	v57 =	vld [tilespmem:s20+$0x840]  }
0xfc: {  	[tilespmem:$0x1FB70] =	vst v55;
	v55 =	vld [tilespmem:s20+$0x8840]  }
0xfd: {  	[tilespmem:$0x1FAD0] =	vst v61;
	v61 =	vld [tilespmem:s20+$0x87E0]  }
0xfe: {  	[tilespmem:$0x1FB00] =	vst v62;
	v62 =	vld [tilespmem:s20+$0x800]  }
0xff: {  	v45 =	vmul.f32 v2, v23;
	v2 =	vld [tilespmem:$0x1FA50]  }
0x100: {  	v43 =	vld [tilespmem:s20+$0x6E0]  }
0x101: {  	v44 =	vld [tilespmem:s20+$0x700]  }
0x102: {  	v0 =	vld [tilespmem:s20+$0x8760];
	v54 =	vmul.f32 v55, v57;
	[tilespmem:$0x1FAC0] =	vst v61  }
0x103: {  	[tilespmem:$0x1FA60] =	vst v62;
	v61 =	vld [tilespmem:s20+$0x8800]  }
0x104: {  	v57 =	vmul.f32 v2, v54;
	v2 =	vld [tilespmem:$0x1FA60]  }
0x105: {  	v18 =	vld [tilespmem:s20+$0x780]  }
0x106: {  	v36 =	vld [tilespmem:s20+$0x8750]  }
0x107: {  	v19 =	vmul.f32 v27, v19;
	v27 =	vld [tilespmem:s20+$0x710]  }
0x108: {  	v9 =	vmul.f32 v9, v24;
	v24 =	vld [tilespmem:s20+$0x8670]  }
0x109: {  	v61 =	vmul.f32 v61, v2;
	v2 =	vld [tilespmem:$0x1FA70]  }
0x10a: {  	v22 =	vmul.f32 v22, v29;
	v29 =	vld [tilespmem:s20+$0x10680]  }
0x10b: {  	v13 =	vmul.f32 v15, v13;
	v15 =	vld [tilespmem:s20+$0x10610]  }
0x10c: {  	v39 =	vmul.f32 v42, v39;
	v42 =	vld [tilespmem:s20+$0x600]  }
0x10d: {  	v14 =	vld [tilespmem:s20+$0x10710]  }
0x10e: {  	v30 =	vmul.f32 v2, v30;
	v2 =	vld [tilespmem:$0x1FA80]  }
0x10f: {  	v60 =	vld [tilespmem:s20+$0x87B0]  }
0x110: {  	v59 =	vld [tilespmem:s20+$0x10770]  }
0x111: {  	v1 =	vld [tilespmem:$0x1F940]  }
0x112: {  	v0 =	vmul.f32 v0, v28;
	v28 =	vld [tilespmem:s20+$0x620]  }
0x113: {  	v54 =	vmul.f32 v2, v56;
	v2 =	vld [tilespmem:$0x1FA90]  }
0x114: {  	[tilespmem:$0x1FB50] =	vst v60;
	v60 =	vld [tilespmem:s20+$0x7E0];
	v33 =	vadd.f32 v5, v33  }
0x115: {  	[tilespmem:$0x1FBA0] =	vst v59;
	v59 =	vld [tilespmem:s20+$0x8810]  }
0x116: {  	v62 =	vld [tilespmem:s20+$0x810];
	v21 =	vmul.f32 v1, v21;
	v17 =	vadd.f32 v17, v33  }
0x117: {  	v38 =	vld [tilespmem:s20+$0x750]  }
0x118: {  	v17 =	vadd.f32 v21, v17;
	v21 =	vmul.f32 v2, v61;
	v2 =	vld [tilespmem:$0x1FAA0]  }
0x119: {  	[tilespmem:$0x1FAB0] =	vst v60;
	v60 =	vld [tilespmem:s20+$0x10730]  }
0x11a: {  	v41 =	vld [tilespmem:$0x1FFE0];
	v18 =	vmul.f32 v20, v18  }
0x11b: {  	v20 =	vld [tilespmem:s20+$0x670];
	v55 =	vperm.xlane v35, v53;
	v63 =	vmul.f32 v59, v62  }
0x11c: {  	v4 =	vld [tilespmem:$0x1FAC0]  }
0x11d: {  	v5 =	vadd.f32 v35, v55;
	v55 =	vmul.f32 v2, v63;
	v2 =	vld [tilespmem:$0x1FAB0]  }
0x11e: {  	[tilespmem:$0x1FBB0] =	vst v60;
	v60 =	vld [tilespmem:s20+$0x10760]  }
0x11f: {  	v7 =	vld [tilespmem:s20+$0x86F0]  }
0x120: {  	v6 =	vld [tilespmem:s20+$0x6F0]  }
0x121: {  	v36 =	vmul.f32 v36, v38;
	v38 =	vld [tilespmem:s20+$0x8680]  }
0x122: {  	v25 =	vmul.f32 v25, v31;
	v31 =	vmul.f32 v4, v2;
	v2 =	vld [tilespmem:$0x1FAD0]  }
0x123: {  	[tilespmem:$0x1FBC0] =	vst v60;
	v60 =	vld [tilespmem:s20+$0x770]  }
0x124: {  	v20 =	vmul.f32 v24, v20;
	v24 =	vld [tilespmem:s20+$0x650]  }
0x125: {  	v36 =	vmul.f32 v12, v36;
	v12 =	vld [tilespmem:s20+$0x8600]  }
0x126: {  	v4 =	vld [tilespmem:$0x1FAF0]  }
0x127: {  	v25 =	vmul.f32 v2, v25;
	v2 =	vld [tilespmem:$0x1FAE0]  }
0x128: {  	[tilespmem:$0x1FB90] =	vst v60;
	v60 =	vld [tilespmem:s20+$0x8770]  }
0x129: {  	v6 =	vmul.f32 v7, v6;
	v7 =	vld [tilespmem:s20+$0x690]  }
0x12a: {  	v49 =	vld [tilespmem:s20+$0x10620]  }
0x12b: {  	v62 =	vld [tilespmem:$0x1FB50]  }
0x12c: {  	v30 =	vadd.f32 v30, v57;
	v57 =	vmul.f32 v4, v2;
	v2 =	vld [tilespmem:$0x1FB00]  }
0x12d: {  	[tilespmem:$0x1FB80] =	vst v60;
	v60 =	vld [tilespmem:s20+$0x10780]  }
0x12e: {  	v1 =	vld [tilespmem:s20+$0x720]  }
0x12f: {  	v8 =	vld [tilespmem:s20+$0x8720]  }
0x130: {  	v47 =	vld [tilespmem:s20+$0x8700]  }
0x131: {  	v19 =	vmul.f32 v2, v19;
	v2 =	vld [tilespmem:$0x1FB10]  }
0x132: {  	[tilespmem:$0x1FB30] =	vst v60;
	v60 =	vld [tilespmem:s20+$0x10790]  }
0x133: {  	v50 =	vld [tilespmem:s20+$0x8630]  }
0x134: {  	v1 =	vmul.f32 v8, v1;
	v8 =	vld [tilespmem:s20+$0x680]  }
0x135: {  	v44 =	vmul.f32 v47, v44;
	v47 =	vld [tilespmem:s20+$0x8610]  }
0x136: {  	v31 =	vmul.f32 v2, v31;
	v2 =	vld [tilespmem:$0x1FB20]  }
0x137: {  	v35 =	vld [tilespmem:s20+$0x8710]  }
0x138: {  	v48 =	vld [tilespmem:s20+$0x86E0]  }
0x139: {  	v10 =	vld [tilespmem:s20+$0x10630]  }
0x13a: {  	v33 =	vld [tilespmem:s20+$0x630]  }
0x13b: {  	v30 =	vadd.f32 v45, v30;
	v45 =	vmul.f32 v2, v57;
	v2 =	vld [tilespmem:$0x1FB30]  }
0x13c: {  	v35 =	vmul.f32 v35, v27;
	v27 =	vld [tilespmem:$0x1FBE0]  }
0x13d: {  	v43 =	vmul.f32 v48, v43;
	v48 =	vld [tilespmem:s20+$0x610];
	v56 =	vperm.xlane v17, v46  }
0x13e: {  	v51 =	vld [tilespmem:s20+$0x6A0]  }
0x13f: {  	v9 =	vmul.f32 v60, v9;
	v17 =	vadd.f32 v17, v56;
	v61 =	vld [tilespmem:$0x1FB40]  }
0x140: {  	v33 =	vmul.f32 v50, v33;
	v50 =	vld [tilespmem:s20+$0x640];
	v21 =	vadd.f32 v55, v21;
	v18 =	vmul.f32 v2, v18  }
0x141: {  	v23 =	vld [tilespmem:s20+$0x106D0];
	v30 =	vadd.f32 v32, v30;
	v63 =	vperm.xlane v17, v53;
	v19 =	vadd.f32 v19, v25  }
0x142: {  	v21 =	vadd.f32 v54, v21;
	v9 =	vadd.f32 v9, v18;
	v18 =	vld [tilespmem:$0x1FB60]  }
0x143: {  	v58 =	vperm.xlane v11, v46;
	v17 =	vadd.f32 v17, v63;
	v63 =	vld [tilespmem:$0x1FB90];
	v19 =	vadd.f32 v31, v19  }
0x144: {  	v32 =	vperm.xlane v40, v41;
	v54 =	vmul.f32 v62, v61;
	v61 =	vld [tilespmem:$0x1FB70];
	v21 =	vadd.f32 v34, v21  }
0x145: {  	v11 =	vadd.f32 v11, v58;
	v62 =	vld [tilespmem:$0x1FB80];
	v31 =	vperm.xlane v30, v46;
	v19 =	vadd.f32 v45, v19  }
0x146: {  	v35 =	vmul.f32 v14, v35;
	v56 =	vld [tilespmem:s20+$0x6D0];
	v14 =	vadd.f32 v40, v32;
	v59 =	vperm.xlane v21, v46  }
0x147: {  	v32 =	vld [tilespmem:s20+$0x8640];
	v30 =	vadd.f32 v30, v31;
	v18 =	vmul.f32 v18, v22;
	v22 =	vperm.xlane v19, v46  }
0x148: {  	v58 =	vperm.xlane v11, v53;
	v55 =	vld [tilespmem:s20+$0x6C0];
	v21 =	vadd.f32 v21, v59  }
0x149: {  	v54 =	vmul.f32 v61, v54;
	v61 =	vld [tilespmem:$0x1FBB0];
	v19 =	vadd.f32 v19, v22;
	v22 =	vperm.xlane v30, v53  }
0x14a: {  	v11 =	vadd.f32 v11, v58;
	v58 =	vmul.f32 v62, v63;
	v62 =	vld [tilespmem:s20+$0x660];
	v60 =	vperm.xlane v21, v53  }
0x14b: {  	v22 =	vadd.f32 v30, v22;
	v30 =	vld [tilespmem:$0x1FBC0]  }
0x14c: {  	v21 =	vadd.f32 v21, v60;
	v60 =	vld [tilespmem:$0x1FBA0];
	v9 =	vadd.f32 v18, v9  }
0x14d: {  	v31 =	vld [tilespmem:s20+$0x86C0]  }
0x14e: {  	v12 =	vmul.f32 v12, v42;
	v4 =	vperm.xlane v3, v41;
	v2 =	vld [tilespmem:s20+$0x86A0];
	v9 =	vadd.f32 v54, v9  }
0x14f: {  	v8 =	vmul.f32 v38, v8;
	v43 =	vmul.f32 v27, v43;
	v59 =	vld [tilespmem:s20+$0x10600]  }
0x150: {  	v27 =	vadd.f32 v3, v4;
	v3 =	vld [tilespmem:$0x1FBF0];
	v30 =	vmul.f32 v30, v0;
	v0 =	vperm.xlane v9, v46  }
0x151: {  	v58 =	vmul.f32 v60, v58;
	v60 =	vld [tilespmem:s20+$0x8620];
	v25 =	vperm.xlane v26, v41  }
0x152: {  	v8 =	vmul.f32 v29, v8;
	v48 =	vmul.f32 v47, v48;
	v9 =	vadd.f32 v9, v0;
	v0 =	vld [tilespmem:$0x1FBD0]  }
0x153: {  	v40 =	vadd.f32 v26, v25;
	v25 =	vmul.f32 v31, v55;
	v31 =	vmul.f32 v2, v51;
	v2 =	vld [tilespmem:$0x1FC00]  }
0x154: {  	v15 =	vmul.f32 v15, v48;
	v57 =	vld [tilespmem:s20+$0x86D0];
	v45 =	vperm.xlane v5, v41  }
0x155: {  	v63 =	vld [tilespmem:s20+$0x8660];
	v13 =	vmul.f32 v61, v13;
	v12 =	vmul.f32 v59, v12  }
0x156: {  	v44 =	vmul.f32 v3, v44;
	v3 =	vadd.f32 v5, v45;
	v5 =	vmul.f32 v60, v28;
	v28 =	vld [tilespmem:s20+$0x8650]  }
0x157: {  	v18 =	vperm.xlane v11, v41;
	v0 =	vmul.f32 v0, v1;
	v1 =	vld [tilespmem:s20+$0x8690]  }
0x158: {  	v61 =	vperm.xlane v21, v41;
	v12 =	vadd.f32 v15, v12;
	v4 =	vmul.f32 v2, v25;
	v25 =	vld [tilespmem:s20+$0x10650]  }
0x159: {  	v26 =	vmul.f32 v57, v56;
	v5 =	vmul.f32 v49, v5;
	v11 =	vadd.f32 v11, v18;
	v18 =	vld [tilespmem:s20+$0x10640]  }
0x15a: {  	v37 =	vld [tilespmem:s20+$0x8740];
	v10 =	vmul.f32 v10, v33;
	v32 =	vmul.f32 v32, v50;
	v21 =	vadd.f32 v21, v61  }
0x15b: {  	v49 =	vld [tilespmem:s20+$0x10660];
	v23 =	vmul.f32 v23, v26;
	v26 =	vmul.f32 v63, v62;
	v5 =	vadd.f32 v5, v12  }
0x15c: {  	v29 =	vadd.f32 v35, v44;
	v24 =	vmul.f32 v28, v24;
	v1 =	vmul.f32 v1, v7;
	v7 =	vld [tilespmem:s20+$0x10690]  }
0x15d: {  	v28 =	vld [tilespmem:s20+$0x106A0];
	v5 =	vadd.f32 v10, v5;
	v34 =	vperm.xlane v19, v53;
	v54 =	vperm.xlane v17, v41  }
0x15e: {  	v51 =	vld [tilespmem:s20+$0x10670];
	v4 =	vadd.f32 v23, v4;
	v24 =	vmul.f32 v25, v24;
	v18 =	vmul.f32 v18, v32  }
0x15f: {  	v19 =	vadd.f32 v19, v34;
	v34 =	vmul.f32 v37, v52;
	v37 =	vperm.xlane v22, v41  }
0x160: {  	v17 =	vadd.f32 v17, v54;
	v25 =	vld [tilespmem:s20+$0x106B0];
	v15 =	vadd.f32 v24, v18;
	v18 =	vmul.f32 v49, v26  }
0x161: {  	v4 =	vadd.f32 v43, v4;
	v52 =	vperm.xlane v19, v41;
	v1 =	vmul.f32 v7, v1;
	v7 =	vld [tilespmem:s20+$0x106F0]  }
0x162: {  	v16 =	vmul.f32 v16, v34;
	v22 =	vadd.f32 v22, v37;
	v12 =	vadd.f32 v18, v15  }
0x163: {  	v15 =	vmul.f32 v51, v20;
	v1 =	vadd.f32 v1, v8;
	v8 =	vmul.f32 v28, v31  }
0x164: {  	v19 =	vadd.f32 v19, v52;
	v16 =	vadd.f32 v36, v16;
	v34 =	vperm.xlane v9, v53  }
0x165: {  	v10 =	vadd.f32 v15, v12;
	v1 =	vadd.f32 v8, v1;
	v8 =	vmul.f32 v25, v39  }
0x166: {  	v16 =	vadd.f32 v30, v16;
	v0 =	vadd.f32 v0, v29;
	v6 =	vmul.f32 v7, v6  }
0x167: {  	v9 =	vadd.f32 v9, v34;
	v12 =	vperm.xlane v10, v46;
	v1 =	vadd.f32 v8, v1  }
0x168: {  	v0 =	vadd.f32 v13, v0;
	v8 =	vperm.xlane v5, v46;
	v4 =	vadd.f32 v6, v4  }
0x169: {  	v13 =	vadd.f32 v58, v16;
	v7 =	vperm.xlane v9, v41;
	v6 =	vperm.xlane v1, v46  }
0x16a: {  	v5 =	vadd.f32 v5, v8;
	v8 =	vadd.f32 v10, v12;
	v10 =	vperm.xlane v4, v46  }
0x16b: {  	v12 =	vperm.xlane v13, v46;
	v1 =	vadd.f32 v1, v6;
	v6 =	vperm.xlane v0, v46  }
0x16c: {  	v15 =	vperm.xlane v5, v53;
	v16 =	vperm.xlane v8, v53;
	v4 =	vadd.f32 v4, v10  }
0x16d: {  	v10 =	vperm.xlane v1, v53;
	v0 =	vadd.f32 v0, v6;
	v6 =	vadd.f32 v13, v12  }
0x16e: {  	v5 =	vadd.f32 v5, v15;
	v8 =	vadd.f32 v8, v16;
	v12 =	vperm.xlane v4, v53  }
0x16f: {  	v18 =	vld [tilespmem:$0x1FFF0];
	v1 =	vadd.f32 v1, v10;
	v10 =	vperm.xlane v0, v53;
	v13 =	vperm.xlane v6, v53  }
0x170: {  	v15 =	vperm.xlane v5, v41;
	v16 =	vperm.xlane v8, v41;
	v4 =	vadd.f32 v4, v12  }
0x171: {  	v12 =	vperm.xlane v1, v41;
	v0 =	vadd.f32 v0, v10;
	v6 =	vadd.f32 v6, v13  }
0x172: {  	v5 =	vadd.f32 v5, v15;
	v8 =	vadd.f32 v8, v16;
	v10 =	vperm.xlane v4, v41  }
0x173: {  	v1 =	vadd.f32 v1, v12;
	v12 =	vperm.xlane v0, v41;
	v13 =	vperm.xlane v6, v41  }
0x174: {  	v15 =	vperm.xlane v5, v18;
	v16 =	vperm.xlane v8, v18;
	v4 =	vadd.f32 v4, v10  }
0x175: {  	v10 =	vperm.xlane v1, v18;
	v0 =	vadd.f32 v0, v12;
	v6 =	vadd.f32 v6, v13  }
0x176: {  	v5 =	vadd.f32 v5, v15;
	v8 =	vadd.f32 v8, v16;
	v12 =	vperm.xlane v4, v18  }
0x177: {  	v7 =	vadd.f32 v9, v7;
	v1 =	vadd.f32 v1, v10;
	v10 =	vperm.xlane v0, v18  }
0x178: {  	v5 =	vsel vm0, v5, v8;
	v8 =	vperm.xlane v6, v18;
	v4 =	vadd.f32 v4, v12  }
0x179: {  	v1 =	vsel vm1, v5, v1;
	v0 =	vadd.f32 v0, v10;
	v5 =	vperm.xlane v7, v18  }
0x17a: {  	v1 =	vsel vm2, v1, v4;
	v4 =	vadd.f32 v6, v8;
	v6 =	vperm.xlane v19, v18  }
0x17b: {  	v0 =	vsel vm3, v1, v0;
	v1 =	vadd.f32 v7, v5;
	v5 =	vperm.xlane v21, v18  }
0x17c: {  	v0 =	vsel vm4, v0, v4;
	v4 =	vadd.f32 v19, v6;
	v6 =	vperm.xlane v22, v18  }
0x17d: {  	v0 =	vsel vm5, v0, v1;
	v1 =	vadd.f32 v21, v5;
	v5 =	vperm.xlane v17, v18  }
0x17e: {  	v0 =	vsel vm6, v0, v4;
	v4 =	vadd.f32 v22, v6;
	v6 =	vperm.xlane v11, v18  }
0x17f: {  	v0 =	vsel vm7, v0, v1;
	v1 =	vadd.f32 v17, v5;
	v5 =	vperm.xlane v3, v18  }
0x180: {  	v0 =	vsel vm8, v0, v4;
	v4 =	vadd.f32 v11, v6;
	v6 =	vperm.xlane v40, v18  }
0x181: {  	v0 =	vsel vm9, v0, v1;
	v1 =	vadd.f32 v3, v5;
	v3 =	vperm.xlane v14, v18  }
0x182: {  	v0 =	vsel vm10, v0, v4;
	v2 =	vadd.f32 v40, v6;
	v4 =	vperm.xlane v27, v18  }
0x183: {  	v0 =	vsel vm11, v0, v1;
	v1 =	vadd.f32 v14, v3  }
0x184: {  	v0 =	vsel vm12, v0, v2;
	v2 =	vadd.f32 v27, v4  }
0x185: {  	v0 =	vsel vm13, v0, v1  }
0x186: {  	v0 =	vsel vm14, v0, v2  }
0x187: {  	s18 =	simm.s32 $0x400;
	[tilespmem:s16+$0x0] =	vst v0  }
0x188: {  	v0 =	vld [tilespmem:s18+$0x109A0];
	_ =	sdelay $0x4  }
0x189: {  	[tilespmem:$0x1FC10] =	vst v0;
	v0 =	vld [tilespmem:s18+$0x10930];
	_ =	sdelay $0x4  }
0x18a: {  	[tilespmem:$0x1FC80] =	vst v0;
	v0 =	vld [tilespmem:s18+$0x10960];
	_ =	sdelay $0x4  }
0x18b: {  	[tilespmem:$0x1FC40] =	vst v0;
	v0 =	vld [tilespmem:s18+$0x10980];
	_ =	sdelay $0x4  }
0x18c: {  	[tilespmem:$0x1FC20] =	vst v0;
	v0 =	vld [tilespmem:s18+$0x10990];
	_ =	sdelay $0x4  }
0x18d: {  	[tilespmem:$0x1FC30] =	vst v0;
	v0 =	vld [tilespmem:s18+$0x108F0];
	_ =	sdelay $0x4  }
0x18e: {  	[tilespmem:$0x1FCD0] =	vst v0;
	v0 =	vld [tilespmem:s18+$0x10920];
	_ =	sdelay $0x4  }
0x18f: {  	[tilespmem:$0x1FC70] =	vst v0;
	v0 =	vld [tilespmem:s18+$0x930];
	_ =	sdelay $0x4  }
0x190: {  	[tilespmem:$0x1FC50] =	vst v0;
	v0 =	vld [tilespmem:s18+$0x8930]  }
0x191: {  	v42 =	vld [tilespmem:s18+$0x109F0]  }
0x192: {  	v44 =	vld [tilespmem:s18+$0x109E0]  }
0x193: {  	v34 =	vld [tilespmem:s18+$0x9F0]  }
0x194: {  	v38 =	vld [tilespmem:s18+$0x89F0]  }
0x195: {  	[tilespmem:$0x1FC60] =	vst v0;
	v0 =	vld [tilespmem:s18+$0x108B0]  }
0x196: {  	v54 =	vld [tilespmem:s18+$0x109C0]  }
0x197: {  	v55 =	vld [tilespmem:s18+$0x109D0]  }
0x198: {  	v56 =	vld [tilespmem:s18+$0x9E0]  }
0x199: {  	v57 =	vld [tilespmem:s18+$0x89E0]  }
0x19a: {  	[tilespmem:$0x1FCE0] =	vst v0;
	v0 =	vld [tilespmem:s18+$0x108E0]  }
0x19b: {  	v21 =	vld [tilespmem:s18+$0x9C0]  }
0x19c: {  	v13 =	vld [tilespmem:s18+$0x89C0]  }
0x19d: {  	v19 =	vld [tilespmem:s18+$0x9D0]  }
0x19e: {  	v16 =	vld [tilespmem:s18+$0x89D0]  }
0x19f: {  	[tilespmem:$0x1FCC0] =	vst v0;
	v0 =	vld [tilespmem:s18+$0x8F0]  }
0x1a0: {  	v32 =	vld [tilespmem:s18+$0x10940]  }
0x1a1: {  	v35 =	vld [tilespmem:s18+$0x10950]  }
0x1a2: {  	v4 =	vld [tilespmem:s18+$0x10830]  }
0x1a3: {  	v17 =	vld [tilespmem:s18+$0x960]  }
0x1a4: {  	[tilespmem:$0x1FC90] =	vst v0;
	v0 =	vld [tilespmem:s18+$0x88F0]  }
0x1a5: {  	v12 =	vld [tilespmem:s18+$0x8960]  }
0x1a6: {  	v24 =	vld [tilespmem:s18+$0x980]  }
0x1a7: {  	[tilespmem:$0x1FD70] =	vst v4;
	v4 =	vld [tilespmem:s18+$0x10860]  }
0x1a8: {  	v14 =	vld [tilespmem:s18+$0x8980]  }
0x1a9: {  	[tilespmem:$0x1FCA0] =	vst v0;
	v0 =	vld [tilespmem:s18+$0x10870]  }
0x1aa: {  	v20 =	vld [tilespmem:s18+$0x990]  }
0x1ab: {  	v15 =	vld [tilespmem:s18+$0x8990]  }
0x1ac: {  	[tilespmem:$0x1FDD0] =	vst v4;
	v4 =	vld [tilespmem:s18+$0x870]  }
0x1ad: {  	v31 =	vld [tilespmem:s18+$0x10900]  }
0x1ae: {  	[tilespmem:$0x1FD50] =	vst v0;
	v0 =	vld [tilespmem:s18+$0x108A0]  }
0x1af: {  	v33 =	vld [tilespmem:s18+$0x10910]  }
0x1b0: {  	v27 =	vld [tilespmem:s18+$0x920]  }
0x1b1: {  	[tilespmem:$0x1FCF0] =	vst v4;
	v4 =	vld [tilespmem:s18+$0x8870]  }
0x1b2: {  	v26 =	vld [tilespmem:s18+$0x8920]  }
0x1b3: {  	[tilespmem:$0x1FD60] =	vst v0;
	v0 =	vld [tilespmem:s18+$0x108D0]  }
0x1b4: {  	v9 =	vld [tilespmem:s18+$0x940]  }
0x1b5: {  	v8 =	vld [tilespmem:s18+$0x950]  }
0x1b6: {  	[tilespmem:$0x1FD00] =	vst v4;
	v4 =	vld [tilespmem:s18+$0x10880]  }
0x1b7: {  	v1 =	vld [tilespmem:s18+$0x900]  }
0x1b8: {  	[tilespmem:$0x1FCB0] =	vst v0;
	v0 =	vld [tilespmem:s18+$0x8900]  }
0x1b9: {  	v3 =	vld [tilespmem:s18+$0x910];
	v13 =	vmul.f32 v13, v21;
	v16 =	vmul.f32 v16, v19  }
0x1ba: {  	v2 =	vld [tilespmem:s18+$0x8910]  }
0x1bb: {  	v13 =	vmul.f32 v54, v13;
	v16 =	vmul.f32 v55, v16;
	[tilespmem:$0x1FD20] =	vst v4;
	v4 =	vld [tilespmem:s18+$0x10890]  }
0x1bc: {  	v5 =	vld [tilespmem:s18+$0x8950]  }
0x1bd: {  	v0 =	vmul.f32 v0, v1;
	v1 =	vadd.f32 v16, v13;
	v13 =	vld [tilespmem:$0x1FC40]  }
0x1be: {  	v37 =	vld [tilespmem:s18+$0x108C0];
	v56 =	vmul.f32 v57, v56  }
0x1bf: {  	v18 =	vld [tilespmem:s18+$0x107F0];
	v2 =	vmul.f32 v2, v3  }
0x1c0: {  	v17 =	vmul.f32 v12, v17;
	v56 =	vmul.f32 v44, v56;
	[tilespmem:$0x1FD30] =	vst v4;
	v4 =	vld [tilespmem:s18+$0x8A0]  }
0x1c1: {  	v14 =	vmul.f32 v14, v24;
	v24 =	vmul.f32 v33, v2;
	v2 =	vld [tilespmem:$0x1FC60]  }
0x1c2: {  	v13 =	vmul.f32 v13, v17;
	v17 =	vmul.f32 v31, v0;
	v0 =	vadd.f32 v56, v1;
	v1 =	vld [tilespmem:$0x1FC50]  }
0x1c3: {  	v6 =	vld [tilespmem:s18+$0x8C0]  }
0x1c4: {  	v11 =	vld [tilespmem:s18+$0x8D0]  }
0x1c5: {  	[tilespmem:$0x1FEE0] =	vst v18;
	v18 =	vld [tilespmem:s18+$0x10820]  }
0x1c6: {  	[tilespmem:$0x1FD10] =	vst v4;
	v4 =	vld [tilespmem:s18+$0x88C0]  }
0x1c7: {  	v1 =	vmul.f32 v2, v1;
	v2 =	vld [tilespmem:$0x1FC70]  }
0x1c8: {  	v38 =	vmul.f32 v38, v34;
	v8 =	vmul.f32 v5, v8;
	v5 =	vld [tilespmem:$0x1FC20]  }
0x1c9: {  	v15 =	vmul.f32 v15, v20;
	v20 =	vld [tilespmem:$0x1FC30]  }
0x1ca: {  	v3 =	vmul.f32 v26, v27;
	v42 =	vmul.f32 v42, v38;
	[tilespmem:$0x1FE40] =	vst v18;
	v18 =	vld [tilespmem:s18+$0x830]  }
0x1cb: {  	v10 =	vld [tilespmem:s18+$0x88D0]  }
0x1cc: {  	v31 =	vmul.f32 v2, v3;
	v2 =	vmul.f32 v4, v6;
	v6 =	vadd.f32 v42, v0;
	v0 =	vld [tilespmem:$0x1FC80]  }
0x1cd: {  	v7 =	vld [tilespmem:s18+$0x8940]  }
0x1ce: {  	v52 =	vld [tilespmem:s18+$0x107B0];
	v14 =	vmul.f32 v5, v14;
	v15 =	vmul.f32 v20, v15  }
0x1cf: {  	[tilespmem:$0x1FD40] =	vst v18;
	v18 =	vld [tilespmem:s18+$0x10840]  }
0x1d0: {  	v3 =	vmul.f32 v10, v11;
	v10 =	vadd.f32 v15, v14;
	v14 =	vmul.f32 v37, v2;
	v2 =	vld [tilespmem:$0x1FCA0]  }
0x1d1: {  	v44 =	vmul.f32 v0, v1;
	v0 =	vld [tilespmem:$0x1FC90]  }
0x1d2: {  	v29 =	vld [tilespmem:s18+$0x8E0];
	v9 =	vmul.f32 v7, v9  }
0x1d3: {  	v28 =	vld [tilespmem:s18+$0x88E0]  }
0x1d4: {  	[tilespmem:$0x1FF70] =	vst v52;
	v52 =	vld [tilespmem:s18+$0x10800];
	v9 =	vmul.f32 v32, v9;
	v8 =	vmul.f32 v35, v8  }
0x1d5: {  	[tilespmem:$0x1FDE0] =	vst v18;
	v18 =	vld [tilespmem:s18+$0x10850]  }
0x1d6: {  	v8 =	vadd.f32 v8, v9;
	v9 =	vmul.f32 v2, v0;
	v0 =	vld [tilespmem:$0x1FCB0];
	_ =	sdelay $0x2  }
0x1d7: {  	[tilespmem:$0x1FE50] =	vst v52;
	v52 =	vld [tilespmem:s18+$0x10770]  }
0x1d8: {  	[tilespmem:$0x1FE10] =	vst v18;
	v18 =	vld [tilespmem:s18+$0x860]  }
0x1d9: {  	v11 =	vmul.f32 v28, v29;
	v28 =	vmul.f32 v0, v3;
	v0 =	vld [tilespmem:$0x1FCC0];
	_ =	sdelay $0x1  }
0x1da: {  	v61 =	vld [tilespmem:s18+$0x8B0]  }
0x1db: {  	[tilespmem:$0x1FF80] =	vst v52;
	v52 =	vld [tilespmem:s18+$0x810]  }
0x1dc: {  	[tilespmem:$0x1FD80] =	vst v18;
	v18 =	vld [tilespmem:s18+$0x8860]  }
0x1dd: {  	v11 =	vmul.f32 v0, v11;
	v0 =	vld [tilespmem:$0x1FCD0]  }
0x1de: {  	v51 =	vld [tilespmem:s18+$0x88B0]  }
0x1df: {  	v23 =	vld [tilespmem:s18+$0x890]  }
0x1e0: {  	[tilespmem:$0x1FE20] =	vst v52;
	v52 =	vld [tilespmem:s18+$0x8810]  }
0x1e1: {  	[tilespmem:$0x1FD90] =	vst v18;
	v18 =	vld [tilespmem:s18+$0x8890]  }
0x1e2: {  	v9 =	vmul.f32 v0, v9;
	v0 =	vld [tilespmem:$0x1FCE0];
	_ =	sdelay $0x2  }
0x1e3: {  	[tilespmem:$0x1FE30] =	vst v52;
	v52 =	vld [tilespmem:s18+$0x10730];
	v15 =	vmul.f32 v51, v61  }
0x1e4: {  	v18 =	vmul.f32 v18, v23;
	v23 =	vld [tilespmem:$0x1FD00]  }
0x1e5: {  	v15 =	vmul.f32 v0, v15;
	v0 =	vld [tilespmem:$0x1FCF0]  }
0x1e6: {  	v36 =	vld [tilespmem:s18+$0x109B0]  }
0x1e7: {  	v50 =	vld [tilespmem:s18+$0x10970]  }
0x1e8: {  	v45 =	vld [tilespmem:s18+$0x88A0]  }
0x1e9: {  	[tilespmem:$0x1FF90] =	vst v52;
	v52 =	vld [tilespmem:s18+$0x10760]  }
0x1ea: {  	v23 =	vmul.f32 v23, v0;
	v0 =	vld [tilespmem:$0x1FD10]  }
0x1eb: {  	v30 =	vld [tilespmem:s18+$0x9B0]  }
0x1ec: {  	v25 =	vld [tilespmem:s18+$0x880]  }
0x1ed: {  	v22 =	vld [tilespmem:s18+$0x8880]  }
0x1ee: {  	[tilespmem:$0x1FFA0] =	vst v52;
	v52 =	vld [tilespmem:s18+$0x770]  }
0x1ef: {  	v17 =	vadd.f32 v24, v17;
	v24 =	vmul.f32 v45, v0;
	v0 =	vld [tilespmem:$0x1FD20]  }
0x1f0: {  	v48 =	vld [tilespmem:s18+$0x89B0]  }
0x1f1: {  	v58 =	vld [tilespmem:s18+$0x970]  }
0x1f2: {  	v60 =	vld [tilespmem:s18+$0x107E0];
	v8 =	vadd.f32 v13, v8;
	v13 =	vmul.f32 v22, v25  }
0x1f3: {  	[tilespmem:$0x1FF50] =	vst v52;
	v52 =	vld [tilespmem:s18+$0x8770]  }
0x1f4: {  	v13 =	vmul.f32 v0, v13;
	v0 =	vld [tilespmem:$0x1FD30]  }
0x1f5: {  	v59 =	vld [tilespmem:s18+$0x8970]  }
0x1f6: {  	v49 =	vld [tilespmem:s18+$0x8830]  }
0x1f7: {  	[tilespmem:$0x1FED0] =	vst v60;
	v60 =	vld [tilespmem:s18+$0x10810]  }
0x1f8: {  	v48 =	vmul.f32 v48, v30;
	[tilespmem:$0x1FF60] =	vst v52;
	v52 =	vld [tilespmem:s18+$0x10780]  }
0x1f9: {  	v18 =	vmul.f32 v0, v18;
	v0 =	vld [tilespmem:$0x1FD40]  }
0x1fa: {  	v62 =	vld [tilespmem:s18+$0x9A0];
	v36 =	vmul.f32 v36, v48;
	v48 =	vmul.f32 v59, v58  }
0x1fb: {  	v63 =	vld [tilespmem:s18+$0x89A0]  }
0x1fc: {  	v19 =	vmul.f32 v50, v48;
	[tilespmem:$0x1FE60] =	vst v60;
	v60 =	vld [tilespmem:s18+$0x107A0]  }
0x1fd: {  	[tilespmem:$0x1FEF0] =	vst v52;
	v52 =	vld [tilespmem:s18+$0x10790]  }
0x1fe: {  	v8 =	vadd.f32 v19, v8;
	v19 =	vmul.f32 v49, v0;
	v0 =	vld [tilespmem:$0x1FD50]  }
0x1ff: {  	v55 =	vld [tilespmem:$0x1FC10];
	_ =	sdelay $0x1  }
0x200: {  	[tilespmem:$0x1FF40] =	vst v60;
	v60 =	vld [tilespmem:s18+$0x7B0]  }
0x201: {  	[tilespmem:$0x1FF00] =	vst v52;
	v52 =	vmul.f32 v63, v62  }
0x202: {  	v23 =	vmul.f32 v0, v23;
	v0 =	vld [tilespmem:$0x1FD60]  }
0x203: {  	v59 =	vmul.f32 v55, v52  }
0x204: {  	v47 =	vld [tilespmem:s18+$0x87F0]  }
0x205: {  	[tilespmem:$0x1FF10] =	vst v60;
	v60 =	vld [tilespmem:s18+$0x87B0];
	v10 =	vadd.f32 v59, v10;
	_ =	sdelay $0x1  }
0x206: {  	v29 =	vperm.xlane v6, v46;
	v10 =	vadd.f32 v36, v10;
	v24 =	vmul.f32 v0, v24;
	v0 =	vld [tilespmem:$0x1FD70]  }
0x207: {  	v43 =	vld [tilespmem:s18+$0x7F0]  }
0x208: {  	[tilespmem:$0x1FEB0] =	vst v47;
	v47 =	vld [tilespmem:s18+$0x8820];
	v29 =	vadd.f32 v6, v29;
	v6 =	vperm.xlane v10, v46  }
0x209: {  	[tilespmem:$0x1FF20] =	vst v60;
	v60 =	vld [tilespmem:s18+$0x107C0]  }
0x20a: {  	v10 =	vadd.f32 v10, v6;
	v6 =	vld [tilespmem:$0x1FD90]  }
0x20b: {  	v19 =	vmul.f32 v0, v19;
	v0 =	vld [tilespmem:$0x1FD80]  }
0x20c: {  	[tilespmem:$0x1FEA0] =	vst v43;
	v43 =	vld [tilespmem:s18+$0x820];
	v17 =	vadd.f32 v31, v17;
	_ =	sdelay $0x1  }
0x20d: {  	v17 =	vadd.f32 v44, v17  }
0x20e: {  	[tilespmem:$0x1FDB0] =	vst v47  }
0x20f: {  	[tilespmem:$0x1FE90] =	vst v60;
	v60 =	vld [tilespmem:s18+$0x107D0];
	v0 =	vmul.f32 v6, v0;
	v6 =	vperm.xlane v17, v46  }
0x210: {  	[tilespmem:$0x1FDA0] =	vst v43;
	v59 =	vld [tilespmem:$0x1FDB0]  }
0x211: {  	v17 =	vadd.f32 v17, v6;
	v6 =	vld [tilespmem:$0x1FDA0];
	_ =	sdelay $0x3  }
0x212: {  	[tilespmem:$0x1FEC0] =	vst v60;
	v60 =	vld [tilespmem:s18+$0x7E0]  }
0x213: {  	v61 =	vmul.f32 v59, v6;
	v6 =	vld [tilespmem:s18+$0x106C0];
	_ =	sdelay $0x1  }
0x214: {  	v40 =	vld [tilespmem:s18+$0x840]  }
0x215: {  	v39 =	vld [tilespmem:s18+$0x8840]  }
0x216: {  	[tilespmem:$0x1FE70] =	vst v60;
	v60 =	vld [tilespmem:s18+$0x87E0]  }
0x217: {  	[tilespmem:$0x1FDC0] =	vst v6;
	v6 =	vld [tilespmem:$0x1FDD0];
	_ =	sdelay $0x1  }
0x218: {  	v55 =	vperm.xlane v8, v46  }
0x219: {  	v56 =	vperm.xlane v10, v53  }
0x21a: {  	[tilespmem:$0x1FE80] =	vst v60;
	v60 =	vld [tilespmem:s18+$0x800];
	v32 =	vadd.f32 v8, v55  }
0x21b: {  	v8 =	vmul.f32 v39, v40;
	v39 =	vadd.f32 v10, v56;
	v10 =	vmul.f32 v6, v0;
	v6 =	vld [tilespmem:s18+$0x106D0];
	_ =	sdelay $0x3  }
0x21c: {  	[tilespmem:$0x1FE00] =	vst v60;
	v60 =	vld [tilespmem:s18+$0x8800]  }
0x21d: {  	[tilespmem:$0x1FDF0] =	vst v6;
	v6 =	vld [tilespmem:$0x1FE00];
	_ =	sdelay $0x1  }
0x21e: {  	v47 =	vld [tilespmem:s18+$0x850]  }
0x21f: {  	v43 =	vld [tilespmem:s18+$0x8850];
	v62 =	vperm.xlane v29, v53  }
0x220: {  	v0 =	vld [tilespmem:$0x1FDE0]  }
0x221: {  	v51 =	vadd.f32 v29, v62;
	v29 =	vmul.f32 v60, v6;
	v6 =	vld [tilespmem:$0x1FE10];
	_ =	sdelay $0x2  }
0x222: {  	v14 =	vadd.f32 v28, v14;
	v28 =	vmul.f32 v43, v47  }
0x223: {  	v0 =	vmul.f32 v0, v8;
	v8 =	vld [tilespmem:$0x1FE30]  }
0x224: {  	v11 =	vadd.f32 v11, v14;
	v14 =	vmul.f32 v6, v28;
	v6 =	vld [tilespmem:$0x1FE20];
	_ =	sdelay $0x4  }
0x225: {  	v28 =	vmul.f32 v8, v6;
	v6 =	vld [tilespmem:$0x1FE40];
	_ =	sdelay $0x2  }
0x226: {  	v42 =	vperm.xlane v32, v53;
	_ =	sdelay $0x1  }
0x227: {  	v56 =	vadd.f32 v32, v42;
	v32 =	vmul.f32 v6, v61;
	v6 =	vld [tilespmem:$0x1FE50];
	_ =	sdelay $0x3  }
0x228: {  	v30 =	vld [tilespmem:s18+$0x7A0]  }
0x229: {  	v29 =	vmul.f32 v6, v29;
	v6 =	vld [tilespmem:$0x1FE60]  }
0x22a: {  	v34 =	vld [tilespmem:s18+$0x87A0]  }
0x22b: {  	v57 =	vld [tilespmem:s18+$0x7C0]  }
0x22c: {  	v21 =	vld [tilespmem:s18+$0x7D0]  }
0x22d: {  	v12 =	vld [tilespmem:s18+$0x730]  }
0x22e: {  	v7 =	vld [tilespmem:s18+$0x10740];
	v9 =	vadd.f32 v9, v11;
	v11 =	vmul.f32 v6, v28;
	v28 =	vperm.xlane v17, v53  }
0x22f: {  	v6 =	vld [tilespmem:$0x1FE70]  }
0x230: {  	v36 =	vadd.f32 v17, v28;
	v17 =	vld [tilespmem:$0x1FE80]  }
0x231: {  	v27 =	vld [tilespmem:s18+$0x790]  }
0x232: {  	v26 =	vld [tilespmem:s18+$0x10710]  }
0x233: {  	v58 =	vld [tilespmem:s18+$0x87C0]  }
0x234: {  	v50 =	vld [tilespmem:s18+$0x87D0]  }
0x235: {  	v17 =	vmul.f32 v17, v6;
	v6 =	vld [tilespmem:$0x1FE90]  }
0x236: {  	v54 =	vld [tilespmem:s18+$0x10720]  }
0x237: {  	v38 =	vld [tilespmem:s18+$0x8730];
	v13 =	vadd.f32 v18, v13  }
0x238: {  	v35 =	vld [tilespmem:s18+$0x8740];
	v18 =	vmul.f32 v58, v57  }
0x239: {  	v24 =	vadd.f32 v24, v13;
	v13 =	vld [tilespmem:$0x1FEB0]  }
0x23a: {  	v21 =	vmul.f32 v50, v21;
	v50 =	vmul.f32 v6, v18;
	v6 =	vld [tilespmem:$0x1FEA0]  }
0x23b: {  	v33 =	vld [tilespmem:s18+$0x10630]  }
0x23c: {  	v48 =	vld [tilespmem:s18+$0x8760]  }
0x23d: {  	[tilespmem:$0x1FFB0] =	vst v54;
	v54 =	vld [tilespmem:s18+$0x106E0]  }
0x23e: {  	v5 =	vld [tilespmem:s18+$0x10750]  }
0x23f: {  	v18 =	vmul.f32 v13, v6;
	v6 =	vld [tilespmem:$0x1FEC0]  }
0x240: {  	v20 =	vld [tilespmem:s18+$0x8780]  }
0x241: {  	v16 =	vld [tilespmem:s18+$0x780]  }
0x242: {  	v22 =	vld [tilespmem:s18+$0x720]  }
0x243: {  	v14 =	vadd.f32 v14, v0;
	v0 =	vld [tilespmem:$0x1FEF0]  }
0x244: {  	v21 =	vmul.f32 v6, v21;
	v6 =	vld [tilespmem:$0x1FED0]  }
0x245: {  	v25 =	vld [tilespmem:s18+$0x8720]  }
0x246: {  	v16 =	vmul.f32 v20, v16;
	v4 =	vld [tilespmem:s18+$0x8790]  }
0x247: {  	v63 =	vld [tilespmem:s18+$0x760]  }
0x248: {  	v20 =	vadd.f32 v11, v29;
	v29 =	vmul.f32 v0, v16;
	v0 =	vld [tilespmem:$0x1FF00]  }
0x249: {  	v17 =	vmul.f32 v6, v17;
	v6 =	vld [tilespmem:$0x1FEE0]  }
0x24a: {  	v52 =	vld [tilespmem:s18+$0x86E0]  }
0x24b: {  	v22 =	vmul.f32 v25, v22;
	v25 =	vld [tilespmem:s18+$0x10610];
	v4 =	vmul.f32 v4, v27  }
0x24c: {  	v40 =	vld [tilespmem:s18+$0x6B0]  }
0x24d: {  	v4 =	vmul.f32 v0, v4;
	v0 =	vld [tilespmem:$0x1FF10]  }
0x24e: {  	v15 =	vadd.f32 v15, v24;
	v24 =	vmul.f32 v6, v18;
	v6 =	vld [tilespmem:$0x1FF20]  }
0x24f: {  	v55 =	vld [tilespmem:s18+$0x8700]  }
0x250: {  	v31 =	vld [tilespmem:s18+$0x740]  }
0x251: {  	v37 =	vld [tilespmem:s18+$0x8750]  }
0x252: {  	v1 =	vld [tilespmem:s18+$0x6F0]  }
0x253: {  	v10 =	vadd.f32 v10, v14;
	v14 =	vmul.f32 v6, v0;
	v0 =	vld [tilespmem:s18+$0x10680]  }
0x254: {  	v44 =	vld [tilespmem:s18+$0x700]  }
0x255: {  	v62 =	vld [tilespmem:s18+$0x8670]  }
0x256: {  	v2 =	vld [tilespmem:s18+$0x86F0]  }
0x257: {  	v3 =	vld [tilespmem:s18+$0x10700]  }
0x258: {  	[tilespmem:$0x1FF30] =	vst v0;
	v0 =	vld [tilespmem:$0x1FF40]  }
0x259: {  	v43 =	vld [tilespmem:s18+$0x86B0]  }
0x25a: {  	v47 =	vld [tilespmem:s18+$0x6E0]  }
0x25b: {  	v57 =	vld [tilespmem:s18+$0x8710];
	v18 =	vmul.f32 v34, v30  }
0x25c: {  	v6 =	vld [tilespmem:$0x1FF60]  }
0x25d: {  	v59 =	vmul.f32 v0, v18;
	v0 =	vld [tilespmem:$0x1FF50]  }
0x25e: {  	v58 =	vld [tilespmem:s18+$0x8630]  }
0x25f: {  	v49 =	vld [tilespmem:s18+$0x750]  }
0x260: {  	v27 =	vperm.xlane v15, v46;
	v8 =	vld [tilespmem:s18+$0x710]  }
0x261: {  	v61 =	vld [tilespmem:s18+$0x6C0]  }
0x262: {  	v27 =	vadd.f32 v15, v27;
	v28 =	vperm.xlane v9, v46;
	v15 =	vmul.f32 v6, v0;
	v0 =	vld [tilespmem:$0x1FF70]  }
0x263: {  	v16 =	vmul.f32 v38, v12;
	v38 =	vmul.f32 v48, v63;
	v48 =	vld [tilespmem:s18+$0x8600]  }
0x264: {  	v9 =	vadd.f32 v9, v28;
	v28 =	vld [tilespmem:s18+$0x630]  }
0x265: {  	v4 =	vadd.f32 v4, v29;
	v29 =	vmul.f32 v52, v47;
	v47 =	vld [tilespmem:s18+$0x680]  }
0x266: {  	v52 =	vld [tilespmem:s18+$0x8680]  }
0x267: {  	v42 =	vmul.f32 v0, v14;
	v0 =	vld [tilespmem:$0x1FF80]  }
0x268: {  	v23 =	vadd.f32 v23, v10;
	v13 =	vld [tilespmem:s18+$0x10620];
	v10 =	vadd.f32 v21, v50  }
0x269: {  	v21 =	vld [tilespmem:s18+$0x86C0]  }
0x26a: {  	v50 =	vld [tilespmem:s18+$0x8620];
	v10 =	vadd.f32 v17, v10  }
0x26b: {  	v45 =	vperm.xlane v23, v46;
	v63 =	vperm.xlane v51, v41;
	v34 =	vld [tilespmem:s18+$0x670];
	v30 =	vadd.f32 v32, v20  }
0x26c: {  	v20 =	vld [tilespmem:s18+$0x86A0];
	v24 =	vadd.f32 v24, v10;
	v10 =	vmul.f32 v2, v1;
	v12 =	vmul.f32 v0, v15  }
0x26d: {  	v2 =	vld [tilespmem:$0x1FFB0];
	v15 =	vadd.f32 v19, v30;
	v19 =	vperm.xlane v9, v53;
	v30 =	vmul.f32 v35, v31  }
0x26e: {  	v18 =	vld [tilespmem:s18+$0x6A0];
	v4 =	vadd.f32 v59, v4;
	v31 =	vmul.f32 v37, v49;
	v35 =	vmul.f32 v55, v44  }
0x26f: {  	v0 =	vld [tilespmem:$0x1FF90];
	v37 =	vmul.f32 v57, v8;
	v17 =	vadd.f32 v9, v19;
	v9 =	vperm.xlane v15, v46  }
0x270: {  	v6 =	vld [tilespmem:s18+$0x6D0];
	v30 =	vmul.f32 v7, v30;
	v7 =	vperm.xlane v56, v41  }
0x271: {  	v4 =	vadd.f32 v42, v4;
	v42 =	vld [tilespmem:s18+$0x8690];
	v32 =	vmul.f32 v5, v31;
	v5 =	vperm.xlane v24, v46  }
0x272: {  	v49 =	vld [tilespmem:s18+$0x620];
	v37 =	vmul.f32 v26, v37;
	v26 =	vmul.f32 v62, v34  }
0x273: {  	v57 =	vld [tilespmem:s18+$0x690];
	v1 =	vadd.f32 v15, v9;
	v9 =	vperm.xlane v39, v41;
	v15 =	vmul.f32 v2, v22  }
0x274: {  	v2 =	vadd.f32 v23, v45;
	v22 =	vperm.xlane v27, v53;
	v14 =	vmul.f32 v0, v16;
	v0 =	vld [tilespmem:$0x1FFA0]  }
0x275: {  	v19 =	vld [tilespmem:s18+$0x10600];
	v23 =	vperm.xlane v36, v41;
	v5 =	vadd.f32 v24, v5;
	v24 =	vperm.xlane v1, v53  }
0x276: {  	v45 =	vld [tilespmem:s18+$0x8660];
	v27 =	vadd.f32 v27, v22;
	v22 =	vmul.f32 v43, v40;
	v60 =	vperm.xlane v2, v53  }
0x277: {  	v40 =	vld [tilespmem:s18+$0x610];
	v31 =	vadd.f32 v1, v24;
	v1 =	vperm.xlane v5, v53;
	v24 =	vmul.f32 v58, v28  }
0x278: {  	v43 =	vadd.f32 v2, v60;
	v28 =	vperm.xlane v4, v46;
	v2 =	vmul.f32 v54, v29;
	v60 =	vld [tilespmem:s18+$0x600]  }
0x279: {  	v54 =	vperm.xlane v17, v41;
	v16 =	vmul.f32 v0, v38;
	v0 =	vld [tilespmem:s18+$0x86D0]  }
0x27a: {  	v29 =	vmul.f32 v3, v35;
	v55 =	vperm.xlane v27, v41;
	v38 =	vld [tilespmem:s18+$0x660];
	v44 =	vadd.f32 v5, v1  }
0x27b: {  	v35 =	vadd.f32 v4, v28;
	v4 =	vadd.f32 v51, v63;
	v24 =	vmul.f32 v33, v24;
	v33 =	vld [tilespmem:s18+$0x8610]  }
0x27c: {  	v51 =	vperm.xlane v31, v41;
	v5 =	vadd.f32 v39, v9;
	v58 =	vperm.xlane v43, v41;
	v39 =	vld [tilespmem:s18+$0x640]  }
0x27d: {  	v7 =	vadd.f32 v56, v7;
	v1 =	vmul.f32 v21, v61;
	v28 =	vld [tilespmem:s18+$0x8640];
	v59 =	vperm.xlane v44, v41  }
0x27e: {  	s19 =	simm.s32 $0x18600;
	s20 =	simm.s32 $0x2000;
	v9 =	vadd.f32 v36, v23;
	v23 =	vld [tilespmem:s18+$0x650];
	v53 =	vperm.xlane v35, v53;
	v3 =	vmul.f32 v0, v6  }
.LBB2_2:
0x27f: {  	v6 =	vld [tilespmem:$0x1FDC0];
	_ =	sdelay $0x3  }
0x280: {  	v34 =	vld [tilespmem:s18+$0x8650]  }
0x281: {  	v18 =	vmul.f32 v20, v18;
	v20 =	vmul.f32 v6, v1;
	v1 =	vld [tilespmem:$0x1FDF0]  }
0x282: {  	v41 =	vld [tilespmem:s18+$0x10690];
	v21 =	vmul.f32 v50, v49  }
0x283: {  	v0 =	vadd.f32 v17, v54;
	v17 =	vld [tilespmem:s18+$0x10640];
	v36 =	vmul.f32 v52, v47  }
0x284: {  	v30 =	vadd.f32 v32, v30;
	v57 =	vmul.f32 v42, v57;
	v13 =	vmul.f32 v13, v21;
	v21 =	vld [tilespmem:s18+$0x10650]  }
0x285: {  	v11 =	vld [tilespmem:$0x1FF30];
	v33 =	vmul.f32 v33, v40;
	v28 =	vmul.f32 v28, v39;
	v6 =	vadd.f32 v31, v51  }
0x286: {  	v31 =	vmul.f32 v48, v60;
	v8 =	vmul.f32 v1, v3;
	v3 =	vadd.f32 v43, v58;
	v58 =	vld [tilespmem:s18+$0x10660]  }
0x287: {  	v29 =	vadd.f32 v37, v29;
	v23 =	vmul.f32 v34, v23;
	v25 =	vmul.f32 v25, v33  }
0x288: {  	v59 =	vadd.f32 v44, v59;
	v60 =	vld [tilespmem:s18+$0x106A0];
	v17 =	vmul.f32 v17, v28;
	v19 =	vmul.f32 v19, v31  }
0x289: {  	v31 =	vld [tilespmem:s18+$0x10670];
	v1 =	vadd.f32 v27, v55;
	v27 =	vmul.f32 v45, v38;
	v21 =	vmul.f32 v21, v23  }
0x28a: {  	v61 =	vadd.f32 v35, v53;
	v11 =	vmul.f32 v11, v36;
	v28 =	vmul.f32 v41, v57;
	v23 =	vld [tilespmem:s18+$0x106B0]  }
0x28b: {  	v16 =	vadd.f32 v16, v30;
	v30 =	vld [tilespmem:s18+$0x106F0];
	v17 =	vadd.f32 v21, v17;
	v21 =	vmul.f32 v58, v27  }
0x28c: {  	v11 =	vadd.f32 v28, v11;
	v19 =	vadd.f32 v25, v19  }
0x28d: {  	v18 =	vmul.f32 v60, v18;
	v8 =	vadd.f32 v8, v20;
	v17 =	vadd.f32 v21, v17;
	v21 =	vld [tilespmem:$0x1FFC0]  }
0x28e: {  	v15 =	vadd.f32 v15, v29;
	v13 =	vadd.f32 v13, v19;
	v19 =	vmul.f32 v31, v26;
	v26 =	vld [tilespmem:$0x1FFE0]  }
0x28f: {  	v11 =	vadd.f32 v18, v11;
	v2 =	vadd.f32 v2, v8;
	v18 =	vmul.f32 v23, v22  }
0x290: {  	v10 =	vmul.f32 v30, v10;
	v8 =	vadd.f32 v24, v13;
	v13 =	vadd.f32 v19, v17  }
0x291: {  	v14 =	vadd.f32 v14, v15;
	v23 =	vld [tilespmem:$0x1FFD0];
	v11 =	vadd.f32 v18, v11  }
0x292: {  	v2 =	vadd.f32 v10, v2;
	v18 =	vperm.xlane v8, v21;
	v19 =	vperm.xlane v13, v21  }
0x293: {  	v12 =	vadd.f32 v12, v16;
	v17 =	vperm.xlane v61, v26;
	v10 =	vperm.xlane v11, v21  }
0x294: {  	v15 =	vperm.xlane v2, v21;
	v8 =	vadd.f32 v8, v18;
	v13 =	vadd.f32 v13, v19  }
0x295: {  	v16 =	vperm.xlane v12, v21;
	v10 =	vadd.f32 v11, v10;
	v11 =	vperm.xlane v14, v21  }
0x296: {  	v2 =	vadd.f32 v2, v15;
	v18 =	vperm.xlane v8, v23;
	v19 =	vperm.xlane v13, v23  }
0x297: {  	v12 =	vadd.f32 v12, v16;
	v15 =	vperm.xlane v10, v23;
	v11 =	vadd.f32 v14, v11  }
0x298: {  	v14 =	vperm.xlane v2, v23;
	v8 =	vadd.f32 v8, v18;
	v13 =	vadd.f32 v13, v19  }
0x299: {  	v20 =	vld [tilespmem:$0x1FFF0];
	v16 =	vperm.xlane v12, v23;
	v10 =	vadd.f32 v10, v15;
	v15 =	vperm.xlane v11, v23  }
0x29a: {  	v2 =	vadd.f32 v2, v14;
	v18 =	vperm.xlane v8, v26;
	v19 =	vperm.xlane v13, v26  }
0x29b: {  	v12 =	vadd.f32 v12, v16;
	v14 =	vperm.xlane v10, v26;
	v11 =	vadd.f32 v11, v15  }
0x29c: {  	v15 =	vperm.xlane v2, v26;
	v8 =	vadd.f32 v8, v18;
	v13 =	vadd.f32 v13, v19  }
0x29d: {  	v16 =	vperm.xlane v12, v26;
	v10 =	vadd.f32 v10, v14;
	v14 =	vperm.xlane v11, v26  }
0x29e: {  	v2 =	vadd.f32 v2, v15;
	v18 =	vperm.xlane v8, v20;
	v19 =	vperm.xlane v13, v20  }
0x29f: {  	v12 =	vadd.f32 v12, v16;
	v15 =	vperm.xlane v10, v20;
	v11 =	vadd.f32 v11, v14  }
0x2a0: {  	v14 =	vperm.xlane v2, v20;
	v8 =	vadd.f32 v8, v18;
	v13 =	vadd.f32 v13, v19  }
0x2a1: {  	v16 =	vadd.f32 v61, v17;
	v10 =	vadd.f32 v10, v15;
	v15 =	vperm.xlane v11, v20  }
0x2a2: {  	v2 =	vadd.f32 v2, v14;
	v8 =	vsel vm0, v8, v13;
	v13 =	vperm.xlane v12, v20  }
0x2a3: {  	v8 =	vsel vm1, v8, v10;
	v10 =	vadd.f32 v11, v15;
	v11 =	vperm.xlane v16, v20  }
0x2a4: {  	v2 =	vsel vm2, v8, v2;
	v8 =	vadd.f32 v12, v13;
	v12 =	vperm.xlane v59, v20  }
0x2a5: {  	v2 =	vsel vm3, v2, v10;
	v10 =	vadd.f32 v16, v11;
	v11 =	vperm.xlane v6, v20  }
0x2a6: {  	v2 =	vsel vm4, v2, v8;
	v8 =	vadd.f32 v59, v12;
	v12 =	vperm.xlane v3, v20  }
0x2a7: {  	v2 =	vsel vm5, v2, v10;
	v6 =	vadd.f32 v6, v11;
	v10 =	vperm.xlane v1, v20  }
0x2a8: {  	v2 =	vsel vm6, v2, v8;
	v3 =	vadd.f32 v3, v12;
	v8 =	vperm.xlane v0, v20  }
0x2a9: {  	v2 =	vsel vm7, v2, v6;
	v1 =	vadd.f32 v1, v10;
	v6 =	vperm.xlane v9, v20  }
0x2aa: {  	v2 =	vsel vm8, v2, v3;
	v0 =	vadd.f32 v0, v8;
	v3 =	vperm.xlane v7, v20  }
0x2ab: {  	v1 =	vsel vm9, v2, v1;
	v2 =	vadd.f32 v9, v6;
	v6 =	vperm.xlane v5, v20  }
0x2ac: {  	v0 =	vsel vm10, v1, v0;
	v1 =	vadd.f32 v7, v3;
	v3 =	vperm.xlane v4, v20  }
0x2ad: {  	v0 =	vsel vm11, v0, v2;
	v2 =	vadd.f32 v5, v6  }
0x2ae: {  	v0 =	vsel vm12, v0, v1;
	v1 =	vadd.f32 v4, v3  }
0x2af: {  	v0 =	vsel vm13, v0, v2  }
0x2b0: {  	s19 =	sadd.s32 $0x10, s19;
	v0 =	vsel vm14, v0, v1  }
0x2b1: {  	s18 =	sshra.s32 s20, $0x2;
	[tilespmem:s19+$0x0] =	vst v0  }
0x2b2: {  	v0 =	vld [tilespmem:s18+$0x109F0];
	_ =	sdelay $0x4  }
0x2b3: {  	[tilespmem:$0x1F4D0] =	vst v0;
	v0 =	vld [tilespmem:s18+$0x109E0];
	_ =	sdelay $0x4  }
0x2b4: {  	[tilespmem:$0x1F4E0] =	vst v0;
	v0 =	vld [tilespmem:s18+$0x10970];
	_ =	sdelay $0x4  }
0x2b5: {  	[tilespmem:$0x1F4F0] =	vst v0;
	v0 =	vld [tilespmem:s18+$0x109A0];
	_ =	sdelay $0x4  }
0x2b6: {  	[tilespmem:$0x1F500] =	vst v0;
	v0 =	vld [tilespmem:s18+$0x10930];
	_ =	sdelay $0x4  }
0x2b7: {  	[tilespmem:$0x1F560] =	vst v0;
	v0 =	vld [tilespmem:s18+$0x10960];
	_ =	sdelay $0x4  }
0x2b8: {  	[tilespmem:$0x1F520] =	vst v0;
	v0 =	vld [tilespmem:s18+$0x10980];
	_ =	sdelay $0x4  }
0x2b9: {  	[tilespmem:$0x1F510] =	vst v0;
	v0 =	vld [tilespmem:s18+$0x108F0];
	_ =	sdelay $0x4  }
0x2ba: {  	[tilespmem:$0x1F5B0] =	vst v0;
	v0 =	vld [tilespmem:s18+$0x10920];
	_ =	sdelay $0x4  }
0x2bb: {  	[tilespmem:$0x1F550] =	vst v0;
	v0 =	vld [tilespmem:s18+$0x930]  }
0x2bc: {  	v18 =	vld [tilespmem:s18+$0x109B0]  }
0x2bd: {  	v14 =	vld [tilespmem:s18+$0x9F0]  }
0x2be: {  	v62 =	vld [tilespmem:s18+$0x89F0]  }
0x2bf: {  	v20 =	vld [tilespmem:s18+$0x9B0]  }
0x2c0: {  	[tilespmem:$0x1F530] =	vst v0;
	v0 =	vld [tilespmem:s18+$0x8930]  }
0x2c1: {  	v22 =	vld [tilespmem:s18+$0x89B0]  }
0x2c2: {  	v24 =	vld [tilespmem:s18+$0x109C0]  }
0x2c3: {  	v15 =	vld [tilespmem:s18+$0x109D0]  }
0x2c4: {  	v30 =	vld [tilespmem:s18+$0x9E0]  }
0x2c5: {  	[tilespmem:$0x1F540] =	vst v0;
	v0 =	vld [tilespmem:s18+$0x108B0]  }
0x2c6: {  	v34 =	vld [tilespmem:s18+$0x89E0]  }
0x2c7: {  	v31 =	vld [tilespmem:s18+$0x970]  }
0x2c8: {  	v36 =	vld [tilespmem:s18+$0x8970]  }
0x2c9: {  	v45 =	vld [tilespmem:s18+$0x10990]  }
0x2ca: {  	[tilespmem:$0x1F5E0] =	vst v0;
	v0 =	vld [tilespmem:s18+$0x108E0]  }
0x2cb: {  	v29 =	vld [tilespmem:s18+$0x9A0]  }
0x2cc: {  	v33 =	vld [tilespmem:s18+$0x89A0]  }
0x2cd: {  	v39 =	vld [tilespmem:s18+$0x9C0]  }
0x2ce: {  	v47 =	vld [tilespmem:s18+$0x89C0]  }
0x2cf: {  	[tilespmem:$0x1F5A0] =	vst v0;
	v0 =	vld [tilespmem:s18+$0x8F0]  }
0x2d0: {  	v50 =	vld [tilespmem:s18+$0x9D0]  }
0x2d1: {  	v54 =	vld [tilespmem:s18+$0x89D0]  }
0x2d2: {  	v12 =	vld [tilespmem:s18+$0x10940]  }
0x2d3: {  	v19 =	vld [tilespmem:s18+$0x10950]  }
0x2d4: {  	[tilespmem:$0x1F580] =	vst v0;
	v0 =	vld [tilespmem:s18+$0x88F0]  }
0x2d5: {  	v48 =	vld [tilespmem:s18+$0x960]  }
0x2d6: {  	v57 =	vld [tilespmem:s18+$0x8960]  }
0x2d7: {  	v52 =	vld [tilespmem:s18+$0x980]  }
0x2d8: {  	v38 =	vld [tilespmem:s18+$0x8980]  }
0x2d9: {  	[tilespmem:$0x1F590] =	vst v0;
	v0 =	vld [tilespmem:s18+$0x10870]  }
0x2da: {  	v58 =	vld [tilespmem:s18+$0x990]  }
0x2db: {  	v11 =	vld [tilespmem:s18+$0x8990]  }
0x2dc: {  	v41 =	vld [tilespmem:s18+$0x10900]  }
0x2dd: {  	v42 =	vld [tilespmem:s18+$0x10910]  }
0x2de: {  	[tilespmem:$0x1F670] =	vst v0;
	v0 =	vld [tilespmem:s18+$0x108A0]  }
0x2df: {  	v7 =	vld [tilespmem:s18+$0x940]  }
0x2e0: {  	v6 =	vld [tilespmem:s18+$0x8940]  }
0x2e1: {  	v8 =	vld [tilespmem:s18+$0x10830]  }
0x2e2: {  	v5 =	vld [tilespmem:s18+$0x950]  }
0x2e3: {  	[tilespmem:$0x1F680] =	vst v0;
	v0 =	vld [tilespmem:s18+$0x8B0]  }
0x2e4: {  	v4 =	vld [tilespmem:s18+$0x8950]  }
0x2e5: {  	v3 =	vld [tilespmem:s18+$0x900]  }
0x2e6: {  	[tilespmem:$0x1F690] =	vst v8;
	v8 =	vld [tilespmem:s18+$0x10860]  }
0x2e7: {  	v20 =	vmul.f32 v22, v20;
	v22 =	vld [tilespmem:s18+$0x10760]  }
0x2e8: {  	[tilespmem:$0x1F5C0] =	vst v0;
	v0 =	vld [tilespmem:s18+$0x88B0]  }
0x2e9: {  	v2 =	vld [tilespmem:s18+$0x8900]  }
0x2ea: {  	v14 =	vmul.f32 v62, v14;
	v62 =	vmul.f32 v18, v20;
	v18 =	vld [tilespmem:$0x1F4D0]  }
0x2eb: {  	[tilespmem:$0x1F6C0] =	vst v8;
	v8 =	vld [tilespmem:s18+$0x870]  }
0x2ec: {  	[tilespmem:$0x1F810] =	vst v22;
	v22 =	vmul.f32 v34, v30;
	v30 =	vld [tilespmem:s18+$0x770]  }
0x2ed: {  	[tilespmem:$0x1F5D0] =	vst v0;
	v0 =	vld [tilespmem:s18+$0x108C0]  }
0x2ee: {  	v1 =	vld [tilespmem:s18+$0x910]  }
0x2ef: {  	v14 =	vmul.f32 v18, v14;
	v18 =	vld [tilespmem:s18+$0x8770]  }
0x2f0: {  	[tilespmem:$0x1F5F0] =	vst v8;
	v8 =	vld [tilespmem:s18+$0x8870]  }
0x2f1: {  	[tilespmem:$0x1F7D0] =	vst v30;
	v30 =	vmul.f32 v54, v50;
	v54 =	vld [tilespmem:$0x1F4F0]  }
0x2f2: {  	[tilespmem:$0x1F570] =	vst v0;
	v0 =	vld [tilespmem:s18+$0x8910]  }
0x2f3: {  	v11 =	vmul.f32 v11, v58;
	v15 =	vmul.f32 v15, v30;
	v30 =	vld [tilespmem:$0x1F500]  }
0x2f4: {  	v53 =	vld [tilespmem:s18+$0x920];
	v6 =	vmul.f32 v6, v7;
	[tilespmem:$0x1F7E0] =	vst v18;
	v18 =	vmul.f32 v36, v31  }
0x2f5: {  	v4 =	vmul.f32 v4, v5;
	v2 =	vmul.f32 v2, v3;
	v5 =	vld [tilespmem:$0x1F510]  }
0x2f6: {  	v20 =	vld [tilespmem:$0x1F4E0];
	v36 =	vmul.f32 v54, v18;
	v18 =	vmul.f32 v33, v29  }
0x2f7: {  	v6 =	vmul.f32 v12, v6;
	[tilespmem:$0x1F600] =	vst v8;
	v8 =	vld [tilespmem:s18+$0x10880];
	v0 =	vmul.f32 v0, v1  }
0x2f8: {  	v56 =	vld [tilespmem:s18+$0x8920];
	v33 =	vmul.f32 v30, v18;
	v30 =	vmul.f32 v38, v52  }
0x2f9: {  	v2 =	vmul.f32 v41, v2;
	v12 =	vld [tilespmem:$0x1F520];
	v0 =	vmul.f32 v42, v0  }
0x2fa: {  	v7 =	vmul.f32 v45, v11;
	v5 =	vmul.f32 v5, v30  }
0x2fb: {  	v22 =	vmul.f32 v20, v22;
	v20 =	vmul.f32 v47, v39;
	v0 =	vadd.f32 v0, v2;
	v2 =	vld [tilespmem:$0x1F550]  }
0x2fc: {  	v4 =	vmul.f32 v19, v4;
	v29 =	vmul.f32 v57, v48;
	[tilespmem:$0x1F630] =	vst v8;
	v8 =	vld [tilespmem:s18+$0x10890];
	v5 =	vadd.f32 v7, v5  }
0x2fd: {  	v3 =	vmul.f32 v56, v53;
	v24 =	vmul.f32 v24, v20  }
0x2fe: {  	v4 =	vadd.f32 v4, v6;
	v6 =	vld [tilespmem:s18+$0x10740];
	v12 =	vmul.f32 v12, v29;
	v5 =	vadd.f32 v33, v5  }
0x2ff: {  	v15 =	vadd.f32 v15, v24  }
0x300: {  	v28 =	vld [tilespmem:s18+$0x8E0];
	v2 =	vmul.f32 v2, v3;
	v3 =	vadd.f32 v12, v4;
	v4 =	vadd.f32 v62, v5  }
0x301: {  	[tilespmem:$0x1F640] =	vst v8;
	v8 =	vld [tilespmem:s18+$0x8A0]  }
0x302: {  	v59 =	vld [tilespmem:s18+$0x8C0];
	v15 =	vadd.f32 v22, v15;
	v5 =	vperm.xlane v4, v21  }
0x303: {  	[tilespmem:$0x1F820] =	vst v6;
	v6 =	vld [tilespmem:$0x1F530]  }
0x304: {  	v1 =	vadd.f32 v14, v15;
	v15 =	vadd.f32 v4, v5;
	v4 =	vld [tilespmem:s18+$0x106E0]  }
0x305: {  	v7 =	vld [tilespmem:$0x1F540]  }
0x306: {  	[tilespmem:$0x1F610] =	vst v8;
	v8 =	vld [tilespmem:s18+$0x88A0]  }
0x307: {  	v10 =	vld [tilespmem:s18+$0x88C0]  }
0x308: {  	v13 =	vld [tilespmem:s18+$0x88E0]  }
0x309: {  	[tilespmem:$0x1F840] =	vst v4;
	v4 =	vld [tilespmem:$0x1F570]  }
0x30a: {  	v9 =	vld [tilespmem:s18+$0x8D0];
	v6 =	vmul.f32 v7, v6;
	v7 =	vperm.xlane v1, v21  }
0x30b: {  	[tilespmem:$0x1F620] =	vst v8;
	v8 =	vld [tilespmem:s18+$0x88D0]  }
0x30c: {  	v1 =	vadd.f32 v1, v7;
	v7 =	vmul.f32 v10, v59;
	v0 =	vadd.f32 v2, v0;
	v2 =	vld [tilespmem:$0x1F560]  }
0x30d: {  	v5 =	vld [tilespmem:$0x1F590]  }
0x30e: {  	v7 =	vmul.f32 v4, v7;
	v4 =	vld [tilespmem:$0x1F580];
	_ =	sdelay $0x2  }
0x30f: {  	v61 =	vld [tilespmem:s18+$0x108D0]  }
0x310: {  	v8 =	vmul.f32 v8, v9;
	v2 =	vmul.f32 v2, v6  }
0x311: {  	v9 =	vmul.f32 v13, v28;
	v13 =	vmul.f32 v5, v4;
	v4 =	vld [tilespmem:$0x1F5A0]  }
0x312: {  	v0 =	vadd.f32 v2, v0;
	_ =	sdelay $0x1  }
0x313: {  	v8 =	vmul.f32 v61, v8;
	v10 =	vperm.xlane v0, v21;
	_ =	sdelay $0x1  }
0x314: {  	v7 =	vadd.f32 v8, v7;
	v8 =	vmul.f32 v4, v9;
	v9 =	vadd.f32 v0, v10;
	v0 =	vld [tilespmem:s18+$0x10700];
	_ =	sdelay $0x4  }
0x315: {  	[tilespmem:$0x1F850] =	vst v0;
	v0 =	vld [tilespmem:s18+$0x10710];
	_ =	sdelay $0x2  }
0x316: {  	v16 =	vld [tilespmem:s18+$0x107F0];
	v3 =	vadd.f32 v36, v3  }
0x317: {  	v27 =	vld [tilespmem:s18+$0x880]  }
0x318: {  	v2 =	vperm.xlane v3, v21;
	[tilespmem:$0x1F860] =	vst v0;
	v0 =	vld [tilespmem:$0x1F5B0]  }
0x319: {  	v37 =	vld [tilespmem:s18+$0x8880]  }
0x31a: {  	v40 =	vld [tilespmem:s18+$0x890];
	v3 =	vadd.f32 v3, v2;
	v2 =	vperm.xlane v15, v23  }
0x31b: {  	v43 =	vld [tilespmem:s18+$0x8890];
	v6 =	vperm.xlane v1, v23  }
0x31c: {  	v28 =	vadd.f32 v15, v2;
	v2 =	vld [tilespmem:$0x1F5D0]  }
0x31d: {  	v29 =	vadd.f32 v1, v6;
	v6 =	vmul.f32 v0, v13;
	v0 =	vld [tilespmem:$0x1F5C0]  }
0x31e: {  	v63 =	vld [tilespmem:s18+$0x820]  }
0x31f: {  	v46 =	vld [tilespmem:s18+$0x8820]  }
0x320: {  	[tilespmem:$0x1F780] =	vst v16;
	v16 =	vld [tilespmem:s18+$0x10820]  }
0x321: {  	v32 =	vld [tilespmem:s18+$0x8840]  }
0x322: {  	v35 =	vld [tilespmem:s18+$0x850];
	v1 =	vadd.f32 v8, v7;
	v8 =	vmul.f32 v2, v0;
	v0 =	vperm.xlane v28, v26  }
0x323: {  	v25 =	vld [tilespmem:s18+$0x8850]  }
0x324: {  	[tilespmem:$0x1F870] =	vst v0;
	v0 =	vld [tilespmem:$0x1F5E0]  }
0x325: {  	[tilespmem:$0x1F6F0] =	vst v16;
	v16 =	vld [tilespmem:s18+$0x830];
	v10 =	vperm.xlane v3, v23  }
0x326: {  	v17 =	vld [tilespmem:s18+$0x10770]  }
0x327: {  	v60 =	vld [tilespmem:s18+$0x87E0];
	v7 =	vperm.xlane v9, v23;
	v34 =	vadd.f32 v3, v10  }
0x328: {  	v49 =	vld [tilespmem:s18+$0x8800]  }
0x329: {  	v51 =	vld [tilespmem:s18+$0x810];
	v9 =	vadd.f32 v9, v7;
	v13 =	vmul.f32 v0, v8;
	v0 =	vperm.xlane v34, v26  }
0x32a: {  	[tilespmem:$0x1F650] =	vst v16;
	v16 =	vld [tilespmem:s18+$0x8830]  }
0x32b: {  	v44 =	vld [tilespmem:s18+$0x10730];
	[tilespmem:$0x1F880] =	vst v0;
	v0 =	vperm.xlane v9, v26  }
0x32c: {  	v6 =	vadd.f32 v6, v1;
	v1 =	vld [tilespmem:$0x1F600]  }
0x32d: {  	[tilespmem:$0x1F890] =	vst v0;
	v0 =	vld [tilespmem:$0x1F5F0]  }
0x32e: {  	v55 =	vld [tilespmem:s18+$0x8810]  }
0x32f: {  	[tilespmem:$0x1F660] =	vst v16;
	v16 =	vld [tilespmem:s18+$0x10840]  }
0x330: {  	[tilespmem:$0x1F7F0] =	vst v17;
	v17 =	vld [tilespmem:s18+$0x107A0]  }
0x331: {  	[tilespmem:$0x1F800] =	vst v44;
	v44 =	vld [tilespmem:s18+$0x7A0]  }
0x332: {  	v59 =	vmul.f32 v43, v40;
	v40 =	vmul.f32 v1, v0;
	v0 =	vld [tilespmem:$0x1F610]  }
0x333: {  	v1 =	vld [tilespmem:$0x1F620]  }
0x334: {  	[tilespmem:$0x1F6D0] =	vst v16;
	v16 =	vld [tilespmem:s18+$0x10850]  }
0x335: {  	v53 =	vld [tilespmem:s18+$0x8790]  }
0x336: {  	v27 =	vmul.f32 v37, v27;
	v37 =	vld [tilespmem:s18+$0x6B0]  }
0x337: {  	v46 =	vmul.f32 v46, v63;
	v63 =	vld [tilespmem:s18+$0x8700]  }
0x338: {  	v61 =	vmul.f32 v1, v0;
	v0 =	vld [tilespmem:$0x1F630]  }
0x339: {  	[tilespmem:$0x1F6E0] =	vst v16;
	v16 =	vld [tilespmem:s18+$0x860]  }
0x33a: {  	v11 =	vld [tilespmem:s18+$0x87D0]  }
0x33b: {  	[tilespmem:$0x1F7B0] =	vst v17;
	v17 =	vld [tilespmem:s18+$0x7B0]  }
0x33c: {  	v45 =	vld [tilespmem:s18+$0x760]  }
0x33d: {  	v27 =	vmul.f32 v0, v27;
	v0 =	vld [tilespmem:$0x1F640]  }
0x33e: {  	[tilespmem:$0x1F6A0] =	vst v16;
	v16 =	vld [tilespmem:s18+$0x8860]  }
0x33f: {  	v19 =	vld [tilespmem:s18+$0x8780]  }
0x340: {  	[tilespmem:$0x1F790] =	vst v17;
	v17 =	vld [tilespmem:s18+$0x87B0]  }
0x341: {  	v1 =	vld [tilespmem:$0x1F660]  }
0x342: {  	v62 =	vmul.f32 v0, v59;
	v0 =	vld [tilespmem:$0x1F650]  }
0x343: {  	[tilespmem:$0x1F6B0] =	vst v16;
	v16 =	vld [tilespmem:s18+$0x107B0]  }
0x344: {  	v50 =	vld [tilespmem:s18+$0x10790]  }
0x345: {  	v47 =	vld [tilespmem:s18+$0x730];
	v8 =	vperm.xlane v6, v21  }
0x346: {  	v31 =	vld [tilespmem:s18+$0x10780]  }
0x347: {  	v57 =	vadd.f32 v6, v8;
	v8 =	vmul.f32 v1, v0;
	v0 =	vld [tilespmem:$0x1F670]  }
0x348: {  	[tilespmem:$0x1F7C0] =	vst v16;
	v16 =	vld [tilespmem:s18+$0x107E0]  }
0x349: {  	v20 =	vld [tilespmem:s18+$0x87A0]  }
0x34a: {  	[tilespmem:$0x1F7A0] =	vst v17;
	v17 =	vld [tilespmem:s18+$0x107C0]  }
0x34b: {  	v24 =	vld [tilespmem:s18+$0x10630]  }
0x34c: {  	v58 =	vmul.f32 v0, v40;
	v0 =	vld [tilespmem:$0x1F680]  }
0x34d: {  	[tilespmem:$0x1F770] =	vst v16;
	v16 =	vld [tilespmem:s18+$0x7F0]  }
0x34e: {  	v54 =	vld [tilespmem:s18+$0x7C0]  }
0x34f: {  	v48 =	vld [tilespmem:s18+$0x10720]  }
0x350: {  	v22 =	vld [tilespmem:s18+$0x86F0]  }
0x351: {  	v43 =	vmul.f32 v0, v61;
	v0 =	vld [tilespmem:s18+$0x106C0]  }
0x352: {  	[tilespmem:$0x1F750] =	vst v16;
	v16 =	vld [tilespmem:s18+$0x87F0]  }
0x353: {  	v44 =	vmul.f32 v20, v44;
	v20 =	vld [tilespmem:s18+$0x86A0]  }
0x354: {  	[tilespmem:$0x1F730] =	vst v17;
	v17 =	vld [tilespmem:s18+$0x107D0]  }
0x355: {  	v18 =	vld [tilespmem:s18+$0x87C0]  }
0x356: {  	[tilespmem:$0x1FDC0] =	vst v0;
	v0 =	vld [tilespmem:$0x1F690]  }
0x357: {  	[tilespmem:$0x1F760] =	vst v16;
	v16 =	vld [tilespmem:s18+$0x10800]  }
0x358: {  	v38 =	vld [tilespmem:s18+$0x7D0]  }
0x359: {  	[tilespmem:$0x1F740] =	vst v17;
	v17 =	vld [tilespmem:s18+$0x7E0]  }
0x35a: {  	v1 =	vld [tilespmem:$0x1F6B0]  }
0x35b: {  	v61 =	vmul.f32 v0, v8;
	v0 =	vld [tilespmem:$0x1F6A0]  }
0x35c: {  	[tilespmem:$0x1F700] =	vst v16;
	v16 =	vld [tilespmem:s18+$0x10810]  }
0x35d: {  	v52 =	vld [tilespmem:s18+$0x790]  }
0x35e: {  	v11 =	vmul.f32 v11, v38;
	v38 =	vld [tilespmem:s18+$0x660]  }
0x35f: {  	[tilespmem:$0x1F720] =	vst v17;
	v17 =	vld [tilespmem:s18+$0x800]  }
0x360: {  	v41 =	vmul.f32 v1, v0;
	v0 =	vld [tilespmem:s18+$0x106D0]  }
0x361: {  	[tilespmem:$0x1F710] =	vst v16;
	v16 =	vld [tilespmem:s18+$0x840]  }
0x362: {  	v8 =	vld [tilespmem:$0x1F720]  }
0x363: {  	v30 =	vld [tilespmem:s18+$0x8730]  }
0x364: {  	v12 =	vld [tilespmem:s18+$0x780]  }
0x365: {  	[tilespmem:$0x1FDF0] =	vst v0;
	v0 =	vld [tilespmem:$0x1F6C0]  }
0x366: {  	v33 =	vld [tilespmem:s18+$0x6F0]  }
0x367: {  	v32 =	vmul.f32 v32, v16;
	v16 =	vmul.f32 v60, v8;
	v8 =	vld [tilespmem:$0x1F730]  }
0x368: {  	v14 =	vld [tilespmem:s18+$0x10750]  }
0x369: {  	v18 =	vmul.f32 v18, v54;
	v54 =	vld [tilespmem:$0x1F760];
	v12 =	vmul.f32 v19, v12  }
0x36a: {  	v19 =	vmul.f32 v53, v52;
	v36 =	vmul.f32 v0, v41;
	v0 =	vld [tilespmem:$0x1F6D0]  }
0x36b: {  	v42 =	vld [tilespmem:s18+$0x750];
	v12 =	vmul.f32 v31, v12  }
0x36c: {  	v19 =	vmul.f32 v50, v19;
	v18 =	vmul.f32 v8, v18;
	v8 =	vld [tilespmem:$0x1F740]  }
0x36d: {  	[tilespmem:$0x1F830] =	vst v14;
	v14 =	vld [tilespmem:s18+$0x8760]  }
0x36e: {  	v12 =	vadd.f32 v19, v12;
	v19 =	vld [tilespmem:$0x1F7B0]  }
0x36f: {  	v32 =	vmul.f32 v0, v32;
	v0 =	vld [tilespmem:$0x1F6E0]  }
0x370: {  	v15 =	vld [tilespmem:s18+$0x8740]  }
0x371: {  	v11 =	vmul.f32 v8, v11;
	v8 =	vld [tilespmem:$0x1F750]  }
0x372: {  	v25 =	vmul.f32 v25, v35;
	v4 =	vld [tilespmem:s18+$0x720]  }
0x373: {  	v18 =	vadd.f32 v11, v18;
	v11 =	vld [tilespmem:$0x1F780]  }
0x374: {  	v3 =	vld [tilespmem:s18+$0x8720];
	v25 =	vmul.f32 v0, v25  }
0x375: {  	v10 =	vld [tilespmem:s18+$0x8750]  }
0x376: {  	v7 =	vld [tilespmem:s18+$0x740];
	v25 =	vadd.f32 v25, v32;
	v32 =	vmul.f32 v54, v8  }
0x377: {  	v8 =	vld [tilespmem:$0x1F770]  }
0x378: {  	v19 =	vmul.f32 v19, v44;
	v32 =	vmul.f32 v11, v32;
	v11 =	vld [tilespmem:s18+$0x10680]  }
0x379: {  	v31 =	vld [tilespmem:$0x1F7A0]  }
0x37a: {  	v12 =	vadd.f32 v19, v12;
	v19 =	vld [tilespmem:$0x1F7C0]  }
0x37b: {  	v5 =	vld [tilespmem:s18+$0x6E0];
	v3 =	vmul.f32 v3, v4;
	v4 =	vmul.f32 v15, v7  }
0x37c: {  	v7 =	vmul.f32 v10, v42;
	v42 =	vld [tilespmem:s18+$0x8690];
	v16 =	vmul.f32 v8, v16  }
0x37d: {  	[tilespmem:$0x1FF30] =	vst v11;
	v11 =	vld [tilespmem:$0x1F790]  }
0x37e: {  	v2 =	vld [tilespmem:s18+$0x86E0];
	v16 =	vadd.f32 v16, v18  }
0x37f: {  	v15 =	vmul.f32 v48, v3;
	v48 =	vld [tilespmem:s18+$0x8600];
	v27 =	vadd.f32 v62, v27  }
0x380: {  	v3 =	vld [tilespmem:$0x1F820];
	v16 =	vadd.f32 v32, v16  }
0x381: {  	v10 =	vmul.f32 v22, v33;
	v40 =	vld [tilespmem:s18+$0x86B0];
	v27 =	vadd.f32 v43, v27  }
0x382: {  	v33 =	vld [tilespmem:s18+$0x8610];
	v60 =	vperm.xlane v16, v21;
	v31 =	vmul.f32 v31, v11  }
0x383: {  	v2 =	vmul.f32 v2, v5;
	v5 =	vld [tilespmem:$0x1F850];
	v27 =	vadd.f32 v13, v27;
	v13 =	vmul.f32 v49, v17  }
0x384: {  	v6 =	vld [tilespmem:$0x1F700];
	v17 =	vmul.f32 v55, v51;
	v16 =	vadd.f32 v16, v60;
	v51 =	vmul.f32 v19, v31  }
0x385: {  	v62 =	vld [tilespmem:s18+$0x630]  }
0x386: {  	v22 =	vmul.f32 v40, v37;
	v40 =	vld [tilespmem:s18+$0x610];
	v32 =	vadd.f32 v51, v12;
	v12 =	vperm.xlane v16, v23  }
0x387: {  	v41 =	vperm.xlane v27, v21;
	v0 =	vld [tilespmem:$0x1F6F0]  }
0x388: {  	v44 =	vadd.f32 v16, v12;
	v16 =	vmul.f32 v30, v47;
	v30 =	vmul.f32 v14, v45;
	v14 =	vld [tilespmem:$0x1F800]  }
0x389: {  	v1 =	vld [tilespmem:s18+$0x700]  }
0x38a: {  	v27 =	vadd.f32 v27, v41;
	v41 =	vld [tilespmem:s18+$0x8630]  }
0x38b: {  	v25 =	vadd.f32 v36, v25;
	v36 =	vld [tilespmem:s18+$0x670]  }
0x38c: {  	v35 =	vmul.f32 v0, v46;
	v46 =	vmul.f32 v6, v13;
	v6 =	vld [tilespmem:$0x1F710]  }
0x38d: {  	v14 =	vmul.f32 v14, v16;
	v16 =	vld [tilespmem:$0x1F810]  }
0x38e: {  	v0 =	vld [tilespmem:s18+$0x710];
	v25 =	vadd.f32 v58, v25  }
0x38f: {  	v13 =	vld [tilespmem:s18+$0x10620]  }
0x390: {  	v8 =	vld [tilespmem:s18+$0x8670];
	v58 =	vperm.xlane v25, v21  }
0x391: {  	v18 =	vld [tilespmem:s18+$0x6A0];
	v17 =	vmul.f32 v6, v17  }
0x392: {  	v25 =	vadd.f32 v25, v58;
	v16 =	vmul.f32 v16, v30;
	v30 =	vmul.f32 v3, v4;
	v4 =	vld [tilespmem:$0x1F840]  }
0x393: {  	v6 =	vld [tilespmem:s18+$0x8710]  }
0x394: {  	v17 =	vadd.f32 v17, v46;
	v46 =	vld [tilespmem:s18+$0x6D0];
	v50 =	vperm.xlane v25, v23  }
0x395: {  	v39 =	vperm.xlane v29, v26;
	v1 =	vmul.f32 v63, v1;
	v11 =	vld [tilespmem:s18+$0x86C0]  }
0x396: {  	v17 =	vadd.f32 v35, v17;
	v43 =	vadd.f32 v25, v50;
	v25 =	vld [tilespmem:s18+$0x10610]  }
0x397: {  	v2 =	vmul.f32 v4, v2;
	v4 =	vadd.f32 v29, v39;
	v29 =	vmul.f32 v5, v1;
	v1 =	vld [tilespmem:$0x1F860]  }
0x398: {  	v50 =	vld [tilespmem:s18+$0x8620]  }
0x399: {  	v59 =	vperm.xlane v57, v23;
	v56 =	vadd.f32 v61, v17;
	v61 =	vld [tilespmem:s18+$0x6C0]  }
0x39a: {  	v0 =	vmul.f32 v6, v0;
	v19 =	vld [tilespmem:s18+$0x10600]  }
0x39b: {  	v17 =	vadd.f32 v57, v59;
	v57 =	vld [tilespmem:$0x1F7D0]  }
0x39c: {  	v52 =	vperm.xlane v56, v21;
	v37 =	vmul.f32 v1, v0;
	v0 =	vld [tilespmem:$0x1F870]  }
0x39d: {  	v59 =	vld [tilespmem:$0x1F7E0]  }
0x39e: {  	v53 =	vadd.f32 v56, v52;
	v56 =	vld [tilespmem:s18+$0x86D0]  }
0x39f: {  	v12 =	vld [tilespmem:$0x1F7F0]  }
0x3a0: {  	v55 =	vperm.xlane v27, v23;
	v3 =	vld [tilespmem:$0x1F830]  }
0x3a1: {  	v5 =	vadd.f32 v28, v0;
	v0 =	vld [tilespmem:$0x1F880]  }
0x3a2: {  	v27 =	vadd.f32 v27, v55;
	v45 =	vld [tilespmem:s18+$0x8660]  }
0x3a3: {  	v47 =	vld [tilespmem:s18+$0x680];
	v35 =	vmul.f32 v59, v57  }
0x3a4: {  	v55 =	vperm.xlane v27, v26;
	v60 =	vperm.xlane v32, v21;
	v52 =	vld [tilespmem:s18+$0x8680]  }
0x3a5: {  	v57 =	vld [tilespmem:s18+$0x690];
	v49 =	vperm.xlane v53, v23;
	v12 =	vmul.f32 v12, v35  }
0x3a6: {  	p0 =	sne.s32 s20, $0x1F000;
	v35 =	vadd.f32 v32, v60;
	v32 =	vmul.f32 v3, v7;
	v7 =	vadd.f32 v34, v0;
	v0 =	vld [tilespmem:$0x1F890]  }
.Ltmp0:
0x3a7: {  	v58 =	vperm.xlane v43, v26;
	v54 =	vperm.xlane v17, v26;
	v31 =	vadd.f32 v53, v49;
	v49 =	vld [tilespmem:s18+$0x620];
	(pc) =	sbr.rel @p0 .LBB2_2-.Ltmp0, $4  }
0x3a8: {  	v59 =	vperm.xlane v44, v26;
	v60 =	vld [tilespmem:s18+$0x600];
	v3 =	vmul.f32 v41, v62  }
0x3a9: {  	v51 =	vperm.xlane v31, v26;
	v53 =	vperm.xlane v35, v23;
	v23 =	vld [tilespmem:s18+$0x650]  }
0x3aa: {  	v26 =	vmul.f32 v8, v36;
	v39 =	vld [tilespmem:s18+$0x640];
	v24 =	vmul.f32 v24, v3  }
0x3ab: {  	s20 =	sadd.s32 $0x1000, s20;
	v3 =	vmul.f32 v56, v46;
	v1 =	vmul.f32 v11, v61;
	v28 =	vld [tilespmem:s18+$0x8640];
	v9 =	vadd.f32 v9, v0  }
0x3ac: {  	v6 =	vld [tilespmem:s18+$0x8650]  }
0x3ad: {  	v0 =	vmul.f32 v50, v49;
	v49 =	vld [tilespmem:s18+$0x10640]  }
0x3ae: {  	v50 =	vld [tilespmem:$0x1FDC0]  }
0x3af: {  	v8 =	vmul.f32 v20, v18;
	v11 =	vadd.f32 v17, v54;
	v54 =	vld [tilespmem:$0x1FDF0];
	v56 =	vmul.f32 v45, v38  }
0x3b0: {  	v18 =	vadd.f32 v27, v55;
	v55 =	vld [tilespmem:s18+$0x10650];
	v61 =	vmul.f32 v52, v47;
	v34 =	vmul.f32 v42, v57  }
0x3b1: {  	v21 =	vadd.f32 v43, v58;
	v36 =	vld [tilespmem:s18+$0x10690];
	v33 =	vmul.f32 v33, v40;
	v62 =	vmul.f32 v48, v60  }
0x3b2: {  	v31 =	vadd.f32 v31, v51;
	v41 =	vadd.f32 v44, v59;
	v47 =	vld [tilespmem:$0x1FF30];
	v0 =	vmul.f32 v13, v0  }
0x3b3: {  	v63 =	vld [tilespmem:s18+$0x10660];
	v30 =	vadd.f32 v32, v30;
	v25 =	vmul.f32 v25, v33;
	v19 =	vmul.f32 v19, v62  }
0x3b4: {  	v43 =	vld [tilespmem:s18+$0x106A0];
	v45 =	vadd.f32 v35, v53;
	v28 =	vmul.f32 v28, v39;
	v6 =	vmul.f32 v6, v23  }
0x3b5: {  	v44 =	vld [tilespmem:s18+$0x10670];
	v29 =	vadd.f32 v37, v29;
	v1 =	vmul.f32 v50, v1;
	v3 =	vmul.f32 v54, v3  }
0x3b6: {  	v46 =	vld [tilespmem:s18+$0x106B0];
	v16 =	vadd.f32 v16, v30;
	v17 =	vmul.f32 v49, v28;
	v6 =	vmul.f32 v55, v6  }
0x3b7: {  	v57 =	vadd.f32 v15, v29;
	v27 =	vmul.f32 v47, v61;
	v48 =	vmul.f32 v36, v34;
	v49 =	vld [tilespmem:s18+$0x106F0]  }
0x3b8: {  	v19 =	vadd.f32 v25, v19;
	v50 =	vmul.f32 v63, v56;
	v6 =	vadd.f32 v6, v17  }
0x3b9: {  	v60 =	vld [tilespmem:$0x1FFC0];
	v8 =	vmul.f32 v43, v8;
	v51 =	vadd.f32 v48, v27;
	v1 =	vadd.f32 v3, v1  }
0x3ba: {  	v58 =	vld [tilespmem:$0x1FFE0];
	v53 =	vmul.f32 v44, v26;
	v0 =	vadd.f32 v0, v19;
	v52 =	vadd.f32 v50, v6  }
0x3bb: {  	v13 =	vmul.f32 v46, v22;
	v8 =	vadd.f32 v8, v51;
	v1 =	vadd.f32 v2, v1  }
0x3bc: {  	v0 =	vadd.f32 v24, v0;
	v55 =	vmul.f32 v49, v10;
	v54 =	vadd.f32 v53, v52  }
0x3bd: {  	v12 =	vadd.f32 v12, v16;
	v24 =	vld [tilespmem:$0x1FFD0];
	v56 =	vadd.f32 v13, v8  }
0x3be: {  	v61 =	vperm.xlane v0, v60;
	v1 =	vadd.f32 v55, v1;
	v62 =	vperm.xlane v54, v60  }
0x3bf: {  	v59 =	vperm.xlane v45, v58;
	v8 =	vadd.f32 v14, v57;
	v63 =	vperm.xlane v56, v60  }
0x3c0: {  	v0 =	vadd.f32 v0, v61;
	v20 =	vperm.xlane v1, v60;
	v2 =	vadd.f32 v54, v62  }
0x3c1: {  	v23 =	vperm.xlane v12, v60;
	v22 =	vperm.xlane v8, v60;
	v3 =	vadd.f32 v56, v63  }
0x3c2: {  	v25 =	vperm.xlane v0, v24;
	v1 =	vadd.f32 v1, v20;
	v26 =	vperm.xlane v2, v24  }
0x3c3: {  	v28 =	vadd.f32 v12, v23;
	v6 =	vadd.f32 v8, v22;
	v27 =	vperm.xlane v3, v24  }
0x3c4: {  	v0 =	vadd.f32 v0, v25;
	v29 =	vperm.xlane v1, v24;
	v2 =	vadd.f32 v2, v26  }
0x3c5: {  	v36 =	vld [tilespmem:$0x1FFF0];
	v14 =	vperm.xlane v28, v24;
	v30 =	vperm.xlane v6, v24;
	v3 =	vadd.f32 v3, v27  }
0x3c6: {  	v15 =	vperm.xlane v0, v58;
	v1 =	vadd.f32 v1, v29;
	v16 =	vperm.xlane v2, v58  }
0x3c7: {  	v8 =	vadd.f32 v28, v14;
	v6 =	vadd.f32 v6, v30;
	v32 =	vperm.xlane v3, v58  }
0x3c8: {  	v0 =	vadd.f32 v0, v15;
	v34 =	vperm.xlane v1, v58;
	v2 =	vadd.f32 v2, v16  }
0x3c9: {  	v14 =	vperm.xlane v8, v58;
	v35 =	vperm.xlane v6, v58;
	v3 =	vadd.f32 v3, v32  }
0x3ca: {  	v15 =	vperm.xlane v0, v36;
	v1 =	vadd.f32 v1, v34;
	v16 =	vperm.xlane v2, v36  }
0x3cb: {  	v8 =	vadd.f32 v8, v14;
	v6 =	vadd.f32 v6, v35;
	v37 =	vperm.xlane v3, v36  }
0x3cc: {  	v0 =	vadd.f32 v0, v15;
	v38 =	vperm.xlane v1, v36;
	v2 =	vadd.f32 v2, v16  }
0x3cd: {  	v10 =	vadd.f32 v45, v59;
	v39 =	vperm.xlane v6, v36;
	v3 =	vadd.f32 v3, v37  }
0x3ce: {  	v40 =	vperm.xlane v8, v36;
	v1 =	vadd.f32 v1, v38;
	v0 =	vsel vm0, v0, v2  }
0x3cf: {  	v43 =	vperm.xlane v10, v36;
	v42 =	vadd.f32 v6, v39;
	v0 =	vsel vm1, v0, v3  }
0x3d0: {  	v45 =	vperm.xlane v41, v36;
	v44 =	vadd.f32 v8, v40;
	v0 =	vsel vm2, v0, v1  }
0x3d1: {  	v47 =	vperm.xlane v31, v36;
	v46 =	vadd.f32 v10, v43;
	v0 =	vsel vm3, v0, v42  }
0x3d2: {  	v49 =	vperm.xlane v21, v36;
	v48 =	vadd.f32 v41, v45;
	v0 =	vsel vm4, v0, v44  }
0x3d3: {  	v51 =	vperm.xlane v18, v36;
	v50 =	vadd.f32 v31, v47;
	v0 =	vsel vm5, v0, v46  }
0x3d4: {  	v52 =	vadd.f32 v21, v49;
	v53 =	vperm.xlane v11, v36;
	v0 =	vsel vm6, v0, v48  }
0x3d5: {  	v55 =	vperm.xlane v9, v36;
	v54 =	vadd.f32 v18, v51;
	v0 =	vsel vm7, v0, v50  }
0x3d6: {  	v57 =	vperm.xlane v7, v36;
	v56 =	vadd.f32 v11, v53;
	v0 =	vsel vm8, v0, v52  }
0x3d7: {  	v59 =	vperm.xlane v5, v36;
	v58 =	vadd.f32 v9, v55;
	v0 =	vsel vm9, v0, v54  }
0x3d8: {  	v61 =	vperm.xlane v4, v36;
	v60 =	vadd.f32 v7, v57;
	v0 =	vsel vm10, v0, v56  }
0x3d9: {  	v62 =	vadd.f32 v5, v59;
	v0 =	vsel vm11, v0, v58  }
0x3da: {  	v63 =	vadd.f32 v4, v61;
	v0 =	vsel vm12, v0, v60  }
0x3db: {  	s17 =	sadd.s32 $0x1, s17;
	v0 =	vsel vm13, v0, v62  }
0x3dc: {  	s20 =	sadd.s32 $0x10, s19;
	p0 =	sne.s32 s17, s9;
	v0 =	vsel vm14, v0, v63  }
.Ltmp1:
0x3dd: {  	[tilespmem:s20+$0x0] =	vst v0;
	(pc) =	sbr.rel @p0 .LBB2_1-.Ltmp1, $4  }
0x3de: {  	[hbm4b:s8+s1] =	stream.linear.scatter [tilespmem:s16], [sflag:$0x2], $0x200, $0x38;
	[tilespmem:$0x18800] =	vst v63  }
0x3df: {  	_ =	swait.ge [sflag:s10], $0x200  }
0x3e0: {  	[sflag:s10] =	ssyncset.done $0x0  }
0x3e1: {  	[sflag:s10] =	ssyncadd.s32 $0xFFFFFE00  }
0x3e2: {  	_ =	sfence.sel $0x180000  }
0x3e3: {  	[bflag:$0x0] =	sbarrier.arrive $0xFFFF  }
0x3e4: {  	_ =	strace $0x90000047  }
0x3e5: {  	s0 =	stileid.u32;
	[bflag:$0x2] =	sbarrier.arrive $0xFFFF  }
0x3e6: {  	p0 =	sne.s32 s0, $0x0;
	s0 =	rddreg [dreg:$0x5]  }
0x3e7: {  	s0 =	sadd.s32 @!p0 $0x100000, s0  }
0x3e8: {  	[sflag:s0] =	ssyncadd.tile.s32 @!p0 $0x1;
	_ =	shalt  }
.Lfunc_end2:
_tile_overlayer_lowered:
.L_overlay_start_2:
0x3e9: {  	(tag) =	ssettag $0x2  }
0x3ea: {  	s0 =	rddreg [dreg:$0x0];
	s2 =	stileid.u32  }
0x3eb: {  	s1 =	rddreg [dreg:$0x1];
	p0 =	sne.s32 s2, $0x0  }
0x3ec: {  	s3 =	rddreg [dreg:$0x2];
	[bflag:$0x3] =	sbarrier.arrive $0xFFFF;
	s2 =	simm.s32 @!p0 $0x1C02  }
0x3ed: {  	[timem:s3], [sflag:s2] =	dma.local @!p0 [hbm:s0], s1  }
0x3ee: {  	s0 =	simm.s32 @!p0 $0x2  }
0x3ef: {  	_ =	swait.ge @!p0 [sflag:s0], s1  }
0x3f0: {  	s1 =	ssub.s32 @!p0 $0x0, s1;
	[sflag:s0] =	ssyncset.done @!p0 $0x0  }
0x3f1: {  	[sflag:s0] =	ssyncadd.s32 @!p0 s1  }
0x3f2: {  	[bflag:$0x3] =	sbarrier.arrive $0xFFFF  }
0x3f3: {  	_ =	shalt  }

</sc_bundles>
